<compile_context>
chip_gen: v7x
topology: tpu7x:2x2x1
jax: 0.10.2.dev20260603
libtpu: 0.0.44.dev20260713+nightly
codegen_flags: <defaults>
</compile_context>

<pallas_src>
import functools

import jax
import jax.numpy as jnp
from jax import lax
from jax.experimental import pallas as pl
from jax.experimental.pallas import tpu as pltpu
from jax.experimental.pallas import tpu_sc as plsc

N_NODES = 10000
N_PAD = 10240
DUMMY = 10000
D = 128
N_EDGES = 320000
NW = 32
CHUNK = 128
CHUNKS_PW = 80
E_PW = CHUNK * CHUNKS_PW
E_PAD = NW * E_PW
ROWS_PT = N_PAD // 16
NG = 64
R = 1024
GRID_R = N_PAD // R

_sc_mesh = plsc.VectorSubcoreMesh(core_axis_name="c", subcore_axis_name="s")
_sc_params = pltpu.CompilerParams(needs_layout_passes=False)


@functools.partial(
    pl.kernel,
    out_type=jax.ShapeDtypeStruct((NW, N_PAD), jnp.float32),
    mesh=_sc_mesh,
    scratch_types=[
        pltpu.VMEM((E_PW,), jnp.int32),
        pltpu.VMEM((N_PAD,), jnp.float32),
    ],
    compiler_params=_sc_params,
)
def _sc_degree(dst_hbm, out_hbm, dst_v, deg_v):
    c = lax.axis_index("c")
    s = lax.axis_index("s")
    wid = s * 2 + c
    pltpu.sync_copy(dst_hbm.at[wid], dst_v)

    ones = jnp.ones((16,), jnp.float32)
    zeros = jnp.zeros((16,), jnp.float32)

    def zero_body(r, _):
        deg_v[pl.ds(r * 16, 16)] = zeros
        return 0
    lax.fori_loop(0, N_PAD // 16, zero_body, 0)

    def acc_body(r, _):
        idx = dst_v[pl.ds(r * 16, 16)]
        plsc.addupdate_scatter(deg_v, [idx], ones)
        return 0
    lax.fori_loop(0, E_PW // 16, acc_body, 0)

    pltpu.sync_copy(deg_v, out_hbm.at[wid])


NB = 2


@functools.partial(
    pl.kernel,
    out_type=jax.ShapeDtypeStruct((2, N_PAD, D), jnp.float32),
    mesh=_sc_mesh,
    scratch_types=[
        pltpu.VMEM((E_PW,), jnp.int32),
        pltpu.VMEM((NB, CHUNK), jnp.int32),
        pltpu.VMEM((NB, CHUNK, D), jnp.float32),
        pltpu.VMEM_SHARED((N_PAD, D), jnp.float32),
        pltpu.SemaphoreType.DMA,
        pltpu.SemaphoreType.DMA,
    ],
    compiler_params=_sc_params,
)
def _sc_aggregate(y_hbm, src_hbm, dst_hbm, out_hbm, src_v, dst_v, rows_v,
                  acc, sem0, sem1):
    c = lax.axis_index("c")
    s = lax.axis_index("s")
    wid = s * 2 + c
    sems = [sem0, sem1]
    pltpu.sync_copy(src_hbm.at[wid], src_v)

    def gdesc(j, b):
        rows = pltpu.make_async_copy(
            y_hbm.at[src_v.at[pl.ds(j * CHUNK, CHUNK)]], rows_v.at[b],
            sems[b])
        ids = pltpu.make_async_copy(dst_hbm.at[wid].at[j], dst_v.at[b],
                                    sems[b])
        return rows, ids

    zeros = jnp.zeros((16,), jnp.float32)

    def zrow(r, _):
        def zcol(cc, _):
            rows_v[0, r, pl.ds(cc * 16, 16)] = zeros
            return 0
        return lax.fori_loop(0, 8, zcol, 0)
    lax.fori_loop(0, CHUNK, zrow, 0)
    for k in range(ROWS_PT // CHUNK):
        pltpu.sync_copy(rows_v.at[0],
                        acc.at[pl.ds(s * ROWS_PT + k * CHUNK, CHUNK)])

    for b in range(NB):
        for d_ in gdesc(b, b):
            d_.start()
    plsc.subcore_barrier()

    @pl.loop(0, CHUNKS_PW, step=NB)
    def _(i):
        for b in range(NB):
            j = i + b
            for d_ in gdesc(j, b):
                d_.wait()
            pltpu.sync_copy(rows_v.at[b], acc.at[dst_v.at[b]], add=True)

            @pl.when(j + NB < CHUNKS_PW)
            def _():
                for d_ in gdesc(j + NB, b):
                    d_.start()

    plsc.subcore_barrier()
    pltpu.sync_copy(acc.at[pl.ds(s * ROWS_PT, ROWS_PT)],
                    out_hbm.at[c].at[pl.ds(s * ROWS_PT, ROWS_PT)])


def _layer1_body(x_ref, w_ref, dinv_ref, xw_ref, y_ref):
    xw = jnp.dot(x_ref[...], w_ref[...], preferred_element_type=jnp.float32)
    xw_ref[...] = xw
    y_ref[...] = dinv_ref[...] * xw


def _layer_body(xwp_ref, a0_ref, a1_ref, dinv_ref, dinv2_ref, b_ref, w_ref,
                xw_ref, y_ref):
    h = jax.nn.relu(dinv2_ref[...] * xwp_ref[...]
                    + dinv_ref[...] * (a0_ref[...] + a1_ref[...])
                    + b_ref[...])
    xw = jnp.dot(h, w_ref[...], preferred_element_type=jnp.float32)
    xw_ref[...] = xw
    y_ref[...] = dinv_ref[...] * xw


def _pool_body(xwp_ref, a0_ref, a1_ref, dinv_ref, dinv2_ref, b_ref,
               batch_ref, sums_ref, cnts_ref):
    i = pl.program_id(0)
    h = jax.nn.relu(dinv2_ref[...] * xwp_ref[...]
                    + dinv_ref[...] * (a0_ref[...] + a1_ref[...])
                    + b_ref[...])
    gids = lax.broadcasted_iota(jnp.int32, (1, NG), 1)
    mask = (batch_ref[...] == gids).astype(jnp.float32)
    part = lax.dot_general(mask, h, (((0,), (0,)), ((), ())),
                           preferred_element_type=jnp.float32,
                           precision=lax.Precision.HIGHEST)
    cpart = lax.dot_general(mask, jnp.ones_like(h), (((0,), (0,)), ((), ())),
                            preferred_element_type=jnp.float32,
                            precision=lax.Precision.HIGHEST)

    @pl.when(i == 0)
    def _():
        sums_ref[...] = part
        cnts_ref[...] = cpart

    @pl.when(i > 0)
    def _():
        sums_ref[...] += part
        cnts_ref[...] += cpart


def _head_body(sums_ref, cnts_ref, wh1_ref, bh1_ref, wh2_ref, bh2_ref,
               out_ref):
    g = sums_ref[...] / jnp.clip(cnts_ref[...], 1.0, None)
    z = jax.nn.relu(
        jnp.dot(g, wh1_ref[...], preferred_element_type=jnp.float32)
        + bh1_ref[...])
    out_ref[...] = (jnp.dot(z, wh2_ref[...], preferred_element_type=jnp.float32)
                    + bh2_ref[...])


def _row_spec(shape):
    return pl.BlockSpec(shape, lambda i: (i, 0))


def _full_spec(shape):
    return pl.BlockSpec(shape, lambda i: (0, 0))


def kernel(x, edge_index, edge_attr, batch, W1, b1, W2, b2, W3, b3,
           Wh1, bh1, Wh2, bh2):
    f32 = jnp.float32
    x_pad = jnp.pad(x.astype(f32), ((0, N_PAD - N_NODES), (0, 0)))
    src = edge_index[0].astype(jnp.int32)
    dst = edge_index[1].astype(jnp.int32)
    pad_ids = jnp.full((E_PAD - N_EDGES,), DUMMY, jnp.int32)
    src_w = jnp.concatenate([src, pad_ids]).reshape(NW, E_PW)
    dst_flat = jnp.concatenate([dst, pad_ids]).reshape(NW, E_PW)
    dst_w = dst_flat.reshape(NW, CHUNKS_PW, CHUNK)
    batch_pad = jnp.pad(batch.astype(jnp.int32), (0, N_PAD - N_NODES),
                        constant_values=NG).reshape(N_PAD, 1)

    deg = jnp.sum(_sc_degree(dst_flat), axis=0)[:N_NODES] + 1.0
    dinv_n = jnp.where(deg > 0, deg ** -0.5, 0.0)
    dinv = jnp.pad(dinv_n, (0, N_PAD - N_NODES)).reshape(N_PAD, 1)
    dinv2 = dinv * dinv

    xw1, y1 = pl.pallas_call(
        _layer1_body,
        grid=(GRID_R,),
        in_specs=[_row_spec((R, D)), _full_spec((D, D)), _row_spec((R, 1))],
        out_specs=[_row_spec((R, D)), _row_spec((R, D))],
        out_shape=[jax.ShapeDtypeStruct((N_PAD, D), f32)] * 2,
    )(x_pad, W1, dinv)

    def mid_layer(xw_prev, y_prev, b_prev, W):
        accp = _sc_aggregate(y_prev, src_w, dst_w)
        return pl.pallas_call(
            _layer_body,
            grid=(GRID_R,),
            in_specs=[_row_spec((R, D)), _row_spec((R, D)), _row_spec((R, D)),
                      _row_spec((R, 1)), _row_spec((R, 1)),
                      _full_spec((1, D)), _full_spec((D, D))],
            out_specs=[_row_spec((R, D)), _row_spec((R, D))],
            out_shape=[jax.ShapeDtypeStruct((N_PAD, D), f32)] * 2,
        )(xw_prev, accp[0], accp[1], dinv, dinv2, b_prev.reshape(1, D), W)

    xw2, y2 = mid_layer(xw1, y1, b1, W2)
    xw3, y3 = mid_layer(xw2, y2, b2, W3)

    accp3 = _sc_aggregate(y3, src_w, dst_w)
    sums, cnts = pl.pallas_call(
        _pool_body,
        grid=(GRID_R,),
        in_specs=[_row_spec((R, D)), _row_spec((R, D)), _row_spec((R, D)),
                  _row_spec((R, 1)), _row_spec((R, 1)), _full_spec((1, D)),
                  _row_spec((R, 1))],
        out_specs=[_full_spec((NG, D)), _full_spec((NG, D))],
        out_shape=[jax.ShapeDtypeStruct((NG, D), f32)] * 2,
    )(xw3, accp3[0], accp3[1], dinv, dinv2, b3.reshape(1, D), batch_pad)

    out = pl.pallas_call(
        _head_body,
        grid=(1,),
        in_specs=[_full_spec((NG, D)), _full_spec((NG, D)),
                  _full_spec((D, NG)), _full_spec((1, NG)),
                  _full_spec((NG, 1)), _full_spec((1, 1))],
        out_specs=_full_spec((NG, 1)),
        out_shape=jax.ShapeDtypeStruct((NG, 1), f32),
    )(sums, cnts, Wh1, bh1.reshape(1, NG), Wh2, bh2.reshape(1, 1))
    return out

# --- scband reference (transcript-rebuilt; emitter-appended) ---
"""Pipeline reference for scband-gcnbaseline-876173329000 (READ-ONLY COPY).

The authoritative reference and input builder live on the scoring server;
editing this copy changes nothing except your own understanding.
"""

import jax, jax.numpy as jnp
import numpy as np

NUM_NODES = 10000
NUM_EDGES = 320000
D_IN = 128
D_HID = 128
NUM_GRAPHS = 64
NUM_TASKS = 1


def setup_inputs(seed: int = 0) -> dict:
    key = jax.random.key(seed)
    ks = jax.random.split(key, 16)
    x = jax.random.normal(ks[0], (NUM_NODES, D_IN), dtype=jnp.float32)
    edge_index = jax.random.randint(ks[1], (2, NUM_EDGES), 0, NUM_NODES, dtype=jnp.int64)
    edge_attr = jax.random.normal(ks[2], (NUM_EDGES, 4), dtype=jnp.float32)
    batch = jnp.sort(jax.random.randint(ks[3], (NUM_NODES,), 0, NUM_GRAPHS, dtype=jnp.int64))
    s = 0.05
    W1 = jax.random.normal(ks[4], (D_IN, D_HID), dtype=jnp.float32) * s
    b1 = jnp.zeros((D_HID,), dtype=jnp.float32)
    W2 = jax.random.normal(ks[5], (D_HID, D_HID), dtype=jnp.float32) * s
    b2 = jnp.zeros((D_HID,), dtype=jnp.float32)
    W3 = jax.random.normal(ks[6], (D_HID, D_HID), dtype=jnp.float32) * s
    b3 = jnp.zeros((D_HID,), dtype=jnp.float32)
    Wh1 = jax.random.normal(ks[7], (D_HID, D_HID // 2), dtype=jnp.float32) * s
    bh1 = jnp.zeros((D_HID // 2,), dtype=jnp.float32)
    Wh2 = jax.random.normal(ks[8], (D_HID // 2, NUM_TASKS), dtype=jnp.float32) * s
    bh2 = jnp.zeros((NUM_TASKS,), dtype=jnp.float32)
    return {"x": x, "edge_index": edge_index, "edge_attr": edge_attr, "batch": batch,
            "W1": W1, "b1": b1, "W2": W2, "b2": b2, "W3": W3, "b3": b3,
            "Wh1": Wh1, "bh1": bh1, "Wh2": Wh2, "bh2": bh2}


def gcn_conv(x, edge_index, W, b):
    n = x.shape[0]
    loop = jnp.arange(n, dtype=edge_index.dtype)
    src = jnp.concatenate([edge_index[0], loop])
    dst = jnp.concatenate([edge_index[1], loop])
    deg = jnp.zeros((n,), dtype=jnp.float32).at[dst].add(1.0)
    dinv = jnp.where(deg > 0, deg ** -0.5, 0.0)
    norm = dinv[src] * dinv[dst]
    xw = x @ W
    msgs = xw[src] * norm[:, None]
    out = jnp.zeros((n, W.shape[1]), dtype=jnp.float32).at[dst].add(msgs)
    return out + b


def global_mean_pool(x, batch, num_graphs):
    sums = jax.ops.segment_sum(x, batch, num_segments=num_graphs)
    cnts = jax.ops.segment_sum(jnp.ones((x.shape[0],), dtype=jnp.float32), batch, num_segments=num_graphs)
    return sums / jnp.clip(cnts, 1.0)[:, None]


def reference(x, edge_index, edge_attr, batch, W1, b1, W2, b2, W3, b3, Wh1, bh1, Wh2, bh2):
    h = x.astype(jnp.float32)
    h = jax.nn.relu(gcn_conv(h, edge_index, W1, b1))
    h = jax.nn.relu(gcn_conv(h, edge_index, W2, b2))
    h = jax.nn.relu(gcn_conv(h, edge_index, W3, b3))
    g = global_mean_pool(h, batch, NUM_GRAPHS)
    g = jax.nn.relu(g @ Wh1 + bh1)
    return g @ Wh2 + bh2

if __name__ == "__main__":
    import jax
    _d = setup_inputs()
    print(jax.jit(kernel)(*tuple(_d.values())))

</pallas_src>

<mosaic_0001>
#map = affine_map<(d0, d1) -> (0, 0)>
#map1 = affine_map<(d0, d1) -> (0, 0, 0)>
module attributes {stable_mosaic.version = 14 : i64} {
  func.func @_sc_aggregate(%arg0: i32, %arg1: i32, %arg2: memref<10240x128xf32, #tpu.memory_space<hbm>>, %arg3: memref<32x10240xi32, #tpu.memory_space<hbm>>, %arg4: memref<32x80x128xi32, #tpu.memory_space<hbm>>, %arg5: memref<2x10240x128xf32, #tpu.memory_space<hbm>>, %arg6: memref<10240xi32, #tpu.memory_space<vmem>>, %arg7: memref<2x128xi32, #tpu.memory_space<vmem>>, %arg8: memref<2x128x128xf32, #tpu.memory_space<vmem>>, %arg9: memref<10240x128xf32, #tpu.memory_space<vmem_shared>>, %arg10: memref<!tpu.dma_semaphore, #tpu.memory_space<semaphore_mem>>, %arg11: memref<!tpu.dma_semaphore, #tpu.memory_space<semaphore_mem>>) attributes {dimension_semantics = [#tpu.dimension_semantics<core_parallel>, #tpu.dimension_semantics<subcore_parallel>], iteration_bounds = array<i64: 2, 16>, scalar_prefetch = 0 : i64, scratch_operands = 6 : i64, tpu.core_type = #tpu.core_type<sc_vector_subcore>, window_params = [{transform_indices = #map}, {transform_indices = #map}, {transform_indices = #map1}, {transform_indices = #map1}]} {
    %mul3A = arith.constant 2 : i32
    %mul3A_0 = arith.muli %arg1, %mul3A : i32
    %add3A = arith.addi %mul3A_0, %arg0 : i32
    "tpu.region"() ({
      %run_scoped3A_105 = tpu.sem_alloc : memref<!tpu.dma_semaphore, #tpu.memory_space<semaphore_mem>>
      %dma_start3A_106 = arith.constant 0 : i32
      %dma_start3A_107 = tpu.memref_slice %arg3[%add3A, %dma_start3A_106] : memref<32x10240xi32, #tpu.memory_space<hbm>> -> memref<1x10240xi32, #tpu.memory_space<hbm>>
      %dma_start3A_108 = tpu.memref_squeeze %dma_start3A_107 : memref<1x10240xi32, #tpu.memory_space<hbm>> -> memref<10240xi32, #tpu.memory_space<hbm>>
      %dma_start3A_109 = arith.constant 0 : i32
      %dma_start3A_110 = tpu.memref_slice %arg3[%add3A, %dma_start3A_109] : memref<32x10240xi32, #tpu.memory_space<hbm>> -> memref<1x10240xi32, #tpu.memory_space<hbm>>
      %dma_start3A_111 = tpu.memref_squeeze %dma_start3A_110 : memref<1x10240xi32, #tpu.memory_space<hbm>> -> memref<10240xi32, #tpu.memory_space<hbm>>
      tpu.enqueue_dma source(%dma_start3A_111 : memref<10240xi32, #tpu.memory_space<hbm>>) target(%arg6 : memref<10240xi32, #tpu.memory_space<vmem>>) target_semaphore(%run_scoped3A_105 : memref<!tpu.dma_semaphore, #tpu.memory_space<semaphore_mem>>)
      %dma_wait3A = arith.constant 0 : i32
      %dma_wait3A_112 = tpu.memref_slice %arg3[%add3A, %dma_wait3A] : memref<32x10240xi32, #tpu.memory_space<hbm>> -> memref<1x10240xi32, #tpu.memory_space<hbm>>
      %dma_wait3A_113 = tpu.memref_squeeze %dma_wait3A_112 : memref<1x10240xi32, #tpu.memory_space<hbm>> -> memref<10240xi32, #tpu.memory_space<hbm>>
      %dma_wait3A_114 = arith.constant 0 : i32
      %dma_wait3A_115 = tpu.memref_slice %arg3[%add3A, %dma_wait3A_114] : memref<32x10240xi32, #tpu.memory_space<hbm>> -> memref<1x10240xi32, #tpu.memory_space<hbm>>
      %dma_wait3A_116 = tpu.memref_squeeze %dma_wait3A_115 : memref<1x10240xi32, #tpu.memory_space<hbm>> -> memref<10240xi32, #tpu.memory_space<hbm>>
      tpu.wait_dma2 semaphore(%run_scoped3A_105 : memref<!tpu.dma_semaphore, #tpu.memory_space<semaphore_mem>>) src(%dma_wait3A_116 : memref<10240xi32, #tpu.memory_space<hbm>>) dst(%arg6 : memref<10240xi32, #tpu.memory_space<vmem>>)
      tpu.yield
    }) : () -> ()
    %broadcast_in_dim3A = arith.constant 0.000000e+00 : f32
    %broadcast_in_dim3A_1 = vector.broadcast %broadcast_in_dim3A : f32 to vector<16xf32>
    %scan3A = arith.constant 0 : i32
    %scan3A_2 = arith.constant 0 : i32
    %scan3A_3 = arith.constant 128 : i32
    %scan3A_4 = arith.addi %scan3A_2, %scan3A_3 : i32
    %scan3A_5 = arith.constant 1 : i32
    %scan3A_6 = scf.for %scan3A_105 = %scan3A_2 to %scan3A_4 step %scan3A_5 iter_args(%scan3A_106 = %scan3A) -> (i32)  : i32 {
      %scan3A_107 = arith.constant 0 : i32
      %scan3A_108 = arith.constant 0 : i32
      %scan3A_109 = arith.constant 8 : i32
      %scan3A_110 = arith.addi %scan3A_108, %scan3A_109 : i32
      %scan3A_111 = arith.constant 1 : i32
      %scan3A_112 = scf.for %scan3A_114 = %scan3A_108 to %scan3A_110 step %scan3A_111 iter_args(%scan3A_115 = %scan3A_107) -> (i32)  : i32 {
        %mul3A_116 = arith.constant 16 : i32
        %mul3A_117 = arith.muli %scan3A_114, %mul3A_116 : i32
        %swap3A = arith.constant 0 : i32
        %swap3A_118 = arith.index_cast %swap3A : i32 to index
        %swap3A_119 = arith.index_cast %scan3A_105 : i32 to index
        %swap3A_120 = arith.index_cast %mul3A_117 : i32 to index
        %swap3A_121 = tpu.vector_load %arg8[%swap3A_118, %swap3A_119, %swap3A_120] {strides = array<i32>} : memref<2x128x128xf32, #tpu.memory_space<vmem>>, vector<16xf32>,
        tpu.vector_store %arg8[%swap3A_118, %swap3A_119, %swap3A_120], %broadcast_in_dim3A_1 {strides = array<i32>} : memref<2x128x128xf32, #tpu.memory_space<vmem>>, vector<16xf32>,
        %scan3A_122 = arith.constant 0 : i32
        scf.yield %scan3A_122 : i32
      }
      %scan3A_113 = arith.constant 8 : i32
      scf.yield %scan3A_112 : i32
    }
    %scan3A_7 = arith.constant 128 : i32
    %mul3A_8 = arith.constant 640 : i32
    %mul3A_9 = arith.muli %arg1, %mul3A_8 : i32
    %add3A_10 = arith.constant 0 : i32
    %add3A_11 = arith.addi %mul3A_9, %add3A_10 : i32
    %run_scoped3A = arith.constant 0 : i32
    "tpu.region"() ({
      %run_scoped3A_105 = tpu.sem_alloc : memref<!tpu.dma_semaphore, #tpu.memory_space<semaphore_mem>>
      %dma_start3A_106 = arith.constant 0 : i32
      %dma_start3A_107 = arith.constant 0 : i32
      %dma_start3A_108 = tpu.memref_slice %arg8[%run_scoped3A, %dma_start3A_106, %dma_start3A_107] : memref<2x128x128xf32, #tpu.memory_space<vmem>> -> memref<1x128x128xf32, #tpu.memory_space<vmem>>
      %dma_start3A_109 = tpu.memref_squeeze %dma_start3A_108 : memref<1x128x128xf32, #tpu.memory_space<vmem>> -> memref<128x128xf32, #tpu.memory_space<vmem>>
      %dma_start3A_110 = arith.constant 0 : i32
      %dma_start3A_111 = tpu.memref_slice %arg9[%add3A_11, %dma_start3A_110] : memref<10240x128xf32, #tpu.memory_space<vmem_shared>> -> memref<128x128xf32, #tpu.memory_space<vmem_shared>>
      %dma_start3A_112 = arith.constant 0 : i32
      %dma_start3A_113 = tpu.memref_slice %arg9[%add3A_11, %dma_start3A_112] : memref<10240x128xf32, #tpu.memory_space<vmem_shared>> -> memref<128x128xf32, #tpu.memory_space<vmem_shared>>
      %dma_start3A_114 = arith.constant 0 : i32
      %dma_start3A_115 = arith.constant 0 : i32
      %dma_start3A_116 = tpu.memref_slice %arg8[%run_scoped3A, %dma_start3A_114, %dma_start3A_115] : memref<2x128x128xf32, #tpu.memory_space<vmem>> -> memref<1x128x128xf32, #tpu.memory_space<vmem>>
      %dma_start3A_117 = tpu.memref_squeeze %dma_start3A_116 : memref<1x128x128xf32, #tpu.memory_space<vmem>> -> memref<128x128xf32, #tpu.memory_space<vmem>>
      tpu.enqueue_dma source(%dma_start3A_117 : memref<128x128xf32, #tpu.memory_space<vmem>>) target(%dma_start3A_113 : memref<128x128xf32, #tpu.memory_space<vmem_shared>>) target_semaphore(%run_scoped3A_105 : memref<!tpu.dma_semaphore, #tpu.memory_space<semaphore_mem>>)
      %dma_wait3A = arith.constant 0 : i32
      %dma_wait3A_118 = arith.constant 0 : i32
      %dma_wait3A_119 = tpu.memref_slice %arg8[%run_scoped3A, %dma_wait3A, %dma_wait3A_118] : memref<2x128x128xf32, #tpu.memory_space<vmem>> -> memref<1x128x128xf32, #tpu.memory_space<vmem>>
      %dma_wait3A_120 = tpu.memref_squeeze %dma_wait3A_119 : memref<1x128x128xf32, #tpu.memory_space<vmem>> -> memref<128x128xf32, #tpu.memory_space<vmem>>
      %dma_wait3A_121 = arith.constant 0 : i32
      %dma_wait3A_122 = tpu.memref_slice %arg9[%add3A_11, %dma_wait3A_121] : memref<10240x128xf32, #tpu.memory_space<vmem_shared>> -> memref<128x128xf32, #tpu.memory_space<vmem_shared>>
      %dma_wait3A_123 = arith.constant 0 : i32
      %dma_wait3A_124 = tpu.memref_slice %arg9[%add3A_11, %dma_wait3A_123] : memref<10240x128xf32, #tpu.memory_space<vmem_shared>> -> memref<128x128xf32, #tpu.memory_space<vmem_shared>>
      %dma_wait3A_125 = arith.constant 0 : i32
      %dma_wait3A_126 = arith.constant 0 : i32
      %dma_wait3A_127 = tpu.memref_slice %arg8[%run_scoped3A, %dma_wait3A_125, %dma_wait3A_126] : memref<2x128x128xf32, #tpu.memory_space<vmem>> -> memref<1x128x128xf32, #tpu.memory_space<vmem>>
      %dma_wait3A_128 = tpu.memref_squeeze %dma_wait3A_127 : memref<1x128x128xf32, #tpu.memory_space<vmem>> -> memref<128x128xf32, #tpu.memory_space<vmem>>
      tpu.wait_dma2 semaphore(%run_scoped3A_105 : memref<!tpu.dma_semaphore, #tpu.memory_space<semaphore_mem>>) src(%dma_wait3A_128 : memref<128x128xf32, #tpu.memory_space<vmem>>) dst(%dma_wait3A_124 : memref<128x128xf32, #tpu.memory_space<vmem_shared>>)
      tpu.yield
    }) : () -> ()
    %mul3A_12 = arith.constant 640 : i32
    %mul3A_13 = arith.muli %arg1, %mul3A_12 : i32
    %add3A_14 = arith.constant 128 : i32
    %add3A_15 = arith.addi %mul3A_13, %add3A_14 : i32
    %run_scoped3A_16 = arith.constant 0 : i32
    "tpu.region"() ({
      %run_scoped3A_105 = tpu.sem_alloc : memref<!tpu.dma_semaphore, #tpu.memory_space<semaphore_mem>>
      %dma_start3A_106 = arith.constant 0 : i32
      %dma_start3A_107 = arith.constant 0 : i32
      %dma_start3A_108 = tpu.memref_slice %arg8[%run_scoped3A_16, %dma_start3A_106, %dma_start3A_107] : memref<2x128x128xf32, #tpu.memory_space<vmem>> -> memref<1x128x128xf32, #tpu.memory_space<vmem>>
      %dma_start3A_109 = tpu.memref_squeeze %dma_start3A_108 : memref<1x128x128xf32, #tpu.memory_space<vmem>> -> memref<128x128xf32, #tpu.memory_space<vmem>>
      %dma_start3A_110 = arith.constant 0 : i32
      %dma_start3A_111 = tpu.memref_slice %arg9[%add3A_15, %dma_start3A_110] : memref<10240x128xf32, #tpu.memory_space<vmem_shared>> -> memref<128x128xf32, #tpu.memory_space<vmem_shared>>
      %dma_start3A_112 = arith.constant 0 : i32
      %dma_start3A_113 = tpu.memref_slice %arg9[%add3A_15, %dma_start3A_112] : memref<10240x128xf32, #tpu.memory_space<vmem_shared>> -> memref<128x128xf32, #tpu.memory_space<vmem_shared>>
      %dma_start3A_114 = arith.constant 0 : i32
      %dma_start3A_115 = arith.constant 0 : i32
      %dma_start3A_116 = tpu.memref_slice %arg8[%run_scoped3A_16, %dma_start3A_114, %dma_start3A_115] : memref<2x128x128xf32, #tpu.memory_space<vmem>> -> memref<1x128x128xf32, #tpu.memory_space<vmem>>
      %dma_start3A_117 = tpu.memref_squeeze %dma_start3A_116 : memref<1x128x128xf32, #tpu.memory_space<vmem>> -> memref<128x128xf32, #tpu.memory_space<vmem>>
      tpu.enqueue_dma source(%dma_start3A_117 : memref<128x128xf32, #tpu.memory_space<vmem>>) target(%dma_start3A_113 : memref<128x128xf32, #tpu.memory_space<vmem_shared>>) target_semaphore(%run_scoped3A_105 : memref<!tpu.dma_semaphore, #tpu.memory_space<semaphore_mem>>)
      %dma_wait3A = arith.constant 0 : i32
      %dma_wait3A_118 = arith.constant 0 : i32
      %dma_wait3A_119 = tpu.memref_slice %arg8[%run_scoped3A_16, %dma_wait3A, %dma_wait3A_118] : memref<2x128x128xf32, #tpu.memory_space<vmem>> -> memref<1x128x128xf32, #tpu.memory_space<vmem>>
      %dma_wait3A_120 = tpu.memref_squeeze %dma_wait3A_119 : memref<1x128x128xf32, #tpu.memory_space<vmem>> -> memref<128x128xf32, #tpu.memory_space<vmem>>
      %dma_wait3A_121 = arith.constant 0 : i32
      %dma_wait3A_122 = tpu.memref_slice %arg9[%add3A_15, %dma_wait3A_121] : memref<10240x128xf32, #tpu.memory_space<vmem_shared>> -> memref<128x128xf32, #tpu.memory_space<vmem_shared>>
      %dma_wait3A_123 = arith.constant 0 : i32
      %dma_wait3A_124 = tpu.memref_slice %arg9[%add3A_15, %dma_wait3A_123] : memref<10240x128xf32, #tpu.memory_space<vmem_shared>> -> memref<128x128xf32, #tpu.memory_space<vmem_shared>>
      %dma_wait3A_125 = arith.constant 0 : i32
      %dma_wait3A_126 = arith.constant 0 : i32
      %dma_wait3A_127 = tpu.memref_slice %arg8[%run_scoped3A_16, %dma_wait3A_125, %dma_wait3A_126] : memref<2x128x128xf32, #tpu.memory_space<vmem>> -> memref<1x128x128xf32, #tpu.memory_space<vmem>>
      %dma_wait3A_128 = tpu.memref_squeeze %dma_wait3A_127 : memref<1x128x128xf32, #tpu.memory_space<vmem>> -> memref<128x128xf32, #tpu.memory_space<vmem>>
      tpu.wait_dma2 semaphore(%run_scoped3A_105 : memref<!tpu.dma_semaphore, #tpu.memory_space<semaphore_mem>>) src(%dma_wait3A_128 : memref<128x128xf32, #tpu.memory_space<vmem>>) dst(%dma_wait3A_124 : memref<128x128xf32, #tpu.memory_space<vmem_shared>>)
      tpu.yield
    }) : () -> ()
    %mul3A_17 = arith.constant 640 : i32
    %mul3A_18 = arith.muli %arg1, %mul3A_17 : i32
    %add3A_19 = arith.constant 256 : i32
    %add3A_20 = arith.addi %mul3A_18, %add3A_19 : i32
    %run_scoped3A_21 = arith.constant 0 : i32
    "tpu.region"() ({
      %run_scoped3A_105 = tpu.sem_alloc : memref<!tpu.dma_semaphore, #tpu.memory_space<semaphore_mem>>
      %dma_start3A_106 = arith.constant 0 : i32
      %dma_start3A_107 = arith.constant 0 : i32
      %dma_start3A_108 = tpu.memref_slice %arg8[%run_scoped3A_21, %dma_start3A_106, %dma_start3A_107] : memref<2x128x128xf32, #tpu.memory_space<vmem>> -> memref<1x128x128xf32, #tpu.memory_space<vmem>>
      %dma_start3A_109 = tpu.memref_squeeze %dma_start3A_108 : memref<1x128x128xf32, #tpu.memory_space<vmem>> -> memref<128x128xf32, #tpu.memory_space<vmem>>
      %dma_start3A_110 = arith.constant 0 : i32
      %dma_start3A_111 = tpu.memref_slice %arg9[%add3A_20, %dma_start3A_110] : memref<10240x128xf32, #tpu.memory_space<vmem_shared>> -> memref<128x128xf32, #tpu.memory_space<vmem_shared>>
      %dma_start3A_112 = arith.constant 0 : i32
      %dma_start3A_113 = tpu.memref_slice %arg9[%add3A_20, %dma_start3A_112] : memref<10240x128xf32, #tpu.memory_space<vmem_shared>> -> memref<128x128xf32, #tpu.memory_space<vmem_shared>>
      %dma_start3A_114 = arith.constant 0 : i32
      %dma_start3A_115 = arith.constant 0 : i32
      %dma_start3A_116 = tpu.memref_slice %arg8[%run_scoped3A_21, %dma_start3A_114, %dma_start3A_115] : memref<2x128x128xf32, #tpu.memory_space<vmem>> -> memref<1x128x128xf32, #tpu.memory_space<vmem>>
      %dma_start3A_117 = tpu.memref_squeeze %dma_start3A_116 : memref<1x128x128xf32, #tpu.memory_space<vmem>> -> memref<128x128xf32, #tpu.memory_space<vmem>>
      tpu.enqueue_dma source(%dma_start3A_117 : memref<128x128xf32, #tpu.memory_space<vmem>>) target(%dma_start3A_113 : memref<128x128xf32, #tpu.memory_space<vmem_shared>>) target_semaphore(%run_scoped3A_105 : memref<!tpu.dma_semaphore, #tpu.memory_space<semaphore_mem>>)
      %dma_wait3A = arith.constant 0 : i32
      %dma_wait3A_118 = arith.constant 0 : i32
      %dma_wait3A_119 = tpu.memref_slice %arg8[%run_scoped3A_21, %dma_wait3A, %dma_wait3A_118] : memref<2x128x128xf32, #tpu.memory_space<vmem>> -> memref<1x128x128xf32, #tpu.memory_space<vmem>>
      %dma_wait3A_120 = tpu.memref_squeeze %dma_wait3A_119 : memref<1x128x128xf32, #tpu.memory_space<vmem>> -> memref<128x128xf32, #tpu.memory_space<vmem>>
      %dma_wait3A_121 = arith.constant 0 : i32
      %dma_wait3A_122 = tpu.memref_slice %arg9[%add3A_20, %dma_wait3A_121] : memref<10240x128xf32, #tpu.memory_space<vmem_shared>> -> memref<128x128xf32, #tpu.memory_space<vmem_shared>>
      %dma_wait3A_123 = arith.constant 0 : i32
      %dma_wait3A_124 = tpu.memref_slice %arg9[%add3A_20, %dma_wait3A_123] : memref<10240x128xf32, #tpu.memory_space<vmem_shared>> -> memref<128x128xf32, #tpu.memory_space<vmem_shared>>
      %dma_wait3A_125 = arith.constant 0 : i32
      %dma_wait3A_126 = arith.constant 0 : i32
      %dma_wait3A_127 = tpu.memref_slice %arg8[%run_scoped3A_21, %dma_wait3A_125, %dma_wait3A_126] : memref<2x128x128xf32, #tpu.memory_space<vmem>> -> memref<1x128x128xf32, #tpu.memory_space<vmem>>
      %dma_wait3A_128 = tpu.memref_squeeze %dma_wait3A_127 : memref<1x128x128xf32, #tpu.memory_space<vmem>> -> memref<128x128xf32, #tpu.memory_space<vmem>>
      tpu.wait_dma2 semaphore(%run_scoped3A_105 : memref<!tpu.dma_semaphore, #tpu.memory_space<semaphore_mem>>) src(%dma_wait3A_128 : memref<128x128xf32, #tpu.memory_space<vmem>>) dst(%dma_wait3A_124 : memref<128x128xf32, #tpu.memory_space<vmem_shared>>)
      tpu.yield
    }) : () -> ()
    %mul3A_22 = arith.constant 640 : i32
    %mul3A_23 = arith.muli %arg1, %mul3A_22 : i32
    %add3A_24 = arith.constant 384 : i32
    %add3A_25 = arith.addi %mul3A_23, %add3A_24 : i32
    %run_scoped3A_26 = arith.constant 0 : i32
    "tpu.region"() ({
      %run_scoped3A_105 = tpu.sem_alloc : memref<!tpu.dma_semaphore, #tpu.memory_space<semaphore_mem>>
      %dma_start3A_106 = arith.constant 0 : i32
      %dma_start3A_107 = arith.constant 0 : i32
      %dma_start3A_108 = tpu.memref_slice %arg8[%run_scoped3A_26, %dma_start3A_106, %dma_start3A_107] : memref<2x128x128xf32, #tpu.memory_space<vmem>> -> memref<1x128x128xf32, #tpu.memory_space<vmem>>
      %dma_start3A_109 = tpu.memref_squeeze %dma_start3A_108 : memref<1x128x128xf32, #tpu.memory_space<vmem>> -> memref<128x128xf32, #tpu.memory_space<vmem>>
      %dma_start3A_110 = arith.constant 0 : i32
      %dma_start3A_111 = tpu.memref_slice %arg9[%add3A_25, %dma_start3A_110] : memref<10240x128xf32, #tpu.memory_space<vmem_shared>> -> memref<128x128xf32, #tpu.memory_space<vmem_shared>>
      %dma_start3A_112 = arith.constant 0 : i32
      %dma_start3A_113 = tpu.memref_slice %arg9[%add3A_25, %dma_start3A_112] : memref<10240x128xf32, #tpu.memory_space<vmem_shared>> -> memref<128x128xf32, #tpu.memory_space<vmem_shared>>
      %dma_start3A_114 = arith.constant 0 : i32
      %dma_start3A_115 = arith.constant 0 : i32
      %dma_start3A_116 = tpu.memref_slice %arg8[%run_scoped3A_26, %dma_start3A_114, %dma_start3A_115] : memref<2x128x128xf32, #tpu.memory_space<vmem>> -> memref<1x128x128xf32, #tpu.memory_space<vmem>>
      %dma_start3A_117 = tpu.memref_squeeze %dma_start3A_116 : memref<1x128x128xf32, #tpu.memory_space<vmem>> -> memref<128x128xf32, #tpu.memory_space<vmem>>
      tpu.enqueue_dma source(%dma_start3A_117 : memref<128x128xf32, #tpu.memory_space<vmem>>) target(%dma_start3A_113 : memref<128x128xf32, #tpu.memory_space<vmem_shared>>) target_semaphore(%run_scoped3A_105 : memref<!tpu.dma_semaphore, #tpu.memory_space<semaphore_mem>>)
      %dma_wait3A = arith.constant 0 : i32
      %dma_wait3A_118 = arith.constant 0 : i32
      %dma_wait3A_119 = tpu.memref_slice %arg8[%run_scoped3A_26, %dma_wait3A, %dma_wait3A_118] : memref<2x128x128xf32, #tpu.memory_space<vmem>> -> memref<1x128x128xf32, #tpu.memory_space<vmem>>
      %dma_wait3A_120 = tpu.memref_squeeze %dma_wait3A_119 : memref<1x128x128xf32, #tpu.memory_space<vmem>> -> memref<128x128xf32, #tpu.memory_space<vmem>>
      %dma_wait3A_121 = arith.constant 0 : i32
      %dma_wait3A_122 = tpu.memref_slice %arg9[%add3A_25, %dma_wait3A_121] : memref<10240x128xf32, #tpu.memory_space<vmem_shared>> -> memref<128x128xf32, #tpu.memory_space<vmem_shared>>
      %dma_wait3A_123 = arith.constant 0 : i32
      %dma_wait3A_124 = tpu.memref_slice %arg9[%add3A_25, %dma_wait3A_123] : memref<10240x128xf32, #tpu.memory_space<vmem_shared>> -> memref<128x128xf32, #tpu.memory_space<vmem_shared>>
      %dma_wait3A_125 = arith.constant 0 : i32
      %dma_wait3A_126 = arith.constant 0 : i32
      %dma_wait3A_127 = tpu.memref_slice %arg8[%run_scoped3A_26, %dma_wait3A_125, %dma_wait3A_126] : memref<2x128x128xf32, #tpu.memory_space<vmem>> -> memref<1x128x128xf32, #tpu.memory_space<vmem>>
      %dma_wait3A_128 = tpu.memref_squeeze %dma_wait3A_127 : memref<1x128x128xf32, #tpu.memory_space<vmem>> -> memref<128x128xf32, #tpu.memory_space<vmem>>
      tpu.wait_dma2 semaphore(%run_scoped3A_105 : memref<!tpu.dma_semaphore, #tpu.memory_space<semaphore_mem>>) src(%dma_wait3A_128 : memref<128x128xf32, #tpu.memory_space<vmem>>) dst(%dma_wait3A_124 : memref<128x128xf32, #tpu.memory_space<vmem_shared>>)
      tpu.yield
    }) : () -> ()
    %mul3A_27 = arith.constant 640 : i32
    %mul3A_28 = arith.muli %arg1, %mul3A_27 : i32
    %add3A_29 = arith.constant 512 : i32
    %add3A_30 = arith.addi %mul3A_28, %add3A_29 : i32
    %run_scoped3A_31 = arith.constant 0 : i32
    "tpu.region"() ({
      %run_scoped3A_105 = tpu.sem_alloc : memref<!tpu.dma_semaphore, #tpu.memory_space<semaphore_mem>>
      %dma_start3A_106 = arith.constant 0 : i32
      %dma_start3A_107 = arith.constant 0 : i32
      %dma_start3A_108 = tpu.memref_slice %arg8[%run_scoped3A_31, %dma_start3A_106, %dma_start3A_107] : memref<2x128x128xf32, #tpu.memory_space<vmem>> -> memref<1x128x128xf32, #tpu.memory_space<vmem>>
      %dma_start3A_109 = tpu.memref_squeeze %dma_start3A_108 : memref<1x128x128xf32, #tpu.memory_space<vmem>> -> memref<128x128xf32, #tpu.memory_space<vmem>>
      %dma_start3A_110 = arith.constant 0 : i32
      %dma_start3A_111 = tpu.memref_slice %arg9[%add3A_30, %dma_start3A_110] : memref<10240x128xf32, #tpu.memory_space<vmem_shared>> -> memref<128x128xf32, #tpu.memory_space<vmem_shared>>
      %dma_start3A_112 = arith.constant 0 : i32
      %dma_start3A_113 = tpu.memref_slice %arg9[%add3A_30, %dma_start3A_112] : memref<10240x128xf32, #tpu.memory_space<vmem_shared>> -> memref<128x128xf32, #tpu.memory_space<vmem_shared>>
      %dma_start3A_114 = arith.constant 0 : i32
      %dma_start3A_115 = arith.constant 0 : i32
      %dma_start3A_116 = tpu.memref_slice %arg8[%run_scoped3A_31, %dma_start3A_114, %dma_start3A_115] : memref<2x128x128xf32, #tpu.memory_space<vmem>> -> memref<1x128x128xf32, #tpu.memory_space<vmem>>
      %dma_start3A_117 = tpu.memref_squeeze %dma_start3A_116 : memref<1x128x128xf32, #tpu.memory_space<vmem>> -> memref<128x128xf32, #tpu.memory_space<vmem>>
      tpu.enqueue_dma source(%dma_start3A_117 : memref<128x128xf32, #tpu.memory_space<vmem>>) target(%dma_start3A_113 : memref<128x128xf32, #tpu.memory_space<vmem_shared>>) target_semaphore(%run_scoped3A_105 : memref<!tpu.dma_semaphore, #tpu.memory_space<semaphore_mem>>)
      %dma_wait3A = arith.constant 0 : i32
      %dma_wait3A_118 = arith.constant 0 : i32
      %dma_wait3A_119 = tpu.memref_slice %arg8[%run_scoped3A_31, %dma_wait3A, %dma_wait3A_118] : memref<2x128x128xf32, #tpu.memory_space<vmem>> -> memref<1x128x128xf32, #tpu.memory_space<vmem>>
      %dma_wait3A_120 = tpu.memref_squeeze %dma_wait3A_119 : memref<1x128x128xf32, #tpu.memory_space<vmem>> -> memref<128x128xf32, #tpu.memory_space<vmem>>
      %dma_wait3A_121 = arith.constant 0 : i32
      %dma_wait3A_122 = tpu.memref_slice %arg9[%add3A_30, %dma_wait3A_121] : memref<10240x128xf32, #tpu.memory_space<vmem_shared>> -> memref<128x128xf32, #tpu.memory_space<vmem_shared>>
      %dma_wait3A_123 = arith.constant 0 : i32
      %dma_wait3A_124 = tpu.memref_slice %arg9[%add3A_30, %dma_wait3A_123] : memref<10240x128xf32, #tpu.memory_space<vmem_shared>> -> memref<128x128xf32, #tpu.memory_space<vmem_shared>>
      %dma_wait3A_125 = arith.constant 0 : i32
      %dma_wait3A_126 = arith.constant 0 : i32
      %dma_wait3A_127 = tpu.memref_slice %arg8[%run_scoped3A_31, %dma_wait3A_125, %dma_wait3A_126] : memref<2x128x128xf32, #tpu.memory_space<vmem>> -> memref<1x128x128xf32, #tpu.memory_space<vmem>>
      %dma_wait3A_128 = tpu.memref_squeeze %dma_wait3A_127 : memref<1x128x128xf32, #tpu.memory_space<vmem>> -> memref<128x128xf32, #tpu.memory_space<vmem>>
      tpu.wait_dma2 semaphore(%run_scoped3A_105 : memref<!tpu.dma_semaphore, #tpu.memory_space<semaphore_mem>>) src(%dma_wait3A_128 : memref<128x128xf32, #tpu.memory_space<vmem>>) dst(%dma_wait3A_124 : memref<128x128xf32, #tpu.memory_space<vmem_shared>>)
      tpu.yield
    }) : () -> ()
    %dma_start3A = arith.constant 0 : i32
    %dma_start3A_32 = arith.constant 0 : i32
    %dma_start3A_33 = arith.constant 0 : i32
    %dma_start3A_34 = tpu.memref_slice %arg8[%dma_start3A, %dma_start3A_32, %dma_start3A_33] : memref<2x128x128xf32, #tpu.memory_space<vmem>> -> memref<1x128x128xf32, #tpu.memory_space<vmem>>
    %dma_start3A_35 = tpu.memref_squeeze %dma_start3A_34 : memref<1x128x128xf32, #tpu.memory_space<vmem>> -> memref<128x128xf32, #tpu.memory_space<vmem>>
    %dma_start3A_36 = arith.constant 0 : i32
    %dma_start3A_37 = tpu.memref_slice %arg6[%dma_start3A_36] : memref<10240xi32, #tpu.memory_space<vmem>> -> memref<128xi32, #tpu.memory_space<vmem>>
    %dma_start3A_38 = arith.constant 0 : i32
    %dma_start3A_39 = arith.constant 0 : i32
    %dma_start3A_40 = tpu.memref_slice %arg2[%dma_start3A_38, %dma_start3A_39] : memref<10240x128xf32, #tpu.memory_space<hbm>> -> memref<10240x128xf32, #tpu.memory_space<hbm>>
    tpu.enqueue_indirect_dma source(%dma_start3A_40 : memref<10240x128xf32, #tpu.memory_space<hbm>>) target(%dma_start3A_35 : memref<128x128xf32, #tpu.memory_space<vmem>>) offsets(%dma_start3A_37 : memref<128xi32, #tpu.memory_space<vmem>>) semaphore(%arg10 : memref<!tpu.dma_semaphore, #tpu.memory_space<semaphore_mem>>)
    %dma_start3A_41 = arith.constant 0 : i32
    %dma_start3A_42 = arith.constant 0 : i32
    %dma_start3A_43 = arith.constant 0 : i32
    %dma_start3A_44 = tpu.memref_slice %arg7[%dma_start3A_42, %dma_start3A_43] : memref<2x128xi32, #tpu.memory_space<vmem>> -> memref<1x128xi32, #tpu.memory_space<vmem>>
    %dma_start3A_45 = tpu.memref_squeeze %dma_start3A_44 : memref<1x128xi32, #tpu.memory_space<vmem>> -> memref<128xi32, #tpu.memory_space<vmem>>
    %dma_start3A_46 = arith.constant 0 : i32
    %dma_start3A_47 = arith.constant 0 : i32
    %dma_start3A_48 = tpu.memref_slice %arg4[%add3A, %dma_start3A_46, %dma_start3A_47] : memref<32x80x128xi32, #tpu.memory_space<hbm>> -> memref<1x80x128xi32, #tpu.memory_space<hbm>>
    %dma_start3A_49 = tpu.memref_squeeze %dma_start3A_48 : memref<1x80x128xi32, #tpu.memory_space<hbm>> -> memref<80x128xi32, #tpu.memory_space<hbm>>
    %dma_start3A_50 = arith.constant 0 : i32
    %dma_start3A_51 = tpu.memref_slice %dma_start3A_49[%dma_start3A_41, %dma_start3A_50] : memref<80x128xi32, #tpu.memory_space<hbm>> -> memref<1x128xi32, #tpu.memory_space<hbm>>
    %dma_start3A_52 = tpu.memref_squeeze %dma_start3A_51 : memref<1x128xi32, #tpu.memory_space<hbm>> -> memref<128xi32, #tpu.memory_space<hbm>>
    %dma_start3A_53 = arith.constant 0 : i32
    %dma_start3A_54 = tpu.memref_slice %arg7[%dma_start3A_42, %dma_start3A_53] : memref<2x128xi32, #tpu.memory_space<vmem>> -> memref<1x128xi32, #tpu.memory_space<vmem>>
    %dma_start3A_55 = tpu.memref_squeeze %dma_start3A_54 : memref<1x128xi32, #tpu.memory_space<vmem>> -> memref<128xi32, #tpu.memory_space<vmem>>
    %dma_start3A_56 = arith.constant 0 : i32
    %dma_start3A_57 = arith.constant 0 : i32
    %dma_start3A_58 = tpu.memref_slice %arg4[%add3A, %dma_start3A_56, %dma_start3A_57] : memref<32x80x128xi32, #tpu.memory_space<hbm>> -> memref<1x80x128xi32, #tpu.memory_space<hbm>>
    %dma_start3A_59 = tpu.memref_squeeze %dma_start3A_58 : memref<1x80x128xi32, #tpu.memory_space<hbm>> -> memref<80x128xi32, #tpu.memory_space<hbm>>
    %dma_start3A_60 = arith.constant 0 : i32
    %dma_start3A_61 = tpu.memref_slice %dma_start3A_59[%dma_start3A_41, %dma_start3A_60] : memref<80x128xi32, #tpu.memory_space<hbm>> -> memref<1x128xi32, #tpu.memory_space<hbm>>
    %dma_start3A_62 = tpu.memref_squeeze %dma_start3A_61 : memref<1x128xi32, #tpu.memory_space<hbm>> -> memref<128xi32, #tpu.memory_space<hbm>>
    tpu.enqueue_dma source(%dma_start3A_62 : memref<128xi32, #tpu.memory_space<hbm>>) target(%dma_start3A_55 : memref<128xi32, #tpu.memory_space<vmem>>) target_semaphore(%arg10 : memref<!tpu.dma_semaphore, #tpu.memory_space<semaphore_mem>>)
    %dma_start3A_63 = arith.constant 1 : i32
    %dma_start3A_64 = arith.constant 0 : i32
    %dma_start3A_65 = arith.constant 0 : i32
    %dma_start3A_66 = tpu.memref_slice %arg8[%dma_start3A_63, %dma_start3A_64, %dma_start3A_65] : memref<2x128x128xf32, #tpu.memory_space<vmem>> -> memref<1x128x128xf32, #tpu.memory_space<vmem>>
    %dma_start3A_67 = tpu.memref_squeeze %dma_start3A_66 : memref<1x128x128xf32, #tpu.memory_space<vmem>> -> memref<128x128xf32, #tpu.memory_space<vmem>>
    %dma_start3A_68 = arith.constant 128 : i32
    %dma_start3A_69 = tpu.memref_slice %arg6[%dma_start3A_68] : memref<10240xi32, #tpu.memory_space<vmem>> -> memref<128xi32, #tpu.memory_space<vmem>>
    %dma_start3A_70 = arith.constant 0 : i32
    %dma_start3A_71 = arith.constant 0 : i32
    %dma_start3A_72 = tpu.memref_slice %arg2[%dma_start3A_70, %dma_start3A_71] : memref<10240x128xf32, #tpu.memory_space<hbm>> -> memref<10240x128xf32, #tpu.memory_space<hbm>>
    tpu.enqueue_indirect_dma source(%dma_start3A_72 : memref<10240x128xf32, #tpu.memory_space<hbm>>) target(%dma_start3A_67 : memref<128x128xf32, #tpu.memory_space<vmem>>) offsets(%dma_start3A_69 : memref<128xi32, #tpu.memory_space<vmem>>) semaphore(%arg11 : memref<!tpu.dma_semaphore, #tpu.memory_space<semaphore_mem>>)
    %dma_start3A_73 = arith.constant 1 : i32
    %dma_start3A_74 = arith.constant 1 : i32
    %dma_start3A_75 = arith.constant 0 : i32
    %dma_start3A_76 = tpu.memref_slice %arg7[%dma_start3A_74, %dma_start3A_75] : memref<2x128xi32, #tpu.memory_space<vmem>> -> memref<1x128xi32, #tpu.memory_space<vmem>>
    %dma_start3A_77 = tpu.memref_squeeze %dma_start3A_76 : memref<1x128xi32, #tpu.memory_space<vmem>> -> memref<128xi32, #tpu.memory_space<vmem>>
    %dma_start3A_78 = arith.constant 0 : i32
    %dma_start3A_79 = arith.constant 0 : i32
    %dma_start3A_80 = tpu.memref_slice %arg4[%add3A, %dma_start3A_78, %dma_start3A_79] : memref<32x80x128xi32, #tpu.memory_space<hbm>> -> memref<1x80x128xi32, #tpu.memory_space<hbm>>
    %dma_start3A_81 = tpu.memref_squeeze %dma_start3A_80 : memref<1x80x128xi32, #tpu.memory_space<hbm>> -> memref<80x128xi32, #tpu.memory_space<hbm>>
    %dma_start3A_82 = arith.constant 0 : i32
    %dma_start3A_83 = tpu.memref_slice %dma_start3A_81[%dma_start3A_73, %dma_start3A_82] : memref<80x128xi32, #tpu.memory_space<hbm>> -> memref<1x128xi32, #tpu.memory_space<hbm>>
    %dma_start3A_84 = tpu.memref_squeeze %dma_start3A_83 : memref<1x128xi32, #tpu.memory_space<hbm>> -> memref<128xi32, #tpu.memory_space<hbm>>
    %dma_start3A_85 = arith.constant 0 : i32
    %dma_start3A_86 = tpu.memref_slice %arg7[%dma_start3A_74, %dma_start3A_85] : memref<2x128xi32, #tpu.memory_space<vmem>> -> memref<1x128xi32, #tpu.memory_space<vmem>>
    %dma_start3A_87 = tpu.memref_squeeze %dma_start3A_86 : memref<1x128xi32, #tpu.memory_space<vmem>> -> memref<128xi32, #tpu.memory_space<vmem>>
    %dma_start3A_88 = arith.constant 0 : i32
    %dma_start3A_89 = arith.constant 0 : i32
    %dma_start3A_90 = tpu.memref_slice %arg4[%add3A, %dma_start3A_88, %dma_start3A_89] : memref<32x80x128xi32, #tpu.memory_space<hbm>> -> memref<1x80x128xi32, #tpu.memory_space<hbm>>
    %dma_start3A_91 = tpu.memref_squeeze %dma_start3A_90 : memref<1x80x128xi32, #tpu.memory_space<hbm>> -> memref<80x128xi32, #tpu.memory_space<hbm>>
    %dma_start3A_92 = arith.constant 0 : i32
    %dma_start3A_93 = tpu.memref_slice %dma_start3A_91[%dma_start3A_73, %dma_start3A_92] : memref<80x128xi32, #tpu.memory_space<hbm>> -> memref<1x128xi32, #tpu.memory_space<hbm>>
    %dma_start3A_94 = tpu.memref_squeeze %dma_start3A_93 : memref<1x128xi32, #tpu.memory_space<hbm>> -> memref<128xi32, #tpu.memory_space<hbm>>
    tpu.enqueue_dma source(%dma_start3A_94 : memref<128xi32, #tpu.memory_space<hbm>>) target(%dma_start3A_87 : memref<128xi32, #tpu.memory_space<vmem>>) target_semaphore(%arg11 : memref<!tpu.dma_semaphore, #tpu.memory_space<semaphore_mem>>)
    %barrier3A = arith.constant 0 : index
    tpu.barrier barrier_id(%barrier3A)
    %scan3A_95 = arith.constant 0 : i32
    %scan3A_96 = arith.constant 40 : i32
    %scan3A_97 = arith.addi %scan3A_95, %scan3A_96 : i32
    %scan3A_98 = arith.constant 1 : i32
    scf.for %scan3A_105 = %scan3A_95 to %scan3A_97 step %scan3A_98  : i32 {
      %mul3A_106 = arith.constant 2 : i32
      %mul3A_107 = arith.muli %scan3A_105, %mul3A_106 : i32
      %add3A_108 = arith.constant 0 : i32
      %add3A_109 = arith.addi %add3A_108, %mul3A_107 : i32
      %add3A_110 = arith.constant 0 : i32
      %add3A_111 = arith.addi %add3A_109, %add3A_110 : i32
      %mul3A_112 = arith.constant 128 : i32
      %mul3A_113 = arith.muli %add3A_111, %mul3A_112 : i32
      %dma_wait3A = arith.constant 0 : i32
      %dma_wait3A_114 = arith.constant 0 : i32
      %dma_wait3A_115 = arith.constant 0 : i32
      %dma_wait3A_116 = tpu.memref_slice %arg8[%dma_wait3A, %dma_wait3A_114, %dma_wait3A_115] : memref<2x128x128xf32, #tpu.memory_space<vmem>> -> memref<1x128x128xf32, #tpu.memory_space<vmem>>
      %dma_wait3A_117 = tpu.memref_squeeze %dma_wait3A_116 : memref<1x128x128xf32, #tpu.memory_space<vmem>> -> memref<128x128xf32, #tpu.memory_space<vmem>>
      %dma_wait3A_118 = tpu.memref_slice %arg6[%mul3A_113] : memref<10240xi32, #tpu.memory_space<vmem>> -> memref<128xi32, #tpu.memory_space<vmem>>
      %dma_wait3A_119 = arith.constant 0 : i32
      %dma_wait3A_120 = arith.constant 0 : i32
      %dma_wait3A_121 = tpu.memref_slice %arg2[%dma_wait3A_119, %dma_wait3A_120] : memref<10240x128xf32, #tpu.memory_space<hbm>> -> memref<10240x128xf32, #tpu.memory_space<hbm>>
      tpu.wait_indirect_dma semaphore(%arg10 : memref<!tpu.dma_semaphore, #tpu.memory_space<semaphore_mem>>) src(%dma_wait3A_121 : memref<10240x128xf32, #tpu.memory_space<hbm>>) dst(%dma_wait3A_117 : memref<128x128xf32, #tpu.memory_space<vmem>>)
      %dma_wait3A_122 = arith.constant 0 : i32
      %dma_wait3A_123 = arith.constant 0 : i32
      %dma_wait3A_124 = tpu.memref_slice %arg7[%dma_wait3A_122, %dma_wait3A_123] : memref<2x128xi32, #tpu.memory_space<vmem>> -> memref<1x128xi32, #tpu.memory_space<vmem>>
      %dma_wait3A_125 = tpu.memref_squeeze %dma_wait3A_124 : memref<1x128xi32, #tpu.memory_space<vmem>> -> memref<128xi32, #tpu.memory_space<vmem>>
      %dma_wait3A_126 = arith.constant 0 : i32
      %dma_wait3A_127 = arith.constant 0 : i32
      %dma_wait3A_128 = tpu.memref_slice %arg4[%add3A, %dma_wait3A_126, %dma_wait3A_127] : memref<32x80x128xi32, #tpu.memory_space<hbm>> -> memref<1x80x128xi32, #tpu.memory_space<hbm>>
      %dma_wait3A_129 = tpu.memref_squeeze %dma_wait3A_128 : memref<1x80x128xi32, #tpu.memory_space<hbm>> -> memref<80x128xi32, #tpu.memory_space<hbm>>
      %dma_wait3A_130 = arith.constant 0 : i32
      %dma_wait3A_131 = tpu.memref_slice %dma_wait3A_129[%add3A_111, %dma_wait3A_130] : memref<80x128xi32, #tpu.memory_space<hbm>> -> memref<1x128xi32, #tpu.memory_space<hbm>>
      %dma_wait3A_132 = tpu.memref_squeeze %dma_wait3A_131 : memref<1x128xi32, #tpu.memory_space<hbm>> -> memref<128xi32, #tpu.memory_space<hbm>>
      %dma_wait3A_133 = arith.constant 0 : i32
      %dma_wait3A_134 = tpu.memref_slice %arg7[%dma_wait3A_122, %dma_wait3A_133] : memref<2x128xi32, #tpu.memory_space<vmem>> -> memref<1x128xi32, #tpu.memory_space<vmem>>
      %dma_wait3A_135 = tpu.memref_squeeze %dma_wait3A_134 : memref<1x128xi32, #tpu.memory_space<vmem>> -> memref<128xi32, #tpu.memory_space<vmem>>
      %dma_wait3A_136 = arith.constant 0 : i32
      %dma_wait3A_137 = arith.constant 0 : i32
      %dma_wait3A_138 = tpu.memref_slice %arg4[%add3A, %dma_wait3A_136, %dma_wait3A_137] : memref<32x80x128xi32, #tpu.memory_space<hbm>> -> memref<1x80x128xi32, #tpu.memory_space<hbm>>
      %dma_wait3A_139 = tpu.memref_squeeze %dma_wait3A_138 : memref<1x80x128xi32, #tpu.memory_space<hbm>> -> memref<80x128xi32, #tpu.memory_space<hbm>>
      %dma_wait3A_140 = arith.constant 0 : i32
      %dma_wait3A_141 = tpu.memref_slice %dma_wait3A_139[%add3A_111, %dma_wait3A_140] : memref<80x128xi32, #tpu.memory_space<hbm>> -> memref<1x128xi32, #tpu.memory_space<hbm>>
      %dma_wait3A_142 = tpu.memref_squeeze %dma_wait3A_141 : memref<1x128xi32, #tpu.memory_space<hbm>> -> memref<128xi32, #tpu.memory_space<hbm>>
      tpu.wait_dma2 semaphore(%arg10 : memref<!tpu.dma_semaphore, #tpu.memory_space<semaphore_mem>>) src(%dma_wait3A_142 : memref<128xi32, #tpu.memory_space<hbm>>) dst(%dma_wait3A_135 : memref<128xi32, #tpu.memory_space<vmem>>)
      %run_scoped3A_143 = arith.constant 0 : i32
      %run_scoped3A_144 = arith.constant 0 : i32
      "tpu.region"() ({
        %run_scoped3A_192 = tpu.sem_alloc : memref<!tpu.dma_semaphore, #tpu.memory_space<semaphore_mem>>
        %dma_start3A_193 = arith.constant 0 : i32
        %dma_start3A_194 = arith.constant 0 : i32
        %dma_start3A_195 = tpu.memref_slice %arg8[%run_scoped3A_143, %dma_start3A_193, %dma_start3A_194] : memref<2x128x128xf32, #tpu.memory_space<vmem>> -> memref<1x128x128xf32, #tpu.memory_space<vmem>>
        %dma_start3A_196 = tpu.memref_squeeze %dma_start3A_195 : memref<1x128x128xf32, #tpu.memory_space<vmem>> -> memref<128x128xf32, #tpu.memory_space<vmem>>
        %dma_start3A_197 = arith.constant 0 : i32
        %dma_start3A_198 = tpu.memref_slice %arg7[%run_scoped3A_144, %dma_start3A_197] : memref<2x128xi32, #tpu.memory_space<vmem>> -> memref<1x128xi32, #tpu.memory_space<vmem>>
        %dma_start3A_199 = tpu.memref_squeeze %dma_start3A_198 : memref<1x128xi32, #tpu.memory_space<vmem>> -> memref<128xi32, #tpu.memory_space<vmem>>
        %dma_start3A_200 = arith.constant 0 : i32
        %dma_start3A_201 = arith.constant 0 : i32
        %dma_start3A_202 = tpu.memref_slice %arg9[%dma_start3A_200, %dma_start3A_201] : memref<10240x128xf32, #tpu.memory_space<vmem_shared>> -> memref<10240x128xf32, #tpu.memory_space<vmem_shared>>
        tpu.enqueue_indirect_dma source(%dma_start3A_196 : memref<128x128xf32, #tpu.memory_space<vmem>>) target(%dma_start3A_202 : memref<10240x128xf32, #tpu.memory_space<vmem_shared>>) offsets(%dma_start3A_199 : memref<128xi32, #tpu.memory_space<vmem>>) semaphore(%run_scoped3A_192 : memref<!tpu.dma_semaphore, #tpu.memory_space<semaphore_mem>>) {add = true}
        %dma_wait3A_203 = arith.constant 0 : i32
        %dma_wait3A_204 = arith.constant 0 : i32
        %dma_wait3A_205 = tpu.memref_slice %arg8[%run_scoped3A_143, %dma_wait3A_203, %dma_wait3A_204] : memref<2x128x128xf32, #tpu.memory_space<vmem>> -> memref<1x128x128xf32, #tpu.memory_space<vmem>>
        %dma_wait3A_206 = tpu.memref_squeeze %dma_wait3A_205 : memref<1x128x128xf32, #tpu.memory_space<vmem>> -> memref<128x128xf32, #tpu.memory_space<vmem>>
        %dma_wait3A_207 = arith.constant 0 : i32
        %dma_wait3A_208 = tpu.memref_slice %arg7[%run_scoped3A_144, %dma_wait3A_207] : memref<2x128xi32, #tpu.memory_space<vmem>> -> memref<1x128xi32, #tpu.memory_space<vmem>>
        %dma_wait3A_209 = tpu.memref_squeeze %dma_wait3A_208 : memref<1x128xi32, #tpu.memory_space<vmem>> -> memref<128xi32, #tpu.memory_space<vmem>>
        %dma_wait3A_210 = arith.constant 0 : i32
        %dma_wait3A_211 = arith.constant 0 : i32
        %dma_wait3A_212 = tpu.memref_slice %arg9[%dma_wait3A_210, %dma_wait3A_211] : memref<10240x128xf32, #tpu.memory_space<vmem_shared>> -> memref<10240x128xf32, #tpu.memory_space<vmem_shared>>
        tpu.wait_indirect_dma semaphore(%run_scoped3A_192 : memref<!tpu.dma_semaphore, #tpu.memory_space<semaphore_mem>>) src(%dma_wait3A_206 : memref<128x128xf32, #tpu.memory_space<vmem>>) dst(%dma_wait3A_212 : memref<10240x128xf32, #tpu.memory_space<vmem_shared>>)
        tpu.yield
      }) : () -> ()
      %add3A_145 = arith.constant 2 : i32
      %add3A_146 = arith.addi %add3A_111, %add3A_145 : i32
      %lt3A = arith.constant 80 : i32
      %lt3A_147 = arith.cmpi slt, %add3A_146, %lt3A : i32
      %convert_element_type3A = arith.extui %lt3A_147 : i1 to i32
      %cond3A = arith.constant 0 : i32
      %cond3A_148 = arith.cmpi ne, %convert_element_type3A, %cond3A : i32
      scf.if %cond3A_148 {
        %add3A_192 = arith.constant 2 : i32
        %add3A_193 = arith.addi %add3A_111, %add3A_192 : i32
        %mul3A_194 = arith.constant 128 : i32
        %mul3A_195 = arith.muli %add3A_193, %mul3A_194 : i32
        %dma_start3A_196 = arith.constant 0 : i32
        %dma_start3A_197 = arith.constant 0 : i32
        %dma_start3A_198 = arith.constant 0 : i32
        %dma_start3A_199 = tpu.memref_slice %arg8[%dma_start3A_196, %dma_start3A_197, %dma_start3A_198] : memref<2x128x128xf32, #tpu.memory_space<vmem>> -> memref<1x128x128xf32, #tpu.memory_space<vmem>>
        %dma_start3A_200 = tpu.memref_squeeze %dma_start3A_199 : memref<1x128x128xf32, #tpu.memory_space<vmem>> -> memref<128x128xf32, #tpu.memory_space<vmem>>
        %dma_start3A_201 = tpu.memref_slice %arg6[%mul3A_195] : memref<10240xi32, #tpu.memory_space<vmem>> -> memref<128xi32, #tpu.memory_space<vmem>>
        %dma_start3A_202 = arith.constant 0 : i32
        %dma_start3A_203 = arith.constant 0 : i32
        %dma_start3A_204 = tpu.memref_slice %arg2[%dma_start3A_202, %dma_start3A_203] : memref<10240x128xf32, #tpu.memory_space<hbm>> -> memref<10240x128xf32, #tpu.memory_space<hbm>>
        tpu.enqueue_indirect_dma source(%dma_start3A_204 : memref<10240x128xf32, #tpu.memory_space<hbm>>) target(%dma_start3A_200 : memref<128x128xf32, #tpu.memory_space<vmem>>) offsets(%dma_start3A_201 : memref<128xi32, #tpu.memory_space<vmem>>) semaphore(%arg10 : memref<!tpu.dma_semaphore, #tpu.memory_space<semaphore_mem>>)
        %dma_start3A_205 = arith.constant 0 : i32
        %dma_start3A_206 = arith.constant 0 : i32
        %dma_start3A_207 = tpu.memref_slice %arg7[%dma_start3A_205, %dma_start3A_206] : memref<2x128xi32, #tpu.memory_space<vmem>> -> memref<1x128xi32, #tpu.memory_space<vmem>>
        %dma_start3A_208 = tpu.memref_squeeze %dma_start3A_207 : memref<1x128xi32, #tpu.memory_space<vmem>> -> memref<128xi32, #tpu.memory_space<vmem>>
        %dma_start3A_209 = arith.constant 0 : i32
        %dma_start3A_210 = arith.constant 0 : i32
        %dma_start3A_211 = tpu.memref_slice %arg4[%add3A, %dma_start3A_209, %dma_start3A_210] : memref<32x80x128xi32, #tpu.memory_space<hbm>> -> memref<1x80x128xi32, #tpu.memory_space<hbm>>
        %dma_start3A_212 = tpu.memref_squeeze %dma_start3A_211 : memref<1x80x128xi32, #tpu.memory_space<hbm>> -> memref<80x128xi32, #tpu.memory_space<hbm>>
        %dma_start3A_213 = arith.constant 0 : i32
        %dma_start3A_214 = tpu.memref_slice %dma_start3A_212[%add3A_193, %dma_start3A_213] : memref<80x128xi32, #tpu.memory_space<hbm>> -> memref<1x128xi32, #tpu.memory_space<hbm>>
        %dma_start3A_215 = tpu.memref_squeeze %dma_start3A_214 : memref<1x128xi32, #tpu.memory_space<hbm>> -> memref<128xi32, #tpu.memory_space<hbm>>
        %dma_start3A_216 = arith.constant 0 : i32
        %dma_start3A_217 = tpu.memref_slice %arg7[%dma_start3A_205, %dma_start3A_216] : memref<2x128xi32, #tpu.memory_space<vmem>> -> memref<1x128xi32, #tpu.memory_space<vmem>>
        %dma_start3A_218 = tpu.memref_squeeze %dma_start3A_217 : memref<1x128xi32, #tpu.memory_space<vmem>> -> memref<128xi32, #tpu.memory_space<vmem>>
        %dma_start3A_219 = arith.constant 0 : i32
        %dma_start3A_220 = arith.constant 0 : i32
        %dma_start3A_221 = tpu.memref_slice %arg4[%add3A, %dma_start3A_219, %dma_start3A_220] : memref<32x80x128xi32, #tpu.memory_space<hbm>> -> memref<1x80x128xi32, #tpu.memory_space<hbm>>
        %dma_start3A_222 = tpu.memref_squeeze %dma_start3A_221 : memref<1x80x128xi32, #tpu.memory_space<hbm>> -> memref<80x128xi32, #tpu.memory_space<hbm>>
        %dma_start3A_223 = arith.constant 0 : i32
        %dma_start3A_224 = tpu.memref_slice %dma_start3A_222[%add3A_193, %dma_start3A_223] : memref<80x128xi32, #tpu.memory_space<hbm>> -> memref<1x128xi32, #tpu.memory_space<hbm>>
        %dma_start3A_225 = tpu.memref_squeeze %dma_start3A_224 : memref<1x128xi32, #tpu.memory_space<hbm>> -> memref<128xi32, #tpu.memory_space<hbm>>
        tpu.enqueue_dma source(%dma_start3A_225 : memref<128xi32, #tpu.memory_space<hbm>>) target(%dma_start3A_218 : memref<128xi32, #tpu.memory_space<vmem>>) target_semaphore(%arg10 : memref<!tpu.dma_semaphore, #tpu.memory_space<semaphore_mem>>)
      } else {
      }
      %add3A_149 = arith.constant 1 : i32
      %add3A_150 = arith.addi %add3A_109, %add3A_149 : i32
      %mul3A_151 = arith.constant 128 : i32
      %mul3A_152 = arith.muli %add3A_150, %mul3A_151 : i32
      %dma_wait3A_153 = arith.constant 1 : i32
      %dma_wait3A_154 = arith.constant 0 : i32
      %dma_wait3A_155 = arith.constant 0 : i32
      %dma_wait3A_156 = tpu.memref_slice %arg8[%dma_wait3A_153, %dma_wait3A_154, %dma_wait3A_155] : memref<2x128x128xf32, #tpu.memory_space<vmem>> -> memref<1x128x128xf32, #tpu.memory_space<vmem>>
      %dma_wait3A_157 = tpu.memref_squeeze %dma_wait3A_156 : memref<1x128x128xf32, #tpu.memory_space<vmem>> -> memref<128x128xf32, #tpu.memory_space<vmem>>
      %dma_wait3A_158 = tpu.memref_slice %arg6[%mul3A_152] : memref<10240xi32, #tpu.memory_space<vmem>> -> memref<128xi32, #tpu.memory_space<vmem>>
      %dma_wait3A_159 = arith.constant 0 : i32
      %dma_wait3A_160 = arith.constant 0 : i32
      %dma_wait3A_161 = tpu.memref_slice %arg2[%dma_wait3A_159, %dma_wait3A_160] : memref<10240x128xf32, #tpu.memory_space<hbm>> -> memref<10240x128xf32, #tpu.memory_space<hbm>>
      tpu.wait_indirect_dma semaphore(%arg11 : memref<!tpu.dma_semaphore, #tpu.memory_space<semaphore_mem>>) src(%dma_wait3A_161 : memref<10240x128xf32, #tpu.memory_space<hbm>>) dst(%dma_wait3A_157 : memref<128x128xf32, #tpu.memory_space<vmem>>)
      %dma_wait3A_162 = arith.constant 1 : i32
      %dma_wait3A_163 = arith.constant 0 : i32
      %dma_wait3A_164 = tpu.memref_slice %arg7[%dma_wait3A_162, %dma_wait3A_163] : memref<2x128xi32, #tpu.memory_space<vmem>> -> memref<1x128xi32, #tpu.memory_space<vmem>>
      %dma_wait3A_165 = tpu.memref_squeeze %dma_wait3A_164 : memref<1x128xi32, #tpu.memory_space<vmem>> -> memref<128xi32, #tpu.memory_space<vmem>>
      %dma_wait3A_166 = arith.constant 0 : i32
      %dma_wait3A_167 = arith.constant 0 : i32
      %dma_wait3A_168 = tpu.memref_slice %arg4[%add3A, %dma_wait3A_166, %dma_wait3A_167] : memref<32x80x128xi32, #tpu.memory_space<hbm>> -> memref<1x80x128xi32, #tpu.memory_space<hbm>>
      %dma_wait3A_169 = tpu.memref_squeeze %dma_wait3A_168 : memref<1x80x128xi32, #tpu.memory_space<hbm>> -> memref<80x128xi32, #tpu.memory_space<hbm>>
      %dma_wait3A_170 = arith.constant 0 : i32
      %dma_wait3A_171 = tpu.memref_slice %dma_wait3A_169[%add3A_150, %dma_wait3A_170] : memref<80x128xi32, #tpu.memory_space<hbm>> -> memref<1x128xi32, #tpu.memory_space<hbm>>
      %dma_wait3A_172 = tpu.memref_squeeze %dma_wait3A_171 : memref<1x128xi32, #tpu.memory_space<hbm>> -> memref<128xi32, #tpu.memory_space<hbm>>
      %dma_wait3A_173 = arith.constant 0 : i32
      %dma_wait3A_174 = tpu.memref_slice %arg7[%dma_wait3A_162, %dma_wait3A_173] : memref<2x128xi32, #tpu.memory_space<vmem>> -> memref<1x128xi32, #tpu.memory_space<vmem>>
      %dma_wait3A_175 = tpu.memref_squeeze %dma_wait3A_174 : memref<1x128xi32, #tpu.memory_space<vmem>> -> memref<128xi32, #tpu.memory_space<vmem>>
      %dma_wait3A_176 = arith.constant 0 : i32
      %dma_wait3A_177 = arith.constant 0 : i32
      %dma_wait3A_178 = tpu.memref_slice %arg4[%add3A, %dma_wait3A_176, %dma_wait3A_177] : memref<32x80x128xi32, #tpu.memory_space<hbm>> -> memref<1x80x128xi32, #tpu.memory_space<hbm>>
      %dma_wait3A_179 = tpu.memref_squeeze %dma_wait3A_178 : memref<1x80x128xi32, #tpu.memory_space<hbm>> -> memref<80x128xi32, #tpu.memory_space<hbm>>
      %dma_wait3A_180 = arith.constant 0 : i32
      %dma_wait3A_181 = tpu.memref_slice %dma_wait3A_179[%add3A_150, %dma_wait3A_180] : memref<80x128xi32, #tpu.memory_space<hbm>> -> memref<1x128xi32, #tpu.memory_space<hbm>>
      %dma_wait3A_182 = tpu.memref_squeeze %dma_wait3A_181 : memref<1x128xi32, #tpu.memory_space<hbm>> -> memref<128xi32, #tpu.memory_space<hbm>>
      tpu.wait_dma2 semaphore(%arg11 : memref<!tpu.dma_semaphore, #tpu.memory_space<semaphore_mem>>) src(%dma_wait3A_182 : memref<128xi32, #tpu.memory_space<hbm>>) dst(%dma_wait3A_175 : memref<128xi32, #tpu.memory_space<vmem>>)
      %run_scoped3A_183 = arith.constant 1 : i32
      %run_scoped3A_184 = arith.constant 1 : i32
      "tpu.region"() ({
        %run_scoped3A_192 = tpu.sem_alloc : memref<!tpu.dma_semaphore, #tpu.memory_space<semaphore_mem>>
        %dma_start3A_193 = arith.constant 0 : i32
        %dma_start3A_194 = arith.constant 0 : i32
        %dma_start3A_195 = tpu.memref_slice %arg8[%run_scoped3A_183, %dma_start3A_193, %dma_start3A_194] : memref<2x128x128xf32, #tpu.memory_space<vmem>> -> memref<1x128x128xf32, #tpu.memory_space<vmem>>
        %dma_start3A_196 = tpu.memref_squeeze %dma_start3A_195 : memref<1x128x128xf32, #tpu.memory_space<vmem>> -> memref<128x128xf32, #tpu.memory_space<vmem>>
        %dma_start3A_197 = arith.constant 0 : i32
        %dma_start3A_198 = tpu.memref_slice %arg7[%run_scoped3A_184, %dma_start3A_197] : memref<2x128xi32, #tpu.memory_space<vmem>> -> memref<1x128xi32, #tpu.memory_space<vmem>>
        %dma_start3A_199 = tpu.memref_squeeze %dma_start3A_198 : memref<1x128xi32, #tpu.memory_space<vmem>> -> memref<128xi32, #tpu.memory_space<vmem>>
        %dma_start3A_200 = arith.constant 0 : i32
        %dma_start3A_201 = arith.constant 0 : i32
        %dma_start3A_202 = tpu.memref_slice %arg9[%dma_start3A_200, %dma_start3A_201] : memref<10240x128xf32, #tpu.memory_space<vmem_shared>> -> memref<10240x128xf32, #tpu.memory_space<vmem_shared>>
        tpu.enqueue_indirect_dma source(%dma_start3A_196 : memref<128x128xf32, #tpu.memory_space<vmem>>) target(%dma_start3A_202 : memref<10240x128xf32, #tpu.memory_space<vmem_shared>>) offsets(%dma_start3A_199 : memref<128xi32, #tpu.memory_space<vmem>>) semaphore(%run_scoped3A_192 : memref<!tpu.dma_semaphore, #tpu.memory_space<semaphore_mem>>) {add = true}
        %dma_wait3A_203 = arith.constant 0 : i32
        %dma_wait3A_204 = arith.constant 0 : i32
        %dma_wait3A_205 = tpu.memref_slice %arg8[%run_scoped3A_183, %dma_wait3A_203, %dma_wait3A_204] : memref<2x128x128xf32, #tpu.memory_space<vmem>> -> memref<1x128x128xf32, #tpu.memory_space<vmem>>
        %dma_wait3A_206 = tpu.memref_squeeze %dma_wait3A_205 : memref<1x128x128xf32, #tpu.memory_space<vmem>> -> memref<128x128xf32, #tpu.memory_space<vmem>>
        %dma_wait3A_207 = arith.constant 0 : i32
        %dma_wait3A_208 = tpu.memref_slice %arg7[%run_scoped3A_184, %dma_wait3A_207] : memref<2x128xi32, #tpu.memory_space<vmem>> -> memref<1x128xi32, #tpu.memory_space<vmem>>
        %dma_wait3A_209 = tpu.memref_squeeze %dma_wait3A_208 : memref<1x128xi32, #tpu.memory_space<vmem>> -> memref<128xi32, #tpu.memory_space<vmem>>
        %dma_wait3A_210 = arith.constant 0 : i32
        %dma_wait3A_211 = arith.constant 0 : i32
        %dma_wait3A_212 = tpu.memref_slice %arg9[%dma_wait3A_210, %dma_wait3A_211] : memref<10240x128xf32, #tpu.memory_space<vmem_shared>> -> memref<10240x128xf32, #tpu.memory_space<vmem_shared>>
        tpu.wait_indirect_dma semaphore(%run_scoped3A_192 : memref<!tpu.dma_semaphore, #tpu.memory_space<semaphore_mem>>) src(%dma_wait3A_206 : memref<128x128xf32, #tpu.memory_space<vmem>>) dst(%dma_wait3A_212 : memref<10240x128xf32, #tpu.memory_space<vmem_shared>>)
        tpu.yield
      }) : () -> ()
      %add3A_185 = arith.constant 2 : i32
      %add3A_186 = arith.addi %add3A_150, %add3A_185 : i32
      %lt3A_187 = arith.constant 80 : i32
      %lt3A_188 = arith.cmpi slt, %add3A_186, %lt3A_187 : i32
      %convert_element_type3A_189 = arith.extui %lt3A_188 : i1 to i32
      %cond3A_190 = arith.constant 0 : i32
      %cond3A_191 = arith.cmpi ne, %convert_element_type3A_189, %cond3A_190 : i32
      scf.if %cond3A_191 {
        %add3A_192 = arith.constant 2 : i32
        %add3A_193 = arith.addi %add3A_150, %add3A_192 : i32
        %mul3A_194 = arith.constant 128 : i32
        %mul3A_195 = arith.muli %add3A_193, %mul3A_194 : i32
        %dma_start3A_196 = arith.constant 1 : i32
        %dma_start3A_197 = arith.constant 0 : i32
        %dma_start3A_198 = arith.constant 0 : i32
        %dma_start3A_199 = tpu.memref_slice %arg8[%dma_start3A_196, %dma_start3A_197, %dma_start3A_198] : memref<2x128x128xf32, #tpu.memory_space<vmem>> -> memref<1x128x128xf32, #tpu.memory_space<vmem>>
        %dma_start3A_200 = tpu.memref_squeeze %dma_start3A_199 : memref<1x128x128xf32, #tpu.memory_space<vmem>> -> memref<128x128xf32, #tpu.memory_space<vmem>>
        %dma_start3A_201 = tpu.memref_slice %arg6[%mul3A_195] : memref<10240xi32, #tpu.memory_space<vmem>> -> memref<128xi32, #tpu.memory_space<vmem>>
        %dma_start3A_202 = arith.constant 0 : i32
        %dma_start3A_203 = arith.constant 0 : i32
        %dma_start3A_204 = tpu.memref_slice %arg2[%dma_start3A_202, %dma_start3A_203] : memref<10240x128xf32, #tpu.memory_space<hbm>> -> memref<10240x128xf32, #tpu.memory_space<hbm>>
        tpu.enqueue_indirect_dma source(%dma_start3A_204 : memref<10240x128xf32, #tpu.memory_space<hbm>>) target(%dma_start3A_200 : memref<128x128xf32, #tpu.memory_space<vmem>>) offsets(%dma_start3A_201 : memref<128xi32, #tpu.memory_space<vmem>>) semaphore(%arg11 : memref<!tpu.dma_semaphore, #tpu.memory_space<semaphore_mem>>)
        %dma_start3A_205 = arith.constant 1 : i32
        %dma_start3A_206 = arith.constant 0 : i32
        %dma_start3A_207 = tpu.memref_slice %arg7[%dma_start3A_205, %dma_start3A_206] : memref<2x128xi32, #tpu.memory_space<vmem>> -> memref<1x128xi32, #tpu.memory_space<vmem>>
        %dma_start3A_208 = tpu.memref_squeeze %dma_start3A_207 : memref<1x128xi32, #tpu.memory_space<vmem>> -> memref<128xi32, #tpu.memory_space<vmem>>
        %dma_start3A_209 = arith.constant 0 : i32
        %dma_start3A_210 = arith.constant 0 : i32
        %dma_start3A_211 = tpu.memref_slice %arg4[%add3A, %dma_start3A_209, %dma_start3A_210] : memref<32x80x128xi32, #tpu.memory_space<hbm>> -> memref<1x80x128xi32, #tpu.memory_space<hbm>>
        %dma_start3A_212 = tpu.memref_squeeze %dma_start3A_211 : memref<1x80x128xi32, #tpu.memory_space<hbm>> -> memref<80x128xi32, #tpu.memory_space<hbm>>
        %dma_start3A_213 = arith.constant 0 : i32
        %dma_start3A_214 = tpu.memref_slice %dma_start3A_212[%add3A_193, %dma_start3A_213] : memref<80x128xi32, #tpu.memory_space<hbm>> -> memref<1x128xi32, #tpu.memory_space<hbm>>
        %dma_start3A_215 = tpu.memref_squeeze %dma_start3A_214 : memref<1x128xi32, #tpu.memory_space<hbm>> -> memref<128xi32, #tpu.memory_space<hbm>>
        %dma_start3A_216 = arith.constant 0 : i32
        %dma_start3A_217 = tpu.memref_slice %arg7[%dma_start3A_205, %dma_start3A_216] : memref<2x128xi32, #tpu.memory_space<vmem>> -> memref<1x128xi32, #tpu.memory_space<vmem>>
        %dma_start3A_218 = tpu.memref_squeeze %dma_start3A_217 : memref<1x128xi32, #tpu.memory_space<vmem>> -> memref<128xi32, #tpu.memory_space<vmem>>
        %dma_start3A_219 = arith.constant 0 : i32
        %dma_start3A_220 = arith.constant 0 : i32
        %dma_start3A_221 = tpu.memref_slice %arg4[%add3A, %dma_start3A_219, %dma_start3A_220] : memref<32x80x128xi32, #tpu.memory_space<hbm>> -> memref<1x80x128xi32, #tpu.memory_space<hbm>>
        %dma_start3A_222 = tpu.memref_squeeze %dma_start3A_221 : memref<1x80x128xi32, #tpu.memory_space<hbm>> -> memref<80x128xi32, #tpu.memory_space<hbm>>
        %dma_start3A_223 = arith.constant 0 : i32
        %dma_start3A_224 = tpu.memref_slice %dma_start3A_222[%add3A_193, %dma_start3A_223] : memref<80x128xi32, #tpu.memory_space<hbm>> -> memref<1x128xi32, #tpu.memory_space<hbm>>
        %dma_start3A_225 = tpu.memref_squeeze %dma_start3A_224 : memref<1x128xi32, #tpu.memory_space<hbm>> -> memref<128xi32, #tpu.memory_space<hbm>>
        tpu.enqueue_dma source(%dma_start3A_225 : memref<128xi32, #tpu.memory_space<hbm>>) target(%dma_start3A_218 : memref<128xi32, #tpu.memory_space<vmem>>) target_semaphore(%arg11 : memref<!tpu.dma_semaphore, #tpu.memory_space<semaphore_mem>>)
      } else {
      }
    }
    %scan3A_99 = arith.constant 40 : i32
    %barrier3A_100 = arith.constant 0 : index
    tpu.barrier barrier_id(%barrier3A_100)
    %mul3A_101 = arith.constant 640 : i32
    %mul3A_102 = arith.muli %arg1, %mul3A_101 : i32
    %mul3A_103 = arith.constant 640 : i32
    %mul3A_104 = arith.muli %arg1, %mul3A_103 : i32
    "tpu.region"() ({
      %run_scoped3A_105 = tpu.sem_alloc : memref<!tpu.dma_semaphore, #tpu.memory_space<semaphore_mem>>
      %dma_start3A_106 = arith.constant 0 : i32
      %dma_start3A_107 = arith.constant 0 : i32
      %dma_start3A_108 = tpu.memref_slice %arg5[%arg0, %dma_start3A_106, %dma_start3A_107] : memref<2x10240x128xf32, #tpu.memory_space<hbm>> -> memref<1x10240x128xf32, #tpu.memory_space<hbm>>
      %dma_start3A_109 = tpu.memref_squeeze %dma_start3A_108 : memref<1x10240x128xf32, #tpu.memory_space<hbm>> -> memref<10240x128xf32, #tpu.memory_space<hbm>>
      %dma_start3A_110 = arith.constant 0 : i32
      %dma_start3A_111 = tpu.memref_slice %dma_start3A_109[%mul3A_104, %dma_start3A_110] : memref<10240x128xf32, #tpu.memory_space<hbm>> -> memref<640x128xf32, #tpu.memory_space<hbm>>
      %dma_start3A_112 = arith.constant 0 : i32
      %dma_start3A_113 = tpu.memref_slice %arg9[%mul3A_102, %dma_start3A_112] : memref<10240x128xf32, #tpu.memory_space<vmem_shared>> -> memref<640x128xf32, #tpu.memory_space<vmem_shared>>
      tpu.enqueue_dma source(%dma_start3A_113 : memref<640x128xf32, #tpu.memory_space<vmem_shared>>) target(%dma_start3A_111 : memref<640x128xf32, #tpu.memory_space<hbm>>) target_semaphore(%run_scoped3A_105 : memref<!tpu.dma_semaphore, #tpu.memory_space<semaphore_mem>>)
      %dma_wait3A = arith.constant 0 : i32
      %dma_wait3A_114 = arith.constant 0 : i32
      %dma_wait3A_115 = tpu.memref_slice %arg5[%arg0, %dma_wait3A, %dma_wait3A_114] : memref<2x10240x128xf32, #tpu.memory_space<hbm>> -> memref<1x10240x128xf32, #tpu.memory_space<hbm>>
      %dma_wait3A_116 = tpu.memref_squeeze %dma_wait3A_115 : memref<1x10240x128xf32, #tpu.memory_space<hbm>> -> memref<10240x128xf32, #tpu.memory_space<hbm>>
      %dma_wait3A_117 = arith.constant 0 : i32
      %dma_wait3A_118 = tpu.memref_slice %dma_wait3A_116[%mul3A_104, %dma_wait3A_117] : memref<10240x128xf32, #tpu.memory_space<hbm>> -> memref<640x128xf32, #tpu.memory_space<hbm>>
      %dma_wait3A_119 = arith.constant 0 : i32
      %dma_wait3A_120 = tpu.memref_slice %arg9[%mul3A_102, %dma_wait3A_119] : memref<10240x128xf32, #tpu.memory_space<vmem_shared>> -> memref<640x128xf32, #tpu.memory_space<vmem_shared>>
      tpu.wait_dma2 semaphore(%run_scoped3A_105 : memref<!tpu.dma_semaphore, #tpu.memory_space<semaphore_mem>>) src(%dma_wait3A_120 : memref<640x128xf32, #tpu.memory_space<vmem_shared>>) dst(%dma_wait3A_118 : memref<640x128xf32, #tpu.memory_space<hbm>>)
      tpu.yield
    }) : () -> ()
    return
  }
}

#map = affine_map<(d0, d1) -> (0, 0)>
module attributes {stable_mosaic.version = 14 : i64} {
  func.func @_sc_degree(%arg0: i32, %arg1: i32, %arg2: memref<32x10240xi32, #tpu.memory_space<hbm>>, %arg3: memref<32x10240xf32, #tpu.memory_space<hbm>>, %arg4: memref<10240xi32, #tpu.memory_space<vmem>>, %arg5: memref<10240xf32, #tpu.memory_space<vmem>>) attributes {dimension_semantics = [#tpu.dimension_semantics<core_parallel>, #tpu.dimension_semantics<subcore_parallel>], iteration_bounds = array<i64: 2, 16>, scalar_prefetch = 0 : i64, scratch_operands = 2 : i64, tpu.core_type = #tpu.core_type<sc_vector_subcore>, window_params = [{transform_indices = #map}, {transform_indices = #map}]} {
    %mul3A = arith.constant 2 : i32
    %mul3A_0 = arith.muli %arg1, %mul3A : i32
    %add3A = arith.addi %mul3A_0, %arg0 : i32
    "tpu.region"() ({
      %run_scoped3A = tpu.sem_alloc : memref<!tpu.dma_semaphore, #tpu.memory_space<semaphore_mem>>
      %dma_start3A = arith.constant 0 : i32
      %dma_start3A_17 = tpu.memref_slice %arg2[%add3A, %dma_start3A] : memref<32x10240xi32, #tpu.memory_space<hbm>> -> memref<1x10240xi32, #tpu.memory_space<hbm>>
      %dma_start3A_18 = tpu.memref_squeeze %dma_start3A_17 : memref<1x10240xi32, #tpu.memory_space<hbm>> -> memref<10240xi32, #tpu.memory_space<hbm>>
      %dma_start3A_19 = arith.constant 0 : i32
      %dma_start3A_20 = tpu.memref_slice %arg2[%add3A, %dma_start3A_19] : memref<32x10240xi32, #tpu.memory_space<hbm>> -> memref<1x10240xi32, #tpu.memory_space<hbm>>
      %dma_start3A_21 = tpu.memref_squeeze %dma_start3A_20 : memref<1x10240xi32, #tpu.memory_space<hbm>> -> memref<10240xi32, #tpu.memory_space<hbm>>
      tpu.enqueue_dma source(%dma_start3A_21 : memref<10240xi32, #tpu.memory_space<hbm>>) target(%arg4 : memref<10240xi32, #tpu.memory_space<vmem>>) target_semaphore(%run_scoped3A : memref<!tpu.dma_semaphore, #tpu.memory_space<semaphore_mem>>)
      %dma_wait3A = arith.constant 0 : i32
      %dma_wait3A_22 = tpu.memref_slice %arg2[%add3A, %dma_wait3A] : memref<32x10240xi32, #tpu.memory_space<hbm>> -> memref<1x10240xi32, #tpu.memory_space<hbm>>
      %dma_wait3A_23 = tpu.memref_squeeze %dma_wait3A_22 : memref<1x10240xi32, #tpu.memory_space<hbm>> -> memref<10240xi32, #tpu.memory_space<hbm>>
      %dma_wait3A_24 = arith.constant 0 : i32
      %dma_wait3A_25 = tpu.memref_slice %arg2[%add3A, %dma_wait3A_24] : memref<32x10240xi32, #tpu.memory_space<hbm>> -> memref<1x10240xi32, #tpu.memory_space<hbm>>
      %dma_wait3A_26 = tpu.memref_squeeze %dma_wait3A_25 : memref<1x10240xi32, #tpu.memory_space<hbm>> -> memref<10240xi32, #tpu.memory_space<hbm>>
      tpu.wait_dma2 semaphore(%run_scoped3A : memref<!tpu.dma_semaphore, #tpu.memory_space<semaphore_mem>>) src(%dma_wait3A_26 : memref<10240xi32, #tpu.memory_space<hbm>>) dst(%arg4 : memref<10240xi32, #tpu.memory_space<vmem>>)
      tpu.yield
    }) : () -> ()
    %broadcast_in_dim3A = arith.constant 1.000000e+00 : f32
    %broadcast_in_dim3A_1 = vector.broadcast %broadcast_in_dim3A : f32 to vector<16xf32>
    %broadcast_in_dim3A_2 = arith.constant 0.000000e+00 : f32
    %broadcast_in_dim3A_3 = vector.broadcast %broadcast_in_dim3A_2 : f32 to vector<16xf32>
    %scan3A = arith.constant 0 : i32
    %scan3A_4 = arith.constant 0 : i32
    %scan3A_5 = arith.constant 640 : i32
    %scan3A_6 = arith.addi %scan3A_4, %scan3A_5 : i32
    %scan3A_7 = arith.constant 1 : i32
    %scan3A_8 = scf.for %scan3A_17 = %scan3A_4 to %scan3A_6 step %scan3A_7 iter_args(%scan3A_18 = %scan3A) -> (i32)  : i32 {
      %mul3A_19 = arith.constant 16 : i32
      %mul3A_20 = arith.muli %scan3A_17, %mul3A_19 : i32
      %swap3A = arith.index_cast %mul3A_20 : i32 to index
      %swap3A_21 = tpu.vector_load %arg5[%swap3A] {strides = array<i32>} : memref<10240xf32, #tpu.memory_space<vmem>>, vector<16xf32>,
      tpu.vector_store %arg5[%swap3A], %broadcast_in_dim3A_3 {strides = array<i32>} : memref<10240xf32, #tpu.memory_space<vmem>>, vector<16xf32>,
      %scan3A_22 = arith.constant 0 : i32
      scf.yield %scan3A_22 : i32
    }
    %scan3A_9 = arith.constant 640 : i32
    %scan3A_10 = arith.constant 0 : i32
    %scan3A_11 = arith.constant 0 : i32
    %scan3A_12 = arith.constant 640 : i32
    %scan3A_13 = arith.addi %scan3A_11, %scan3A_12 : i32
    %scan3A_14 = arith.constant 1 : i32
    %scan3A_15 = scf.for %scan3A_17 = %scan3A_11 to %scan3A_13 step %scan3A_14 iter_args(%scan3A_18 = %scan3A_10) -> (i32)  : i32 {
      %mul3A_19 = arith.constant 16 : i32
      %mul3A_20 = arith.muli %scan3A_17, %mul3A_19 : i32
      %get3A = arith.index_cast %mul3A_20 : i32 to index
      %get3A_21 = tpu.vector_load %arg4[%get3A] {strides = array<i32>} : memref<10240xi32, #tpu.memory_space<vmem>>, vector<16xi32>,
      tpu.vector_store_idx %arg5[%get3A_21], %broadcast_in_dim3A_1 {add = true} : memref<10240xf32, #tpu.memory_space<vmem>>[vector<16xi32>], vector<16xf32>,
      %scan3A_22 = arith.constant 0 : i32
      scf.yield %scan3A_22 : i32
    }
    %scan3A_16 = arith.constant 640 : i32
    "tpu.region"() ({
      %run_scoped3A = tpu.sem_alloc : memref<!tpu.dma_semaphore, #tpu.memory_space<semaphore_mem>>
      %dma_start3A = arith.constant 0 : i32
      %dma_start3A_17 = tpu.memref_slice %arg3[%add3A, %dma_start3A] : memref<32x10240xf32, #tpu.memory_space<hbm>> -> memref<1x10240xf32, #tpu.memory_space<hbm>>
      %dma_start3A_18 = tpu.memref_squeeze %dma_start3A_17 : memref<1x10240xf32, #tpu.memory_space<hbm>> -> memref<10240xf32, #tpu.memory_space<hbm>>
      %dma_start3A_19 = arith.constant 0 : i32
      %dma_start3A_20 = tpu.memref_slice %arg3[%add3A, %dma_start3A_19] : memref<32x10240xf32, #tpu.memory_space<hbm>> -> memref<1x10240xf32, #tpu.memory_space<hbm>>
      %dma_start3A_21 = tpu.memref_squeeze %dma_start3A_20 : memref<1x10240xf32, #tpu.memory_space<hbm>> -> memref<10240xf32, #tpu.memory_space<hbm>>
      tpu.enqueue_dma source(%arg5 : memref<10240xf32, #tpu.memory_space<vmem>>) target(%dma_start3A_21 : memref<10240xf32, #tpu.memory_space<hbm>>) target_semaphore(%run_scoped3A : memref<!tpu.dma_semaphore, #tpu.memory_space<semaphore_mem>>)
      %dma_wait3A = arith.constant 0 : i32
      %dma_wait3A_22 = tpu.memref_slice %arg3[%add3A, %dma_wait3A] : memref<32x10240xf32, #tpu.memory_space<hbm>> -> memref<1x10240xf32, #tpu.memory_space<hbm>>
      %dma_wait3A_23 = tpu.memref_squeeze %dma_wait3A_22 : memref<1x10240xf32, #tpu.memory_space<hbm>> -> memref<10240xf32, #tpu.memory_space<hbm>>
      %dma_wait3A_24 = arith.constant 0 : i32
      %dma_wait3A_25 = tpu.memref_slice %arg3[%add3A, %dma_wait3A_24] : memref<32x10240xf32, #tpu.memory_space<hbm>> -> memref<1x10240xf32, #tpu.memory_space<hbm>>
      %dma_wait3A_26 = tpu.memref_squeeze %dma_wait3A_25 : memref<1x10240xf32, #tpu.memory_space<hbm>> -> memref<10240xf32, #tpu.memory_space<hbm>>
      tpu.wait_dma2 semaphore(%run_scoped3A : memref<!tpu.dma_semaphore, #tpu.memory_space<semaphore_mem>>) src(%arg5 : memref<10240xf32, #tpu.memory_space<vmem>>) dst(%dma_wait3A_26 : memref<10240xf32, #tpu.memory_space<hbm>>)
      tpu.yield
    }) : () -> ()
    return
  }
}

#map = affine_map<(d0, d1) -> (0, 0)>
#map1 = affine_map<(d0, d1) -> (0, 0, 0)>
module attributes {stable_mosaic.version = 14 : i64} {
  func.func @_sc_aggregate(%arg0: i32, %arg1: i32, %arg2: memref<10240x128xf32, #tpu.memory_space<hbm>>, %arg3: memref<32x10240xi32, #tpu.memory_space<hbm>>, %arg4: memref<32x80x128xi32, #tpu.memory_space<hbm>>, %arg5: memref<2x10240x128xf32, #tpu.memory_space<hbm>>, %arg6: memref<10240xi32, #tpu.memory_space<vmem>>, %arg7: memref<2x128xi32, #tpu.memory_space<vmem>>, %arg8: memref<2x128x128xf32, #tpu.memory_space<vmem>>, %arg9: memref<10240x128xf32, #tpu.memory_space<vmem_shared>>, %arg10: memref<!tpu.dma_semaphore, #tpu.memory_space<semaphore_mem>>, %arg11: memref<!tpu.dma_semaphore, #tpu.memory_space<semaphore_mem>>) attributes {dimension_semantics = [#tpu.dimension_semantics<core_parallel>, #tpu.dimension_semantics<subcore_parallel>], iteration_bounds = array<i64: 2, 16>, scalar_prefetch = 0 : i64, scratch_operands = 6 : i64, tpu.core_type = #tpu.core_type<sc_vector_subcore>, window_params = [{transform_indices = #map}, {transform_indices = #map}, {transform_indices = #map1}, {transform_indices = #map1}]} {
    %mul3A = arith.constant 2 : i32
    %mul3A_0 = arith.muli %arg1, %mul3A : i32
    %add3A = arith.addi %mul3A_0, %arg0 : i32
    "tpu.region"() ({
      %run_scoped3A_105 = tpu.sem_alloc : memref<!tpu.dma_semaphore, #tpu.memory_space<semaphore_mem>>
      %dma_start3A_106 = arith.constant 0 : i32
      %dma_start3A_107 = tpu.memref_slice %arg3[%add3A, %dma_start3A_106] : memref<32x10240xi32, #tpu.memory_space<hbm>> -> memref<1x10240xi32, #tpu.memory_space<hbm>>
      %dma_start3A_108 = tpu.memref_squeeze %dma_start3A_107 : memref<1x10240xi32, #tpu.memory_space<hbm>> -> memref<10240xi32, #tpu.memory_space<hbm>>
      %dma_start3A_109 = arith.constant 0 : i32
      %dma_start3A_110 = tpu.memref_slice %arg3[%add3A, %dma_start3A_109] : memref<32x10240xi32, #tpu.memory_space<hbm>> -> memref<1x10240xi32, #tpu.memory_space<hbm>>
      %dma_start3A_111 = tpu.memref_squeeze %dma_start3A_110 : memref<1x10240xi32, #tpu.memory_space<hbm>> -> memref<10240xi32, #tpu.memory_space<hbm>>
      tpu.enqueue_dma source(%dma_start3A_111 : memref<10240xi32, #tpu.memory_space<hbm>>) target(%arg6 : memref<10240xi32, #tpu.memory_space<vmem>>) target_semaphore(%run_scoped3A_105 : memref<!tpu.dma_semaphore, #tpu.memory_space<semaphore_mem>>)
      %dma_wait3A = arith.constant 0 : i32
      %dma_wait3A_112 = tpu.memref_slice %arg3[%add3A, %dma_wait3A] : memref<32x10240xi32, #tpu.memory_space<hbm>> -> memref<1x10240xi32, #tpu.memory_space<hbm>>
      %dma_wait3A_113 = tpu.memref_squeeze %dma_wait3A_112 : memref<1x10240xi32, #tpu.memory_space<hbm>> -> memref<10240xi32, #tpu.memory_space<hbm>>
      %dma_wait3A_114 = arith.constant 0 : i32
      %dma_wait3A_115 = tpu.memref_slice %arg3[%add3A, %dma_wait3A_114] : memref<32x10240xi32, #tpu.memory_space<hbm>> -> memref<1x10240xi32, #tpu.memory_space<hbm>>
      %dma_wait3A_116 = tpu.memref_squeeze %dma_wait3A_115 : memref<1x10240xi32, #tpu.memory_space<hbm>> -> memref<10240xi32, #tpu.memory_space<hbm>>
      tpu.wait_dma2 semaphore(%run_scoped3A_105 : memref<!tpu.dma_semaphore, #tpu.memory_space<semaphore_mem>>) src(%dma_wait3A_116 : memref<10240xi32, #tpu.memory_space<hbm>>) dst(%arg6 : memref<10240xi32, #tpu.memory_space<vmem>>)
      tpu.yield
    }) : () -> ()
    %broadcast_in_dim3A = arith.constant 0.000000e+00 : f32
    %broadcast_in_dim3A_1 = vector.broadcast %broadcast_in_dim3A : f32 to vector<16xf32>
    %scan3A = arith.constant 0 : i32
    %scan3A_2 = arith.constant 0 : i32
    %scan3A_3 = arith.constant 128 : i32
    %scan3A_4 = arith.addi %scan3A_2, %scan3A_3 : i32
    %scan3A_5 = arith.constant 1 : i32
    %scan3A_6 = scf.for %scan3A_105 = %scan3A_2 to %scan3A_4 step %scan3A_5 iter_args(%scan3A_106 = %scan3A) -> (i32)  : i32 {
      %scan3A_107 = arith.constant 0 : i32
      %scan3A_108 = arith.constant 0 : i32
      %scan3A_109 = arith.constant 8 : i32
      %scan3A_110 = arith.addi %scan3A_108, %scan3A_109 : i32
      %scan3A_111 = arith.constant 1 : i32
      %scan3A_112 = scf.for %scan3A_114 = %scan3A_108 to %scan3A_110 step %scan3A_111 iter_args(%scan3A_115 = %scan3A_107) -> (i32)  : i32 {
        %mul3A_116 = arith.constant 16 : i32
        %mul3A_117 = arith.muli %scan3A_114, %mul3A_116 : i32
        %swap3A = arith.constant 0 : i32
        %swap3A_118 = arith.index_cast %swap3A : i32 to index
        %swap3A_119 = arith.index_cast %scan3A_105 : i32 to index
        %swap3A_120 = arith.index_cast %mul3A_117 : i32 to index
        %swap3A_121 = tpu.vector_load %arg8[%swap3A_118, %swap3A_119, %swap3A_120] {strides = array<i32>} : memref<2x128x128xf32, #tpu.memory_space<vmem>>, vector<16xf32>,
        tpu.vector_store %arg8[%swap3A_118, %swap3A_119, %swap3A_120], %broadcast_in_dim3A_1 {strides = array<i32>} : memref<2x128x128xf32, #tpu.memory_space<vmem>>, vector<16xf32>,
        %scan3A_122 = arith.constant 0 : i32
        scf.yield %scan3A_122 : i32
      }
      %scan3A_113 = arith.constant 8 : i32
      scf.yield %scan3A_112 : i32
    }
    %scan3A_7 = arith.constant 128 : i32
    %mul3A_8 = arith.constant 640 : i32
    %mul3A_9 = arith.muli %arg1, %mul3A_8 : i32
    %add3A_10 = arith.constant 0 : i32
    %add3A_11 = arith.addi %mul3A_9, %add3A_10 : i32
    %run_scoped3A = arith.constant 0 : i32
    "tpu.region"() ({
      %run_scoped3A_105 = tpu.sem_alloc : memref<!tpu.dma_semaphore, #tpu.memory_space<semaphore_mem>>
      %dma_start3A_106 = arith.constant 0 : i32
      %dma_start3A_107 = arith.constant 0 : i32
      %dma_start3A_108 = tpu.memref_slice %arg8[%run_scoped3A, %dma_start3A_106, %dma_start3A_107] : memref<2x128x128xf32, #tpu.memory_space<vmem>> -> memref<1x128x128xf32, #tpu.memory_space<vmem>>
      %dma_start3A_109 = tpu.memref_squeeze %dma_start3A_108 : memref<1x128x128xf32, #tpu.memory_space<vmem>> -> memref<128x128xf32, #tpu.memory_space<vmem>>
      %dma_start3A_110 = arith.constant 0 : i32
      %dma_start3A_111 = tpu.memref_slice %arg9[%add3A_11, %dma_start3A_110] : memref<10240x128xf32, #tpu.memory_space<vmem_shared>> -> memref<128x128xf32, #tpu.memory_space<vmem_shared>>
      %dma_start3A_112 = arith.constant 0 : i32
      %dma_start3A_113 = tpu.memref_slice %arg9[%add3A_11, %dma_start3A_112] : memref<10240x128xf32, #tpu.memory_space<vmem_shared>> -> memref<128x128xf32, #tpu.memory_space<vmem_shared>>
      %dma_start3A_114 = arith.constant 0 : i32
      %dma_start3A_115 = arith.constant 0 : i32
      %dma_start3A_116 = tpu.memref_slice %arg8[%run_scoped3A, %dma_start3A_114, %dma_start3A_115] : memref<2x128x128xf32, #tpu.memory_space<vmem>> -> memref<1x128x128xf32, #tpu.memory_space<vmem>>
      %dma_start3A_117 = tpu.memref_squeeze %dma_start3A_116 : memref<1x128x128xf32, #tpu.memory_space<vmem>> -> memref<128x128xf32, #tpu.memory_space<vmem>>
      tpu.enqueue_dma source(%dma_start3A_117 : memref<128x128xf32, #tpu.memory_space<vmem>>) target(%dma_start3A_113 : memref<128x128xf32, #tpu.memory_space<vmem_shared>>) target_semaphore(%run_scoped3A_105 : memref<!tpu.dma_semaphore, #tpu.memory_space<semaphore_mem>>)
      %dma_wait3A = arith.constant 0 : i32
      %dma_wait3A_118 = arith.constant 0 : i32
      %dma_wait3A_119 = tpu.memref_slice %arg8[%run_scoped3A, %dma_wait3A, %dma_wait3A_118] : memref<2x128x128xf32, #tpu.memory_space<vmem>> -> memref<1x128x128xf32, #tpu.memory_space<vmem>>
      %dma_wait3A_120 = tpu.memref_squeeze %dma_wait3A_119 : memref<1x128x128xf32, #tpu.memory_space<vmem>> -> memref<128x128xf32, #tpu.memory_space<vmem>>
      %dma_wait3A_121 = arith.constant 0 : i32
      %dma_wait3A_122 = tpu.memref_slice %arg9[%add3A_11, %dma_wait3A_121] : memref<10240x128xf32, #tpu.memory_space<vmem_shared>> -> memref<128x128xf32, #tpu.memory_space<vmem_shared>>
      %dma_wait3A_123 = arith.constant 0 : i32
      %dma_wait3A_124 = tpu.memref_slice %arg9[%add3A_11, %dma_wait3A_123] : memref<10240x128xf32, #tpu.memory_space<vmem_shared>> -> memref<128x128xf32, #tpu.memory_space<vmem_shared>>
      %dma_wait3A_125 = arith.constant 0 : i32
      %dma_wait3A_126 = arith.constant 0 : i32
      %dma_wait3A_127 = tpu.memref_slice %arg8[%run_scoped3A, %dma_wait3A_125, %dma_wait3A_126] : memref<2x128x128xf32, #tpu.memory_space<vmem>> -> memref<1x128x128xf32, #tpu.memory_space<vmem>>
      %dma_wait3A_128 = tpu.memref_squeeze %dma_wait3A_127 : memref<1x128x128xf32, #tpu.memory_space<vmem>> -> memref<128x128xf32, #tpu.memory_space<vmem>>
      tpu.wait_dma2 semaphore(%run_scoped3A_105 : memref<!tpu.dma_semaphore, #tpu.memory_space<semaphore_mem>>) src(%dma_wait3A_128 : memref<128x128xf32, #tpu.memory_space<vmem>>) dst(%dma_wait3A_124 : memref<128x128xf32, #tpu.memory_space<vmem_shared>>)
      tpu.yield
    }) : () -> ()
    %mul3A_12 = arith.constant 640 : i32
    %mul3A_13 = arith.muli %arg1, %mul3A_12 : i32
    %add3A_14 = arith.constant 128 : i32
    %add3A_15 = arith.addi %mul3A_13, %add3A_14 : i32
    %run_scoped3A_16 = arith.constant 0 : i32
    "tpu.region"() ({
      %run_scoped3A_105 = tpu.sem_alloc : memref<!tpu.dma_semaphore, #tpu.memory_space<semaphore_mem>>
      %dma_start3A_106 = arith.constant 0 : i32
      %dma_start3A_107 = arith.constant 0 : i32
      %dma_start3A_108 = tpu.memref_slice %arg8[%run_scoped3A_16, %dma_start3A_106, %dma_start3A_107] : memref<2x128x128xf32, #tpu.memory_space<vmem>> -> memref<1x128x128xf32, #tpu.memory_space<vmem>>
      %dma_start3A_109 = tpu.memref_squeeze %dma_start3A_108 : memref<1x128x128xf32, #tpu.memory_space<vmem>> -> memref<128x128xf32, #tpu.memory_space<vmem>>
      %dma_start3A_110 = arith.constant 0 : i32
      %dma_start3A_111 = tpu.memref_slice %arg9[%add3A_15, %dma_start3A_110] : memref<10240x128xf32, #tpu.memory_space<vmem_shared>> -> memref<128x128xf32, #tpu.memory_space<vmem_shared>>
      %dma_start3A_112 = arith.constant 0 : i32
      %dma_start3A_113 = tpu.memref_slice %arg9[%add3A_15, %dma_start3A_112] : memref<10240x128xf32, #tpu.memory_space<vmem_shared>> -> memref<128x128xf32, #tpu.memory_space<vmem_shared>>
      %dma_start3A_114 = arith.constant 0 : i32
      %dma_start3A_115 = arith.constant 0 : i32
      %dma_start3A_116 = tpu.memref_slice %arg8[%run_scoped3A_16, %dma_start3A_114, %dma_start3A_115] : memref<2x128x128xf32, #tpu.memory_space<vmem>> -> memref<1x128x128xf32, #tpu.memory_space<vmem>>
      %dma_start3A_117 = tpu.memref_squeeze %dma_start3A_116 : memref<1x128x128xf32, #tpu.memory_space<vmem>> -> memref<128x128xf32, #tpu.memory_space<vmem>>
      tpu.enqueue_dma source(%dma_start3A_117 : memref<128x128xf32, #tpu.memory_space<vmem>>) target(%dma_start3A_113 : memref<128x128xf32, #tpu.memory_space<vmem_shared>>) target_semaphore(%run_scoped3A_105 : memref<!tpu.dma_semaphore, #tpu.memory_space<semaphore_mem>>)
      %dma_wait3A = arith.constant 0 : i32
      %dma_wait3A_118 = arith.constant 0 : i32
      %dma_wait3A_119 = tpu.memref_slice %arg8[%run_scoped3A_16, %dma_wait3A, %dma_wait3A_118] : memref<2x128x128xf32, #tpu.memory_space<vmem>> -> memref<1x128x128xf32, #tpu.memory_space<vmem>>
      %dma_wait3A_120 = tpu.memref_squeeze %dma_wait3A_119 : memref<1x128x128xf32, #tpu.memory_space<vmem>> -> memref<128x128xf32, #tpu.memory_space<vmem>>
      %dma_wait3A_121 = arith.constant 0 : i32
      %dma_wait3A_122 = tpu.memref_slice %arg9[%add3A_15, %dma_wait3A_121] : memref<10240x128xf32, #tpu.memory_space<vmem_shared>> -> memref<128x128xf32, #tpu.memory_space<vmem_shared>>
      %dma_wait3A_123 = arith.constant 0 : i32
      %dma_wait3A_124 = tpu.memref_slice %arg9[%add3A_15, %dma_wait3A_123] : memref<10240x128xf32, #tpu.memory_space<vmem_shared>> -> memref<128x128xf32, #tpu.memory_space<vmem_shared>>
      %dma_wait3A_125 = arith.constant 0 : i32
      %dma_wait3A_126 = arith.constant 0 : i32
      %dma_wait3A_127 = tpu.memref_slice %arg8[%run_scoped3A_16, %dma_wait3A_125, %dma_wait3A_126] : memref<2x128x128xf32, #tpu.memory_space<vmem>> -> memref<1x128x128xf32, #tpu.memory_space<vmem>>
      %dma_wait3A_128 = tpu.memref_squeeze %dma_wait3A_127 : memref<1x128x128xf32, #tpu.memory_space<vmem>> -> memref<128x128xf32, #tpu.memory_space<vmem>>
      tpu.wait_dma2 semaphore(%run_scoped3A_105 : memref<!tpu.dma_semaphore, #tpu.memory_space<semaphore_mem>>) src(%dma_wait3A_128 : memref<128x128xf32, #tpu.memory_space<vmem>>) dst(%dma_wait3A_124 : memref<128x128xf32, #tpu.memory_space<vmem_shared>>)
      tpu.yield
    }) : () -> ()
    %mul3A_17 = arith.constant 640 : i32
    %mul3A_18 = arith.muli %arg1, %mul3A_17 : i32
    %add3A_19 = arith.constant 256 : i32
    %add3A_20 = arith.addi %mul3A_18, %add3A_19 : i32
    %run_scoped3A_21 = arith.constant 0 : i32
    "tpu.region"() ({
      %run_scoped3A_105 = tpu.sem_alloc : memref<!tpu.dma_semaphore, #tpu.memory_space<semaphore_mem>>
      %dma_start3A_106 = arith.constant 0 : i32
      %dma_start3A_107 = arith.constant 0 : i32
      %dma_start3A_108 = tpu.memref_slice %arg8[%run_scoped3A_21, %dma_start3A_106, %dma_start3A_107] : memref<2x128x128xf32, #tpu.memory_space<vmem>> -> memref<1x128x128xf32, #tpu.memory_space<vmem>>
      %dma_start3A_109 = tpu.memref_squeeze %dma_start3A_108 : memref<1x128x128xf32, #tpu.memory_space<vmem>> -> memref<128x128xf32, #tpu.memory_space<vmem>>
      %dma_start3A_110 = arith.constant 0 : i32
      %dma_start3A_111 = tpu.memref_slice %arg9[%add3A_20, %dma_start3A_110] : memref<10240x128xf32, #tpu.memory_space<vmem_shared>> -> memref<128x128xf32, #tpu.memory_space<vmem_shared>>
      %dma_start3A_112 = arith.constant 0 : i32
      %dma_start3A_113 = tpu.memref_slice %arg9[%add3A_20, %dma_start3A_112] : memref<10240x128xf32, #tpu.memory_space<vmem_shared>> -> memref<128x128xf32, #tpu.memory_space<vmem_shared>>
      %dma_start3A_114 = arith.constant 0 : i32
      %dma_start3A_115 = arith.constant 0 : i32
      %dma_start3A_116 = tpu.memref_slice %arg8[%run_scoped3A_21, %dma_start3A_114, %dma_start3A_115] : memref<2x128x128xf32, #tpu.memory_space<vmem>> -> memref<1x128x128xf32, #tpu.memory_space<vmem>>
      %dma_start3A_117 = tpu.memref_squeeze %dma_start3A_116 : memref<1x128x128xf32, #tpu.memory_space<vmem>> -> memref<128x128xf32, #tpu.memory_space<vmem>>
      tpu.enqueue_dma source(%dma_start3A_117 : memref<128x128xf32, #tpu.memory_space<vmem>>) target(%dma_start3A_113 : memref<128x128xf32, #tpu.memory_space<vmem_shared>>) target_semaphore(%run_scoped3A_105 : memref<!tpu.dma_semaphore, #tpu.memory_space<semaphore_mem>>)
      %dma_wait3A = arith.constant 0 : i32
      %dma_wait3A_118 = arith.constant 0 : i32
      %dma_wait3A_119 = tpu.memref_slice %arg8[%run_scoped3A_21, %dma_wait3A, %dma_wait3A_118] : memref<2x128x128xf32, #tpu.memory_space<vmem>> -> memref<1x128x128xf32, #tpu.memory_space<vmem>>
      %dma_wait3A_120 = tpu.memref_squeeze %dma_wait3A_119 : memref<1x128x128xf32, #tpu.memory_space<vmem>> -> memref<128x128xf32, #tpu.memory_space<vmem>>
      %dma_wait3A_121 = arith.constant 0 : i32
      %dma_wait3A_122 = tpu.memref_slice %arg9[%add3A_20, %dma_wait3A_121] : memref<10240x128xf32, #tpu.memory_space<vmem_shared>> -> memref<128x128xf32, #tpu.memory_space<vmem_shared>>
      %dma_wait3A_123 = arith.constant 0 : i32
      %dma_wait3A_124 = tpu.memref_slice %arg9[%add3A_20, %dma_wait3A_123] : memref<10240x128xf32, #tpu.memory_space<vmem_shared>> -> memref<128x128xf32, #tpu.memory_space<vmem_shared>>
      %dma_wait3A_125 = arith.constant 0 : i32
      %dma_wait3A_126 = arith.constant 0 : i32
      %dma_wait3A_127 = tpu.memref_slice %arg8[%run_scoped3A_21, %dma_wait3A_125, %dma_wait3A_126] : memref<2x128x128xf32, #tpu.memory_space<vmem>> -> memref<1x128x128xf32, #tpu.memory_space<vmem>>
      %dma_wait3A_128 = tpu.memref_squeeze %dma_wait3A_127 : memref<1x128x128xf32, #tpu.memory_space<vmem>> -> memref<128x128xf32, #tpu.memory_space<vmem>>
      tpu.wait_dma2 semaphore(%run_scoped3A_105 : memref<!tpu.dma_semaphore, #tpu.memory_space<semaphore_mem>>) src(%dma_wait3A_128 : memref<128x128xf32, #tpu.memory_space<vmem>>) dst(%dma_wait3A_124 : memref<128x128xf32, #tpu.memory_space<vmem_shared>>)
      tpu.yield
    }) : () -> ()
    %mul3A_22 = arith.constant 640 : i32
    %mul3A_23 = arith.muli %arg1, %mul3A_22 : i32
    %add3A_24 = arith.constant 384 : i32
    %add3A_25 = arith.addi %mul3A_23, %add3A_24 : i32
    %run_scoped3A_26 = arith.constant 0 : i32
    "tpu.region"() ({
      %run_scoped3A_105 = tpu.sem_alloc : memref<!tpu.dma_semaphore, #tpu.memory_space<semaphore_mem>>
      %dma_start3A_106 = arith.constant 0 : i32
      %dma_start3A_107 = arith.constant 0 : i32
      %dma_start3A_108 = tpu.memref_slice %arg8[%run_scoped3A_26, %dma_start3A_106, %dma_start3A_107] : memref<2x128x128xf32, #tpu.memory_space<vmem>> -> memref<1x128x128xf32, #tpu.memory_space<vmem>>
      %dma_start3A_109 = tpu.memref_squeeze %dma_start3A_108 : memref<1x128x128xf32, #tpu.memory_space<vmem>> -> memref<128x128xf32, #tpu.memory_space<vmem>>
      %dma_start3A_110 = arith.constant 0 : i32
      %dma_start3A_111 = tpu.memref_slice %arg9[%add3A_25, %dma_start3A_110] : memref<10240x128xf32, #tpu.memory_space<vmem_shared>> -> memref<128x128xf32, #tpu.memory_space<vmem_shared>>
      %dma_start3A_112 = arith.constant 0 : i32
      %dma_start3A_113 = tpu.memref_slice %arg9[%add3A_25, %dma_start3A_112] : memref<10240x128xf32, #tpu.memory_space<vmem_shared>> -> memref<128x128xf32, #tpu.memory_space<vmem_shared>>
      %dma_start3A_114 = arith.constant 0 : i32
      %dma_start3A_115 = arith.constant 0 : i32
      %dma_start3A_116 = tpu.memref_slice %arg8[%run_scoped3A_26, %dma_start3A_114, %dma_start3A_115] : memref<2x128x128xf32, #tpu.memory_space<vmem>> -> memref<1x128x128xf32, #tpu.memory_space<vmem>>
      %dma_start3A_117 = tpu.memref_squeeze %dma_start3A_116 : memref<1x128x128xf32, #tpu.memory_space<vmem>> -> memref<128x128xf32, #tpu.memory_space<vmem>>
      tpu.enqueue_dma source(%dma_start3A_117 : memref<128x128xf32, #tpu.memory_space<vmem>>) target(%dma_start3A_113 : memref<128x128xf32, #tpu.memory_space<vmem_shared>>) target_semaphore(%run_scoped3A_105 : memref<!tpu.dma_semaphore, #tpu.memory_space<semaphore_mem>>)
      %dma_wait3A = arith.constant 0 : i32
      %dma_wait3A_118 = arith.constant 0 : i32
      %dma_wait3A_119 = tpu.memref_slice %arg8[%run_scoped3A_26, %dma_wait3A, %dma_wait3A_118] : memref<2x128x128xf32, #tpu.memory_space<vmem>> -> memref<1x128x128xf32, #tpu.memory_space<vmem>>
      %dma_wait3A_120 = tpu.memref_squeeze %dma_wait3A_119 : memref<1x128x128xf32, #tpu.memory_space<vmem>> -> memref<128x128xf32, #tpu.memory_space<vmem>>
      %dma_wait3A_121 = arith.constant 0 : i32
      %dma_wait3A_122 = tpu.memref_slice %arg9[%add3A_25, %dma_wait3A_121] : memref<10240x128xf32, #tpu.memory_space<vmem_shared>> -> memref<128x128xf32, #tpu.memory_space<vmem_shared>>
      %dma_wait3A_123 = arith.constant 0 : i32
      %dma_wait3A_124 = tpu.memref_slice %arg9[%add3A_25, %dma_wait3A_123] : memref<10240x128xf32, #tpu.memory_space<vmem_shared>> -> memref<128x128xf32, #tpu.memory_space<vmem_shared>>
      %dma_wait3A_125 = arith.constant 0 : i32
      %dma_wait3A_126 = arith.constant 0 : i32
      %dma_wait3A_127 = tpu.memref_slice %arg8[%run_scoped3A_26, %dma_wait3A_125, %dma_wait3A_126] : memref<2x128x128xf32, #tpu.memory_space<vmem>> -> memref<1x128x128xf32, #tpu.memory_space<vmem>>
      %dma_wait3A_128 = tpu.memref_squeeze %dma_wait3A_127 : memref<1x128x128xf32, #tpu.memory_space<vmem>> -> memref<128x128xf32, #tpu.memory_space<vmem>>
      tpu.wait_dma2 semaphore(%run_scoped3A_105 : memref<!tpu.dma_semaphore, #tpu.memory_space<semaphore_mem>>) src(%dma_wait3A_128 : memref<128x128xf32, #tpu.memory_space<vmem>>) dst(%dma_wait3A_124 : memref<128x128xf32, #tpu.memory_space<vmem_shared>>)
      tpu.yield
    }) : () -> ()
    %mul3A_27 = arith.constant 640 : i32
    %mul3A_28 = arith.muli %arg1, %mul3A_27 : i32
    %add3A_29 = arith.constant 512 : i32
    %add3A_30 = arith.addi %mul3A_28, %add3A_29 : i32
    %run_scoped3A_31 = arith.constant 0 : i32
    "tpu.region"() ({
      %run_scoped3A_105 = tpu.sem_alloc : memref<!tpu.dma_semaphore, #tpu.memory_space<semaphore_mem>>
      %dma_start3A_106 = arith.constant 0 : i32
      %dma_start3A_107 = arith.constant 0 : i32
      %dma_start3A_108 = tpu.memref_slice %arg8[%run_scoped3A_31, %dma_start3A_106, %dma_start3A_107] : memref<2x128x128xf32, #tpu.memory_space<vmem>> -> memref<1x128x128xf32, #tpu.memory_space<vmem>>
      %dma_start3A_109 = tpu.memref_squeeze %dma_start3A_108 : memref<1x128x128xf32, #tpu.memory_space<vmem>> -> memref<128x128xf32, #tpu.memory_space<vmem>>
      %dma_start3A_110 = arith.constant 0 : i32
      %dma_start3A_111 = tpu.memref_slice %arg9[%add3A_30, %dma_start3A_110] : memref<10240x128xf32, #tpu.memory_space<vmem_shared>> -> memref<128x128xf32, #tpu.memory_space<vmem_shared>>
      %dma_start3A_112 = arith.constant 0 : i32
      %dma_start3A_113 = tpu.memref_slice %arg9[%add3A_30, %dma_start3A_112] : memref<10240x128xf32, #tpu.memory_space<vmem_shared>> -> memref<128x128xf32, #tpu.memory_space<vmem_shared>>
      %dma_start3A_114 = arith.constant 0 : i32
      %dma_start3A_115 = arith.constant 0 : i32
      %dma_start3A_116 = tpu.memref_slice %arg8[%run_scoped3A_31, %dma_start3A_114, %dma_start3A_115] : memref<2x128x128xf32, #tpu.memory_space<vmem>> -> memref<1x128x128xf32, #tpu.memory_space<vmem>>
      %dma_start3A_117 = tpu.memref_squeeze %dma_start3A_116 : memref<1x128x128xf32, #tpu.memory_space<vmem>> -> memref<128x128xf32, #tpu.memory_space<vmem>>
      tpu.enqueue_dma source(%dma_start3A_117 : memref<128x128xf32, #tpu.memory_space<vmem>>) target(%dma_start3A_113 : memref<128x128xf32, #tpu.memory_space<vmem_shared>>) target_semaphore(%run_scoped3A_105 : memref<!tpu.dma_semaphore, #tpu.memory_space<semaphore_mem>>)
      %dma_wait3A = arith.constant 0 : i32
      %dma_wait3A_118 = arith.constant 0 : i32
      %dma_wait3A_119 = tpu.memref_slice %arg8[%run_scoped3A_31, %dma_wait3A, %dma_wait3A_118] : memref<2x128x128xf32, #tpu.memory_space<vmem>> -> memref<1x128x128xf32, #tpu.memory_space<vmem>>
      %dma_wait3A_120 = tpu.memref_squeeze %dma_wait3A_119 : memref<1x128x128xf32, #tpu.memory_space<vmem>> -> memref<128x128xf32, #tpu.memory_space<vmem>>
      %dma_wait3A_121 = arith.constant 0 : i32
      %dma_wait3A_122 = tpu.memref_slice %arg9[%add3A_30, %dma_wait3A_121] : memref<10240x128xf32, #tpu.memory_space<vmem_shared>> -> memref<128x128xf32, #tpu.memory_space<vmem_shared>>
      %dma_wait3A_123 = arith.constant 0 : i32
      %dma_wait3A_124 = tpu.memref_slice %arg9[%add3A_30, %dma_wait3A_123] : memref<10240x128xf32, #tpu.memory_space<vmem_shared>> -> memref<128x128xf32, #tpu.memory_space<vmem_shared>>
      %dma_wait3A_125 = arith.constant 0 : i32
      %dma_wait3A_126 = arith.constant 0 : i32
      %dma_wait3A_127 = tpu.memref_slice %arg8[%run_scoped3A_31, %dma_wait3A_125, %dma_wait3A_126] : memref<2x128x128xf32, #tpu.memory_space<vmem>> -> memref<1x128x128xf32, #tpu.memory_space<vmem>>
      %dma_wait3A_128 = tpu.memref_squeeze %dma_wait3A_127 : memref<1x128x128xf32, #tpu.memory_space<vmem>> -> memref<128x128xf32, #tpu.memory_space<vmem>>
      tpu.wait_dma2 semaphore(%run_scoped3A_105 : memref<!tpu.dma_semaphore, #tpu.memory_space<semaphore_mem>>) src(%dma_wait3A_128 : memref<128x128xf32, #tpu.memory_space<vmem>>) dst(%dma_wait3A_124 : memref<128x128xf32, #tpu.memory_space<vmem_shared>>)
      tpu.yield
    }) : () -> ()
    %dma_start3A = arith.constant 0 : i32
    %dma_start3A_32 = arith.constant 0 : i32
    %dma_start3A_33 = arith.constant 0 : i32
    %dma_start3A_34 = tpu.memref_slice %arg8[%dma_start3A, %dma_start3A_32, %dma_start3A_33] : memref<2x128x128xf32, #tpu.memory_space<vmem>> -> memref<1x128x128xf32, #tpu.memory_space<vmem>>
    %dma_start3A_35 = tpu.memref_squeeze %dma_start3A_34 : memref<1x128x128xf32, #tpu.memory_space<vmem>> -> memref<128x128xf32, #tpu.memory_space<vmem>>
    %dma_start3A_36 = arith.constant 0 : i32
    %dma_start3A_37 = tpu.memref_slice %arg6[%dma_start3A_36] : memref<10240xi32, #tpu.memory_space<vmem>> -> memref<128xi32, #tpu.memory_space<vmem>>
    %dma_start3A_38 = arith.constant 0 : i32
    %dma_start3A_39 = arith.constant 0 : i32
    %dma_start3A_40 = tpu.memref_slice %arg2[%dma_start3A_38, %dma_start3A_39] : memref<10240x128xf32, #tpu.memory_space<hbm>> -> memref<10240x128xf32, #tpu.memory_space<hbm>>
    tpu.enqueue_indirect_dma source(%dma_start3A_40 : memref<10240x128xf32, #tpu.memory_space<hbm>>) target(%dma_start3A_35 : memref<128x128xf32, #tpu.memory_space<vmem>>) offsets(%dma_start3A_37 : memref<128xi32, #tpu.memory_space<vmem>>) semaphore(%arg10 : memref<!tpu.dma_semaphore, #tpu.memory_space<semaphore_mem>>)
    %dma_start3A_41 = arith.constant 0 : i32
    %dma_start3A_42 = arith.constant 0 : i32
    %dma_start3A_43 = arith.constant 0 : i32
    %dma_start3A_44 = tpu.memref_slice %arg7[%dma_start3A_42, %dma_start3A_43] : memref<2x128xi32, #tpu.memory_space<vmem>> -> memref<1x128xi32, #tpu.memory_space<vmem>>
    %dma_start3A_45 = tpu.memref_squeeze %dma_start3A_44 : memref<1x128xi32, #tpu.memory_space<vmem>> -> memref<128xi32, #tpu.memory_space<vmem>>
    %dma_start3A_46 = arith.constant 0 : i32
    %dma_start3A_47 = arith.constant 0 : i32
    %dma_start3A_48 = tpu.memref_slice %arg4[%add3A, %dma_start3A_46, %dma_start3A_47] : memref<32x80x128xi32, #tpu.memory_space<hbm>> -> memref<1x80x128xi32, #tpu.memory_space<hbm>>
    %dma_start3A_49 = tpu.memref_squeeze %dma_start3A_48 : memref<1x80x128xi32, #tpu.memory_space<hbm>> -> memref<80x128xi32, #tpu.memory_space<hbm>>
    %dma_start3A_50 = arith.constant 0 : i32
    %dma_start3A_51 = tpu.memref_slice %dma_start3A_49[%dma_start3A_41, %dma_start3A_50] : memref<80x128xi32, #tpu.memory_space<hbm>> -> memref<1x128xi32, #tpu.memory_space<hbm>>
    %dma_start3A_52 = tpu.memref_squeeze %dma_start3A_51 : memref<1x128xi32, #tpu.memory_space<hbm>> -> memref<128xi32, #tpu.memory_space<hbm>>
    %dma_start3A_53 = arith.constant 0 : i32
    %dma_start3A_54 = tpu.memref_slice %arg7[%dma_start3A_42, %dma_start3A_53] : memref<2x128xi32, #tpu.memory_space<vmem>> -> memref<1x128xi32, #tpu.memory_space<vmem>>
    %dma_start3A_55 = tpu.memref_squeeze %dma_start3A_54 : memref<1x128xi32, #tpu.memory_space<vmem>> -> memref<128xi32, #tpu.memory_space<vmem>>
    %dma_start3A_56 = arith.constant 0 : i32
    %dma_start3A_57 = arith.constant 0 : i32
    %dma_start3A_58 = tpu.memref_slice %arg4[%add3A, %dma_start3A_56, %dma_start3A_57] : memref<32x80x128xi32, #tpu.memory_space<hbm>> -> memref<1x80x128xi32, #tpu.memory_space<hbm>>
    %dma_start3A_59 = tpu.memref_squeeze %dma_start3A_58 : memref<1x80x128xi32, #tpu.memory_space<hbm>> -> memref<80x128xi32, #tpu.memory_space<hbm>>
    %dma_start3A_60 = arith.constant 0 : i32
    %dma_start3A_61 = tpu.memref_slice %dma_start3A_59[%dma_start3A_41, %dma_start3A_60] : memref<80x128xi32, #tpu.memory_space<hbm>> -> memref<1x128xi32, #tpu.memory_space<hbm>>
    %dma_start3A_62 = tpu.memref_squeeze %dma_start3A_61 : memref<1x128xi32, #tpu.memory_space<hbm>> -> memref<128xi32, #tpu.memory_space<hbm>>
    tpu.enqueue_dma source(%dma_start3A_62 : memref<128xi32, #tpu.memory_space<hbm>>) target(%dma_start3A_55 : memref<128xi32, #tpu.memory_space<vmem>>) target_semaphore(%arg10 : memref<!tpu.dma_semaphore, #tpu.memory_space<semaphore_mem>>)
    %dma_start3A_63 = arith.constant 1 : i32
    %dma_start3A_64 = arith.constant 0 : i32
    %dma_start3A_65 = arith.constant 0 : i32
    %dma_start3A_66 = tpu.memref_slice %arg8[%dma_start3A_63, %dma_start3A_64, %dma_start3A_65] : memref<2x128x128xf32, #tpu.memory_space<vmem>> -> memref<1x128x128xf32, #tpu.memory_space<vmem>>
    %dma_start3A_67 = tpu.memref_squeeze %dma_start3A_66 : memref<1x128x128xf32, #tpu.memory_space<vmem>> -> memref<128x128xf32, #tpu.memory_space<vmem>>
    %dma_start3A_68 = arith.constant 128 : i32
    %dma_start3A_69 = tpu.memref_slice %arg6[%dma_start3A_68] : memref<10240xi32, #tpu.memory_space<vmem>> -> memref<128xi32, #tpu.memory_space<vmem>>
    %dma_start3A_70 = arith.constant 0 : i32
    %dma_start3A_71 = arith.constant 0 : i32
    %dma_start3A_72 = tpu.memref_slice %arg2[%dma_start3A_70, %dma_start3A_71] : memref<10240x128xf32, #tpu.memory_space<hbm>> -> memref<10240x128xf32, #tpu.memory_space<hbm>>
    tpu.enqueue_indirect_dma source(%dma_start3A_72 : memref<10240x128xf32, #tpu.memory_space<hbm>>) target(%dma_start3A_67 : memref<128x128xf32, #tpu.memory_space<vmem>>) offsets(%dma_start3A_69 : memref<128xi32, #tpu.memory_space<vmem>>) semaphore(%arg11 : memref<!tpu.dma_semaphore, #tpu.memory_space<semaphore_mem>>)
    %dma_start3A_73 = arith.constant 1 : i32
    %dma_start3A_74 = arith.constant 1 : i32
    %dma_start3A_75 = arith.constant 0 : i32
    %dma_start3A_76 = tpu.memref_slice %arg7[%dma_start3A_74, %dma_start3A_75] : memref<2x128xi32, #tpu.memory_space<vmem>> -> memref<1x128xi32, #tpu.memory_space<vmem>>
    %dma_start3A_77 = tpu.memref_squeeze %dma_start3A_76 : memref<1x128xi32, #tpu.memory_space<vmem>> -> memref<128xi32, #tpu.memory_space<vmem>>
    %dma_start3A_78 = arith.constant 0 : i32
    %dma_start3A_79 = arith.constant 0 : i32
    %dma_start3A_80 = tpu.memref_slice %arg4[%add3A, %dma_start3A_78, %dma_start3A_79] : memref<32x80x128xi32, #tpu.memory_space<hbm>> -> memref<1x80x128xi32, #tpu.memory_space<hbm>>
    %dma_start3A_81 = tpu.memref_squeeze %dma_start3A_80 : memref<1x80x128xi32, #tpu.memory_space<hbm>> -> memref<80x128xi32, #tpu.memory_space<hbm>>
    %dma_start3A_82 = arith.constant 0 : i32
    %dma_start3A_83 = tpu.memref_slice %dma_start3A_81[%dma_start3A_73, %dma_start3A_82] : memref<80x128xi32, #tpu.memory_space<hbm>> -> memref<1x128xi32, #tpu.memory_space<hbm>>
    %dma_start3A_84 = tpu.memref_squeeze %dma_start3A_83 : memref<1x128xi32, #tpu.memory_space<hbm>> -> memref<128xi32, #tpu.memory_space<hbm>>
    %dma_start3A_85 = arith.constant 0 : i32
    %dma_start3A_86 = tpu.memref_slice %arg7[%dma_start3A_74, %dma_start3A_85] : memref<2x128xi32, #tpu.memory_space<vmem>> -> memref<1x128xi32, #tpu.memory_space<vmem>>
    %dma_start3A_87 = tpu.memref_squeeze %dma_start3A_86 : memref<1x128xi32, #tpu.memory_space<vmem>> -> memref<128xi32, #tpu.memory_space<vmem>>
    %dma_start3A_88 = arith.constant 0 : i32
    %dma_start3A_89 = arith.constant 0 : i32
    %dma_start3A_90 = tpu.memref_slice %arg4[%add3A, %dma_start3A_88, %dma_start3A_89] : memref<32x80x128xi32, #tpu.memory_space<hbm>> -> memref<1x80x128xi32, #tpu.memory_space<hbm>>
    %dma_start3A_91 = tpu.memref_squeeze %dma_start3A_90 : memref<1x80x128xi32, #tpu.memory_space<hbm>> -> memref<80x128xi32, #tpu.memory_space<hbm>>
    %dma_start3A_92 = arith.constant 0 : i32
    %dma_start3A_93 = tpu.memref_slice %dma_start3A_91[%dma_start3A_73, %dma_start3A_92] : memref<80x128xi32, #tpu.memory_space<hbm>> -> memref<1x128xi32, #tpu.memory_space<hbm>>
    %dma_start3A_94 = tpu.memref_squeeze %dma_start3A_93 : memref<1x128xi32, #tpu.memory_space<hbm>> -> memref<128xi32, #tpu.memory_space<hbm>>
    tpu.enqueue_dma source(%dma_start3A_94 : memref<128xi32, #tpu.memory_space<hbm>>) target(%dma_start3A_87 : memref<128xi32, #tpu.memory_space<vmem>>) target_semaphore(%arg11 : memref<!tpu.dma_semaphore, #tpu.memory_space<semaphore_mem>>)
    %barrier3A = arith.constant 0 : index
    tpu.barrier barrier_id(%barrier3A)
    %scan3A_95 = arith.constant 0 : i32
    %scan3A_96 = arith.constant 40 : i32
    %scan3A_97 = arith.addi %scan3A_95, %scan3A_96 : i32
    %scan3A_98 = arith.constant 1 : i32
    scf.for %scan3A_105 = %scan3A_95 to %scan3A_97 step %scan3A_98  : i32 {
      %mul3A_106 = arith.constant 2 : i32
      %mul3A_107 = arith.muli %scan3A_105, %mul3A_106 : i32
      %add3A_108 = arith.constant 0 : i32
      %add3A_109 = arith.addi %add3A_108, %mul3A_107 : i32
      %add3A_110 = arith.constant 0 : i32
      %add3A_111 = arith.addi %add3A_109, %add3A_110 : i32
      %mul3A_112 = arith.constant 128 : i32
      %mul3A_113 = arith.muli %add3A_111, %mul3A_112 : i32
      %dma_wait3A = arith.constant 0 : i32
      %dma_wait3A_114 = arith.constant 0 : i32
      %dma_wait3A_115 = arith.constant 0 : i32
      %dma_wait3A_116 = tpu.memref_slice %arg8[%dma_wait3A, %dma_wait3A_114, %dma_wait3A_115] : memref<2x128x128xf32, #tpu.memory_space<vmem>> -> memref<1x128x128xf32, #tpu.memory_space<vmem>>
      %dma_wait3A_117 = tpu.memref_squeeze %dma_wait3A_116 : memref<1x128x128xf32, #tpu.memory_space<vmem>> -> memref<128x128xf32, #tpu.memory_space<vmem>>
      %dma_wait3A_118 = tpu.memref_slice %arg6[%mul3A_113] : memref<10240xi32, #tpu.memory_space<vmem>> -> memref<128xi32, #tpu.memory_space<vmem>>
      %dma_wait3A_119 = arith.constant 0 : i32
      %dma_wait3A_120 = arith.constant 0 : i32
      %dma_wait3A_121 = tpu.memref_slice %arg2[%dma_wait3A_119, %dma_wait3A_120] : memref<10240x128xf32, #tpu.memory_space<hbm>> -> memref<10240x128xf32, #tpu.memory_space<hbm>>
      tpu.wait_indirect_dma semaphore(%arg10 : memref<!tpu.dma_semaphore, #tpu.memory_space<semaphore_mem>>) src(%dma_wait3A_121 : memref<10240x128xf32, #tpu.memory_space<hbm>>) dst(%dma_wait3A_117 : memref<128x128xf32, #tpu.memory_space<vmem>>)
      %dma_wait3A_122 = arith.constant 0 : i32
      %dma_wait3A_123 = arith.constant 0 : i32
      %dma_wait3A_124 = tpu.memref_slice %arg7[%dma_wait3A_122, %dma_wait3A_123] : memref<2x128xi32, #tpu.memory_space<vmem>> -> memref<1x128xi32, #tpu.memory_space<vmem>>
      %dma_wait3A_125 = tpu.memref_squeeze %dma_wait3A_124 : memref<1x128xi32, #tpu.memory_space<vmem>> -> memref<128xi32, #tpu.memory_space<vmem>>
      %dma_wait3A_126 = arith.constant 0 : i32
      %dma_wait3A_127 = arith.constant 0 : i32
      %dma_wait3A_128 = tpu.memref_slice %arg4[%add3A, %dma_wait3A_126, %dma_wait3A_127] : memref<32x80x128xi32, #tpu.memory_space<hbm>> -> memref<1x80x128xi32, #tpu.memory_space<hbm>>
      %dma_wait3A_129 = tpu.memref_squeeze %dma_wait3A_128 : memref<1x80x128xi32, #tpu.memory_space<hbm>> -> memref<80x128xi32, #tpu.memory_space<hbm>>
      %dma_wait3A_130 = arith.constant 0 : i32
      %dma_wait3A_131 = tpu.memref_slice %dma_wait3A_129[%add3A_111, %dma_wait3A_130] : memref<80x128xi32, #tpu.memory_space<hbm>> -> memref<1x128xi32, #tpu.memory_space<hbm>>
      %dma_wait3A_132 = tpu.memref_squeeze %dma_wait3A_131 : memref<1x128xi32, #tpu.memory_space<hbm>> -> memref<128xi32, #tpu.memory_space<hbm>>
      %dma_wait3A_133 = arith.constant 0 : i32
      %dma_wait3A_134 = tpu.memref_slice %arg7[%dma_wait3A_122, %dma_wait3A_133] : memref<2x128xi32, #tpu.memory_space<vmem>> -> memref<1x128xi32, #tpu.memory_space<vmem>>
      %dma_wait3A_135 = tpu.memref_squeeze %dma_wait3A_134 : memref<1x128xi32, #tpu.memory_space<vmem>> -> memref<128xi32, #tpu.memory_space<vmem>>
      %dma_wait3A_136 = arith.constant 0 : i32
      %dma_wait3A_137 = arith.constant 0 : i32
      %dma_wait3A_138 = tpu.memref_slice %arg4[%add3A, %dma_wait3A_136, %dma_wait3A_137] : memref<32x80x128xi32, #tpu.memory_space<hbm>> -> memref<1x80x128xi32, #tpu.memory_space<hbm>>
      %dma_wait3A_139 = tpu.memref_squeeze %dma_wait3A_138 : memref<1x80x128xi32, #tpu.memory_space<hbm>> -> memref<80x128xi32, #tpu.memory_space<hbm>>
      %dma_wait3A_140 = arith.constant 0 : i32
      %dma_wait3A_141 = tpu.memref_slice %dma_wait3A_139[%add3A_111, %dma_wait3A_140] : memref<80x128xi32, #tpu.memory_space<hbm>> -> memref<1x128xi32, #tpu.memory_space<hbm>>
      %dma_wait3A_142 = tpu.memref_squeeze %dma_wait3A_141 : memref<1x128xi32, #tpu.memory_space<hbm>> -> memref<128xi32, #tpu.memory_space<hbm>>
      tpu.wait_dma2 semaphore(%arg10 : memref<!tpu.dma_semaphore, #tpu.memory_space<semaphore_mem>>) src(%dma_wait3A_142 : memref<128xi32, #tpu.memory_space<hbm>>) dst(%dma_wait3A_135 : memref<128xi32, #tpu.memory_space<vmem>>)
      %run_scoped3A_143 = arith.constant 0 : i32
      %run_scoped3A_144 = arith.constant 0 : i32
      "tpu.region"() ({
        %run_scoped3A_192 = tpu.sem_alloc : memref<!tpu.dma_semaphore, #tpu.memory_space<semaphore_mem>>
        %dma_start3A_193 = arith.constant 0 : i32
        %dma_start3A_194 = arith.constant 0 : i32
        %dma_start3A_195 = tpu.memref_slice %arg8[%run_scoped3A_143, %dma_start3A_193, %dma_start3A_194] : memref<2x128x128xf32, #tpu.memory_space<vmem>> -> memref<1x128x128xf32, #tpu.memory_space<vmem>>
        %dma_start3A_196 = tpu.memref_squeeze %dma_start3A_195 : memref<1x128x128xf32, #tpu.memory_space<vmem>> -> memref<128x128xf32, #tpu.memory_space<vmem>>
        %dma_start3A_197 = arith.constant 0 : i32
        %dma_start3A_198 = tpu.memref_slice %arg7[%run_scoped3A_144, %dma_start3A_197] : memref<2x128xi32, #tpu.memory_space<vmem>> -> memref<1x128xi32, #tpu.memory_space<vmem>>
        %dma_start3A_199 = tpu.memref_squeeze %dma_start3A_198 : memref<1x128xi32, #tpu.memory_space<vmem>> -> memref<128xi32, #tpu.memory_space<vmem>>
        %dma_start3A_200 = arith.constant 0 : i32
        %dma_start3A_201 = arith.constant 0 : i32
        %dma_start3A_202 = tpu.memref_slice %arg9[%dma_start3A_200, %dma_start3A_201] : memref<10240x128xf32, #tpu.memory_space<vmem_shared>> -> memref<10240x128xf32, #tpu.memory_space<vmem_shared>>
        tpu.enqueue_indirect_dma source(%dma_start3A_196 : memref<128x128xf32, #tpu.memory_space<vmem>>) target(%dma_start3A_202 : memref<10240x128xf32, #tpu.memory_space<vmem_shared>>) offsets(%dma_start3A_199 : memref<128xi32, #tpu.memory_space<vmem>>) semaphore(%run_scoped3A_192 : memref<!tpu.dma_semaphore, #tpu.memory_space<semaphore_mem>>) {add = true}
        %dma_wait3A_203 = arith.constant 0 : i32
        %dma_wait3A_204 = arith.constant 0 : i32
        %dma_wait3A_205 = tpu.memref_slice %arg8[%run_scoped3A_143, %dma_wait3A_203, %dma_wait3A_204] : memref<2x128x128xf32, #tpu.memory_space<vmem>> -> memref<1x128x128xf32, #tpu.memory_space<vmem>>
        %dma_wait3A_206 = tpu.memref_squeeze %dma_wait3A_205 : memref<1x128x128xf32, #tpu.memory_space<vmem>> -> memref<128x128xf32, #tpu.memory_space<vmem>>
        %dma_wait3A_207 = arith.constant 0 : i32
        %dma_wait3A_208 = tpu.memref_slice %arg7[%run_scoped3A_144, %dma_wait3A_207] : memref<2x128xi32, #tpu.memory_space<vmem>> -> memref<1x128xi32, #tpu.memory_space<vmem>>
        %dma_wait3A_209 = tpu.memref_squeeze %dma_wait3A_208 : memref<1x128xi32, #tpu.memory_space<vmem>> -> memref<128xi32, #tpu.memory_space<vmem>>
        %dma_wait3A_210 = arith.constant 0 : i32
        %dma_wait3A_211 = arith.constant 0 : i32
        %dma_wait3A_212 = tpu.memref_slice %arg9[%dma_wait3A_210, %dma_wait3A_211] : memref<10240x128xf32, #tpu.memory_space<vmem_shared>> -> memref<10240x128xf32, #tpu.memory_space<vmem_shared>>
        tpu.wait_indirect_dma semaphore(%run_scoped3A_192 : memref<!tpu.dma_semaphore, #tpu.memory_space<semaphore_mem>>) src(%dma_wait3A_206 : memref<128x128xf32, #tpu.memory_space<vmem>>) dst(%dma_wait3A_212 : memref<10240x128xf32, #tpu.memory_space<vmem_shared>>)
        tpu.yield
      }) : () -> ()
      %add3A_145 = arith.constant 2 : i32
      %add3A_146 = arith.addi %add3A_111, %add3A_145 : i32
      %lt3A = arith.constant 80 : i32
      %lt3A_147 = arith.cmpi slt, %add3A_146, %lt3A : i32
      %convert_element_type3A = arith.extui %lt3A_147 : i1 to i32
      %cond3A = arith.constant 0 : i32
      %cond3A_148 = arith.cmpi ne, %convert_element_type3A, %cond3A : i32
      scf.if %cond3A_148 {
        %add3A_192 = arith.constant 2 : i32
        %add3A_193 = arith.addi %add3A_111, %add3A_192 : i32
        %mul3A_194 = arith.constant 128 : i32
        %mul3A_195 = arith.muli %add3A_193, %mul3A_194 : i32
        %dma_start3A_196 = arith.constant 0 : i32
        %dma_start3A_197 = arith.constant 0 : i32
        %dma_start3A_198 = arith.constant 0 : i32
        %dma_start3A_199 = tpu.memref_slice %arg8[%dma_start3A_196, %dma_start3A_197, %dma_start3A_198] : memref<2x128x128xf32, #tpu.memory_space<vmem>> -> memref<1x128x128xf32, #tpu.memory_space<vmem>>
        %dma_start3A_200 = tpu.memref_squeeze %dma_start3A_199 : memref<1x128x128xf32, #tpu.memory_space<vmem>> -> memref<128x128xf32, #tpu.memory_space<vmem>>
        %dma_start3A_201 = tpu.memref_slice %arg6[%mul3A_195] : memref<10240xi32, #tpu.memory_space<vmem>> -> memref<128xi32, #tpu.memory_space<vmem>>
        %dma_start3A_202 = arith.constant 0 : i32
        %dma_start3A_203 = arith.constant 0 : i32
        %dma_start3A_204 = tpu.memref_slice %arg2[%dma_start3A_202, %dma_start3A_203] : memref<10240x128xf32, #tpu.memory_space<hbm>> -> memref<10240x128xf32, #tpu.memory_space<hbm>>
        tpu.enqueue_indirect_dma source(%dma_start3A_204 : memref<10240x128xf32, #tpu.memory_space<hbm>>) target(%dma_start3A_200 : memref<128x128xf32, #tpu.memory_space<vmem>>) offsets(%dma_start3A_201 : memref<128xi32, #tpu.memory_space<vmem>>) semaphore(%arg10 : memref<!tpu.dma_semaphore, #tpu.memory_space<semaphore_mem>>)
        %dma_start3A_205 = arith.constant 0 : i32
        %dma_start3A_206 = arith.constant 0 : i32
        %dma_start3A_207 = tpu.memref_slice %arg7[%dma_start3A_205, %dma_start3A_206] : memref<2x128xi32, #tpu.memory_space<vmem>> -> memref<1x128xi32, #tpu.memory_space<vmem>>
        %dma_start3A_208 = tpu.memref_squeeze %dma_start3A_207 : memref<1x128xi32, #tpu.memory_space<vmem>> -> memref<128xi32, #tpu.memory_space<vmem>>
        %dma_start3A_209 = arith.constant 0 : i32
        %dma_start3A_210 = arith.constant 0 : i32
        %dma_start3A_211 = tpu.memref_slice %arg4[%add3A, %dma_start3A_209, %dma_start3A_210] : memref<32x80x128xi32, #tpu.memory_space<hbm>> -> memref<1x80x128xi32, #tpu.memory_space<hbm>>
        %dma_start3A_212 = tpu.memref_squeeze %dma_start3A_211 : memref<1x80x128xi32, #tpu.memory_space<hbm>> -> memref<80x128xi32, #tpu.memory_space<hbm>>
        %dma_start3A_213 = arith.constant 0 : i32
        %dma_start3A_214 = tpu.memref_slice %dma_start3A_212[%add3A_193, %dma_start3A_213] : memref<80x128xi32, #tpu.memory_space<hbm>> -> memref<1x128xi32, #tpu.memory_space<hbm>>
        %dma_start3A_215 = tpu.memref_squeeze %dma_start3A_214 : memref<1x128xi32, #tpu.memory_space<hbm>> -> memref<128xi32, #tpu.memory_space<hbm>>
        %dma_start3A_216 = arith.constant 0 : i32
        %dma_start3A_217 = tpu.memref_slice %arg7[%dma_start3A_205, %dma_start3A_216] : memref<2x128xi32, #tpu.memory_space<vmem>> -> memref<1x128xi32, #tpu.memory_space<vmem>>
        %dma_start3A_218 = tpu.memref_squeeze %dma_start3A_217 : memref<1x128xi32, #tpu.memory_space<vmem>> -> memref<128xi32, #tpu.memory_space<vmem>>
        %dma_start3A_219 = arith.constant 0 : i32
        %dma_start3A_220 = arith.constant 0 : i32
        %dma_start3A_221 = tpu.memref_slice %arg4[%add3A, %dma_start3A_219, %dma_start3A_220] : memref<32x80x128xi32, #tpu.memory_space<hbm>> -> memref<1x80x128xi32, #tpu.memory_space<hbm>>
        %dma_start3A_222 = tpu.memref_squeeze %dma_start3A_221 : memref<1x80x128xi32, #tpu.memory_space<hbm>> -> memref<80x128xi32, #tpu.memory_space<hbm>>
        %dma_start3A_223 = arith.constant 0 : i32
        %dma_start3A_224 = tpu.memref_slice %dma_start3A_222[%add3A_193, %dma_start3A_223] : memref<80x128xi32, #tpu.memory_space<hbm>> -> memref<1x128xi32, #tpu.memory_space<hbm>>
        %dma_start3A_225 = tpu.memref_squeeze %dma_start3A_224 : memref<1x128xi32, #tpu.memory_space<hbm>> -> memref<128xi32, #tpu.memory_space<hbm>>
        tpu.enqueue_dma source(%dma_start3A_225 : memref<128xi32, #tpu.memory_space<hbm>>) target(%dma_start3A_218 : memref<128xi32, #tpu.memory_space<vmem>>) target_semaphore(%arg10 : memref<!tpu.dma_semaphore, #tpu.memory_space<semaphore_mem>>)
      } else {
      }
      %add3A_149 = arith.constant 1 : i32
      %add3A_150 = arith.addi %add3A_109, %add3A_149 : i32
      %mul3A_151 = arith.constant 128 : i32
      %mul3A_152 = arith.muli %add3A_150, %mul3A_151 : i32
      %dma_wait3A_153 = arith.constant 1 : i32
      %dma_wait3A_154 = arith.constant 0 : i32
      %dma_wait3A_155 = arith.constant 0 : i32
      %dma_wait3A_156 = tpu.memref_slice %arg8[%dma_wait3A_153, %dma_wait3A_154, %dma_wait3A_155] : memref<2x128x128xf32, #tpu.memory_space<vmem>> -> memref<1x128x128xf32, #tpu.memory_space<vmem>>
      %dma_wait3A_157 = tpu.memref_squeeze %dma_wait3A_156 : memref<1x128x128xf32, #tpu.memory_space<vmem>> -> memref<128x128xf32, #tpu.memory_space<vmem>>
      %dma_wait3A_158 = tpu.memref_slice %arg6[%mul3A_152] : memref<10240xi32, #tpu.memory_space<vmem>> -> memref<128xi32, #tpu.memory_space<vmem>>
      %dma_wait3A_159 = arith.constant 0 : i32
      %dma_wait3A_160 = arith.constant 0 : i32
      %dma_wait3A_161 = tpu.memref_slice %arg2[%dma_wait3A_159, %dma_wait3A_160] : memref<10240x128xf32, #tpu.memory_space<hbm>> -> memref<10240x128xf32, #tpu.memory_space<hbm>>
      tpu.wait_indirect_dma semaphore(%arg11 : memref<!tpu.dma_semaphore, #tpu.memory_space<semaphore_mem>>) src(%dma_wait3A_161 : memref<10240x128xf32, #tpu.memory_space<hbm>>) dst(%dma_wait3A_157 : memref<128x128xf32, #tpu.memory_space<vmem>>)
      %dma_wait3A_162 = arith.constant 1 : i32
      %dma_wait3A_163 = arith.constant 0 : i32
      %dma_wait3A_164 = tpu.memref_slice %arg7[%dma_wait3A_162, %dma_wait3A_163] : memref<2x128xi32, #tpu.memory_space<vmem>> -> memref<1x128xi32, #tpu.memory_space<vmem>>
      %dma_wait3A_165 = tpu.memref_squeeze %dma_wait3A_164 : memref<1x128xi32, #tpu.memory_space<vmem>> -> memref<128xi32, #tpu.memory_space<vmem>>
      %dma_wait3A_166 = arith.constant 0 : i32
      %dma_wait3A_167 = arith.constant 0 : i32
      %dma_wait3A_168 = tpu.memref_slice %arg4[%add3A, %dma_wait3A_166, %dma_wait3A_167] : memref<32x80x128xi32, #tpu.memory_space<hbm>> -> memref<1x80x128xi32, #tpu.memory_space<hbm>>
      %dma_wait3A_169 = tpu.memref_squeeze %dma_wait3A_168 : memref<1x80x128xi32, #tpu.memory_space<hbm>> -> memref<80x128xi32, #tpu.memory_space<hbm>>
      %dma_wait3A_170 = arith.constant 0 : i32
      %dma_wait3A_171 = tpu.memref_slice %dma_wait3A_169[%add3A_150, %dma_wait3A_170] : memref<80x128xi32, #tpu.memory_space<hbm>> -> memref<1x128xi32, #tpu.memory_space<hbm>>
      %dma_wait3A_172 = tpu.memref_squeeze %dma_wait3A_171 : memref<1x128xi32, #tpu.memory_space<hbm>> -> memref<128xi32, #tpu.memory_space<hbm>>
      %dma_wait3A_173 = arith.constant 0 : i32
      %dma_wait3A_174 = tpu.memref_slice %arg7[%dma_wait3A_162, %dma_wait3A_173] : memref<2x128xi32, #tpu.memory_space<vmem>> -> memref<1x128xi32, #tpu.memory_space<vmem>>
      %dma_wait3A_175 = tpu.memref_squeeze %dma_wait3A_174 : memref<1x128xi32, #tpu.memory_space<vmem>> -> memref<128xi32, #tpu.memory_space<vmem>>
      %dma_wait3A_176 = arith.constant 0 : i32
      %dma_wait3A_177 = arith.constant 0 : i32
      %dma_wait3A_178 = tpu.memref_slice %arg4[%add3A, %dma_wait3A_176, %dma_wait3A_177] : memref<32x80x128xi32, #tpu.memory_space<hbm>> -> memref<1x80x128xi32, #tpu.memory_space<hbm>>
      %dma_wait3A_179 = tpu.memref_squeeze %dma_wait3A_178 : memref<1x80x128xi32, #tpu.memory_space<hbm>> -> memref<80x128xi32, #tpu.memory_space<hbm>>
      %dma_wait3A_180 = arith.constant 0 : i32
      %dma_wait3A_181 = tpu.memref_slice %dma_wait3A_179[%add3A_150, %dma_wait3A_180] : memref<80x128xi32, #tpu.memory_space<hbm>> -> memref<1x128xi32, #tpu.memory_space<hbm>>
      %dma_wait3A_182 = tpu.memref_squeeze %dma_wait3A_181 : memref<1x128xi32, #tpu.memory_space<hbm>> -> memref<128xi32, #tpu.memory_space<hbm>>
      tpu.wait_dma2 semaphore(%arg11 : memref<!tpu.dma_semaphore, #tpu.memory_space<semaphore_mem>>) src(%dma_wait3A_182 : memref<128xi32, #tpu.memory_space<hbm>>) dst(%dma_wait3A_175 : memref<128xi32, #tpu.memory_space<vmem>>)
      %run_scoped3A_183 = arith.constant 1 : i32
      %run_scoped3A_184 = arith.constant 1 : i32
      "tpu.region"() ({
        %run_scoped3A_192 = tpu.sem_alloc : memref<!tpu.dma_semaphore, #tpu.memory_space<semaphore_mem>>
        %dma_start3A_193 = arith.constant 0 : i32
        %dma_start3A_194 = arith.constant 0 : i32
        %dma_start3A_195 = tpu.memref_slice %arg8[%run_scoped3A_183, %dma_start3A_193, %dma_start3A_194] : memref<2x128x128xf32, #tpu.memory_space<vmem>> -> memref<1x128x128xf32, #tpu.memory_space<vmem>>
        %dma_start3A_196 = tpu.memref_squeeze %dma_start3A_195 : memref<1x128x128xf32, #tpu.memory_space<vmem>> -> memref<128x128xf32, #tpu.memory_space<vmem>>
        %dma_start3A_197 = arith.constant 0 : i32
        %dma_start3A_198 = tpu.memref_slice %arg7[%run_scoped3A_184, %dma_start3A_197] : memref<2x128xi32, #tpu.memory_space<vmem>> -> memref<1x128xi32, #tpu.memory_space<vmem>>
        %dma_start3A_199 = tpu.memref_squeeze %dma_start3A_198 : memref<1x128xi32, #tpu.memory_space<vmem>> -> memref<128xi32, #tpu.memory_space<vmem>>
        %dma_start3A_200 = arith.constant 0 : i32
        %dma_start3A_201 = arith.constant 0 : i32
        %dma_start3A_202 = tpu.memref_slice %arg9[%dma_start3A_200, %dma_start3A_201] : memref<10240x128xf32, #tpu.memory_space<vmem_shared>> -> memref<10240x128xf32, #tpu.memory_space<vmem_shared>>
        tpu.enqueue_indirect_dma source(%dma_start3A_196 : memref<128x128xf32, #tpu.memory_space<vmem>>) target(%dma_start3A_202 : memref<10240x128xf32, #tpu.memory_space<vmem_shared>>) offsets(%dma_start3A_199 : memref<128xi32, #tpu.memory_space<vmem>>) semaphore(%run_scoped3A_192 : memref<!tpu.dma_semaphore, #tpu.memory_space<semaphore_mem>>) {add = true}
        %dma_wait3A_203 = arith.constant 0 : i32
        %dma_wait3A_204 = arith.constant 0 : i32
        %dma_wait3A_205 = tpu.memref_slice %arg8[%run_scoped3A_183, %dma_wait3A_203, %dma_wait3A_204] : memref<2x128x128xf32, #tpu.memory_space<vmem>> -> memref<1x128x128xf32, #tpu.memory_space<vmem>>
        %dma_wait3A_206 = tpu.memref_squeeze %dma_wait3A_205 : memref<1x128x128xf32, #tpu.memory_space<vmem>> -> memref<128x128xf32, #tpu.memory_space<vmem>>
        %dma_wait3A_207 = arith.constant 0 : i32
        %dma_wait3A_208 = tpu.memref_slice %arg7[%run_scoped3A_184, %dma_wait3A_207] : memref<2x128xi32, #tpu.memory_space<vmem>> -> memref<1x128xi32, #tpu.memory_space<vmem>>
        %dma_wait3A_209 = tpu.memref_squeeze %dma_wait3A_208 : memref<1x128xi32, #tpu.memory_space<vmem>> -> memref<128xi32, #tpu.memory_space<vmem>>
        %dma_wait3A_210 = arith.constant 0 : i32
        %dma_wait3A_211 = arith.constant 0 : i32
        %dma_wait3A_212 = tpu.memref_slice %arg9[%dma_wait3A_210, %dma_wait3A_211] : memref<10240x128xf32, #tpu.memory_space<vmem_shared>> -> memref<10240x128xf32, #tpu.memory_space<vmem_shared>>
        tpu.wait_indirect_dma semaphore(%run_scoped3A_192 : memref<!tpu.dma_semaphore, #tpu.memory_space<semaphore_mem>>) src(%dma_wait3A_206 : memref<128x128xf32, #tpu.memory_space<vmem>>) dst(%dma_wait3A_212 : memref<10240x128xf32, #tpu.memory_space<vmem_shared>>)
        tpu.yield
      }) : () -> ()
      %add3A_185 = arith.constant 2 : i32
      %add3A_186 = arith.addi %add3A_150, %add3A_185 : i32
      %lt3A_187 = arith.constant 80 : i32
      %lt3A_188 = arith.cmpi slt, %add3A_186, %lt3A_187 : i32
      %convert_element_type3A_189 = arith.extui %lt3A_188 : i1 to i32
      %cond3A_190 = arith.constant 0 : i32
      %cond3A_191 = arith.cmpi ne, %convert_element_type3A_189, %cond3A_190 : i32
      scf.if %cond3A_191 {
        %add3A_192 = arith.constant 2 : i32
        %add3A_193 = arith.addi %add3A_150, %add3A_192 : i32
        %mul3A_194 = arith.constant 128 : i32
        %mul3A_195 = arith.muli %add3A_193, %mul3A_194 : i32
        %dma_start3A_196 = arith.constant 1 : i32
        %dma_start3A_197 = arith.constant 0 : i32
        %dma_start3A_198 = arith.constant 0 : i32
        %dma_start3A_199 = tpu.memref_slice %arg8[%dma_start3A_196, %dma_start3A_197, %dma_start3A_198] : memref<2x128x128xf32, #tpu.memory_space<vmem>> -> memref<1x128x128xf32, #tpu.memory_space<vmem>>
        %dma_start3A_200 = tpu.memref_squeeze %dma_start3A_199 : memref<1x128x128xf32, #tpu.memory_space<vmem>> -> memref<128x128xf32, #tpu.memory_space<vmem>>
        %dma_start3A_201 = tpu.memref_slice %arg6[%mul3A_195] : memref<10240xi32, #tpu.memory_space<vmem>> -> memref<128xi32, #tpu.memory_space<vmem>>
        %dma_start3A_202 = arith.constant 0 : i32
        %dma_start3A_203 = arith.constant 0 : i32
        %dma_start3A_204 = tpu.memref_slice %arg2[%dma_start3A_202, %dma_start3A_203] : memref<10240x128xf32, #tpu.memory_space<hbm>> -> memref<10240x128xf32, #tpu.memory_space<hbm>>
        tpu.enqueue_indirect_dma source(%dma_start3A_204 : memref<10240x128xf32, #tpu.memory_space<hbm>>) target(%dma_start3A_200 : memref<128x128xf32, #tpu.memory_space<vmem>>) offsets(%dma_start3A_201 : memref<128xi32, #tpu.memory_space<vmem>>) semaphore(%arg11 : memref<!tpu.dma_semaphore, #tpu.memory_space<semaphore_mem>>)
        %dma_start3A_205 = arith.constant 1 : i32
        %dma_start3A_206 = arith.constant 0 : i32
        %dma_start3A_207 = tpu.memref_slice %arg7[%dma_start3A_205, %dma_start3A_206] : memref<2x128xi32, #tpu.memory_space<vmem>> -> memref<1x128xi32, #tpu.memory_space<vmem>>
        %dma_start3A_208 = tpu.memref_squeeze %dma_start3A_207 : memref<1x128xi32, #tpu.memory_space<vmem>> -> memref<128xi32, #tpu.memory_space<vmem>>
        %dma_start3A_209 = arith.constant 0 : i32
        %dma_start3A_210 = arith.constant 0 : i32
        %dma_start3A_211 = tpu.memref_slice %arg4[%add3A, %dma_start3A_209, %dma_start3A_210] : memref<32x80x128xi32, #tpu.memory_space<hbm>> -> memref<1x80x128xi32, #tpu.memory_space<hbm>>
        %dma_start3A_212 = tpu.memref_squeeze %dma_start3A_211 : memref<1x80x128xi32, #tpu.memory_space<hbm>> -> memref<80x128xi32, #tpu.memory_space<hbm>>
        %dma_start3A_213 = arith.constant 0 : i32
        %dma_start3A_214 = tpu.memref_slice %dma_start3A_212[%add3A_193, %dma_start3A_213] : memref<80x128xi32, #tpu.memory_space<hbm>> -> memref<1x128xi32, #tpu.memory_space<hbm>>
        %dma_start3A_215 = tpu.memref_squeeze %dma_start3A_214 : memref<1x128xi32, #tpu.memory_space<hbm>> -> memref<128xi32, #tpu.memory_space<hbm>>
        %dma_start3A_216 = arith.constant 0 : i32
        %dma_start3A_217 = tpu.memref_slice %arg7[%dma_start3A_205, %dma_start3A_216] : memref<2x128xi32, #tpu.memory_space<vmem>> -> memref<1x128xi32, #tpu.memory_space<vmem>>
        %dma_start3A_218 = tpu.memref_squeeze %dma_start3A_217 : memref<1x128xi32, #tpu.memory_space<vmem>> -> memref<128xi32, #tpu.memory_space<vmem>>
        %dma_start3A_219 = arith.constant 0 : i32
        %dma_start3A_220 = arith.constant 0 : i32
        %dma_start3A_221 = tpu.memref_slice %arg4[%add3A, %dma_start3A_219, %dma_start3A_220] : memref<32x80x128xi32, #tpu.memory_space<hbm>> -> memref<1x80x128xi32, #tpu.memory_space<hbm>>
        %dma_start3A_222 = tpu.memref_squeeze %dma_start3A_221 : memref<1x80x128xi32, #tpu.memory_space<hbm>> -> memref<80x128xi32, #tpu.memory_space<hbm>>
        %dma_start3A_223 = arith.constant 0 : i32
        %dma_start3A_224 = tpu.memref_slice %dma_start3A_222[%add3A_193, %dma_start3A_223] : memref<80x128xi32, #tpu.memory_space<hbm>> -> memref<1x128xi32, #tpu.memory_space<hbm>>
        %dma_start3A_225 = tpu.memref_squeeze %dma_start3A_224 : memref<1x128xi32, #tpu.memory_space<hbm>> -> memref<128xi32, #tpu.memory_space<hbm>>
        tpu.enqueue_dma source(%dma_start3A_225 : memref<128xi32, #tpu.memory_space<hbm>>) target(%dma_start3A_218 : memref<128xi32, #tpu.memory_space<vmem>>) target_semaphore(%arg11 : memref<!tpu.dma_semaphore, #tpu.memory_space<semaphore_mem>>)
      } else {
      }
    }
    %scan3A_99 = arith.constant 40 : i32
    %barrier3A_100 = arith.constant 0 : index
    tpu.barrier barrier_id(%barrier3A_100)
    %mul3A_101 = arith.constant 640 : i32
    %mul3A_102 = arith.muli %arg1, %mul3A_101 : i32
    %mul3A_103 = arith.constant 640 : i32
    %mul3A_104 = arith.muli %arg1, %mul3A_103 : i32
    "tpu.region"() ({
      %run_scoped3A_105 = tpu.sem_alloc : memref<!tpu.dma_semaphore, #tpu.memory_space<semaphore_mem>>
      %dma_start3A_106 = arith.constant 0 : i32
      %dma_start3A_107 = arith.constant 0 : i32
      %dma_start3A_108 = tpu.memref_slice %arg5[%arg0, %dma_start3A_106, %dma_start3A_107] : memref<2x10240x128xf32, #tpu.memory_space<hbm>> -> memref<1x10240x128xf32, #tpu.memory_space<hbm>>
      %dma_start3A_109 = tpu.memref_squeeze %dma_start3A_108 : memref<1x10240x128xf32, #tpu.memory_space<hbm>> -> memref<10240x128xf32, #tpu.memory_space<hbm>>
      %dma_start3A_110 = arith.constant 0 : i32
      %dma_start3A_111 = tpu.memref_slice %dma_start3A_109[%mul3A_104, %dma_start3A_110] : memref<10240x128xf32, #tpu.memory_space<hbm>> -> memref<640x128xf32, #tpu.memory_space<hbm>>
      %dma_start3A_112 = arith.constant 0 : i32
      %dma_start3A_113 = tpu.memref_slice %arg9[%mul3A_102, %dma_start3A_112] : memref<10240x128xf32, #tpu.memory_space<vmem_shared>> -> memref<640x128xf32, #tpu.memory_space<vmem_shared>>
      tpu.enqueue_dma source(%dma_start3A_113 : memref<640x128xf32, #tpu.memory_space<vmem_shared>>) target(%dma_start3A_111 : memref<640x128xf32, #tpu.memory_space<hbm>>) target_semaphore(%run_scoped3A_105 : memref<!tpu.dma_semaphore, #tpu.memory_space<semaphore_mem>>)
      %dma_wait3A = arith.constant 0 : i32
      %dma_wait3A_114 = arith.constant 0 : i32
      %dma_wait3A_115 = tpu.memref_slice %arg5[%arg0, %dma_wait3A, %dma_wait3A_114] : memref<2x10240x128xf32, #tpu.memory_space<hbm>> -> memref<1x10240x128xf32, #tpu.memory_space<hbm>>
      %dma_wait3A_116 = tpu.memref_squeeze %dma_wait3A_115 : memref<1x10240x128xf32, #tpu.memory_space<hbm>> -> memref<10240x128xf32, #tpu.memory_space<hbm>>
      %dma_wait3A_117 = arith.constant 0 : i32
      %dma_wait3A_118 = tpu.memref_slice %dma_wait3A_116[%mul3A_104, %dma_wait3A_117] : memref<10240x128xf32, #tpu.memory_space<hbm>> -> memref<640x128xf32, #tpu.memory_space<hbm>>
      %dma_wait3A_119 = arith.constant 0 : i32
      %dma_wait3A_120 = tpu.memref_slice %arg9[%mul3A_102, %dma_wait3A_119] : memref<10240x128xf32, #tpu.memory_space<vmem_shared>> -> memref<640x128xf32, #tpu.memory_space<vmem_shared>>
      tpu.wait_dma2 semaphore(%run_scoped3A_105 : memref<!tpu.dma_semaphore, #tpu.memory_space<semaphore_mem>>) src(%dma_wait3A_120 : memref<640x128xf32, #tpu.memory_space<vmem_shared>>) dst(%dma_wait3A_118 : memref<640x128xf32, #tpu.memory_space<hbm>>)
      tpu.yield
    }) : () -> ()
    return
  }
}

#map = affine_map<(d0, d1) -> (0, 0)>
#map1 = affine_map<(d0, d1) -> (0, 0, 0)>
module attributes {stable_mosaic.version = 14 : i64} {
  func.func @_sc_aggregate(%arg0: i32, %arg1: i32, %arg2: memref<10240x128xf32, #tpu.memory_space<hbm>>, %arg3: memref<32x10240xi32, #tpu.memory_space<hbm>>, %arg4: memref<32x80x128xi32, #tpu.memory_space<hbm>>, %arg5: memref<2x10240x128xf32, #tpu.memory_space<hbm>>, %arg6: memref<10240xi32, #tpu.memory_space<vmem>>, %arg7: memref<2x128xi32, #tpu.memory_space<vmem>>, %arg8: memref<2x128x128xf32, #tpu.memory_space<vmem>>, %arg9: memref<10240x128xf32, #tpu.memory_space<vmem_shared>>, %arg10: memref<!tpu.dma_semaphore, #tpu.memory_space<semaphore_mem>>, %arg11: memref<!tpu.dma_semaphore, #tpu.memory_space<semaphore_mem>>) attributes {dimension_semantics = [#tpu.dimension_semantics<core_parallel>, #tpu.dimension_semantics<subcore_parallel>], iteration_bounds = array<i64: 2, 16>, scalar_prefetch = 0 : i64, scratch_operands = 6 : i64, tpu.core_type = #tpu.core_type<sc_vector_subcore>, window_params = [{transform_indices = #map}, {transform_indices = #map}, {transform_indices = #map1}, {transform_indices = #map1}]} {
    %mul3A = arith.constant 2 : i32
    %mul3A_0 = arith.muli %arg1, %mul3A : i32
    %add3A = arith.addi %mul3A_0, %arg0 : i32
    "tpu.region"() ({
      %run_scoped3A_105 = tpu.sem_alloc : memref<!tpu.dma_semaphore, #tpu.memory_space<semaphore_mem>>
      %dma_start3A_106 = arith.constant 0 : i32
      %dma_start3A_107 = tpu.memref_slice %arg3[%add3A, %dma_start3A_106] : memref<32x10240xi32, #tpu.memory_space<hbm>> -> memref<1x10240xi32, #tpu.memory_space<hbm>>
      %dma_start3A_108 = tpu.memref_squeeze %dma_start3A_107 : memref<1x10240xi32, #tpu.memory_space<hbm>> -> memref<10240xi32, #tpu.memory_space<hbm>>
      %dma_start3A_109 = arith.constant 0 : i32
      %dma_start3A_110 = tpu.memref_slice %arg3[%add3A, %dma_start3A_109] : memref<32x10240xi32, #tpu.memory_space<hbm>> -> memref<1x10240xi32, #tpu.memory_space<hbm>>
      %dma_start3A_111 = tpu.memref_squeeze %dma_start3A_110 : memref<1x10240xi32, #tpu.memory_space<hbm>> -> memref<10240xi32, #tpu.memory_space<hbm>>
      tpu.enqueue_dma source(%dma_start3A_111 : memref<10240xi32, #tpu.memory_space<hbm>>) target(%arg6 : memref<10240xi32, #tpu.memory_space<vmem>>) target_semaphore(%run_scoped3A_105 : memref<!tpu.dma_semaphore, #tpu.memory_space<semaphore_mem>>)
      %dma_wait3A = arith.constant 0 : i32
      %dma_wait3A_112 = tpu.memref_slice %arg3[%add3A, %dma_wait3A] : memref<32x10240xi32, #tpu.memory_space<hbm>> -> memref<1x10240xi32, #tpu.memory_space<hbm>>
      %dma_wait3A_113 = tpu.memref_squeeze %dma_wait3A_112 : memref<1x10240xi32, #tpu.memory_space<hbm>> -> memref<10240xi32, #tpu.memory_space<hbm>>
      %dma_wait3A_114 = arith.constant 0 : i32
      %dma_wait3A_115 = tpu.memref_slice %arg3[%add3A, %dma_wait3A_114] : memref<32x10240xi32, #tpu.memory_space<hbm>> -> memref<1x10240xi32, #tpu.memory_space<hbm>>
      %dma_wait3A_116 = tpu.memref_squeeze %dma_wait3A_115 : memref<1x10240xi32, #tpu.memory_space<hbm>> -> memref<10240xi32, #tpu.memory_space<hbm>>
      tpu.wait_dma2 semaphore(%run_scoped3A_105 : memref<!tpu.dma_semaphore, #tpu.memory_space<semaphore_mem>>) src(%dma_wait3A_116 : memref<10240xi32, #tpu.memory_space<hbm>>) dst(%arg6 : memref<10240xi32, #tpu.memory_space<vmem>>)
      tpu.yield
    }) : () -> ()
    %broadcast_in_dim3A = arith.constant 0.000000e+00 : f32
    %broadcast_in_dim3A_1 = vector.broadcast %broadcast_in_dim3A : f32 to vector<16xf32>
    %scan3A = arith.constant 0 : i32
    %scan3A_2 = arith.constant 0 : i32
    %scan3A_3 = arith.constant 128 : i32
    %scan3A_4 = arith.addi %scan3A_2, %scan3A_3 : i32
    %scan3A_5 = arith.constant 1 : i32
    %scan3A_6 = scf.for %scan3A_105 = %scan3A_2 to %scan3A_4 step %scan3A_5 iter_args(%scan3A_106 = %scan3A) -> (i32)  : i32 {
      %scan3A_107 = arith.constant 0 : i32
      %scan3A_108 = arith.constant 0 : i32
      %scan3A_109 = arith.constant 8 : i32
      %scan3A_110 = arith.addi %scan3A_108, %scan3A_109 : i32
      %scan3A_111 = arith.constant 1 : i32
      %scan3A_112 = scf.for %scan3A_114 = %scan3A_108 to %scan3A_110 step %scan3A_111 iter_args(%scan3A_115 = %scan3A_107) -> (i32)  : i32 {
        %mul3A_116 = arith.constant 16 : i32
        %mul3A_117 = arith.muli %scan3A_114, %mul3A_116 : i32
        %swap3A = arith.constant 0 : i32
        %swap3A_118 = arith.index_cast %swap3A : i32 to index
        %swap3A_119 = arith.index_cast %scan3A_105 : i32 to index
        %swap3A_120 = arith.index_cast %mul3A_117 : i32 to index
        %swap3A_121 = tpu.vector_load %arg8[%swap3A_118, %swap3A_119, %swap3A_120] {strides = array<i32>} : memref<2x128x128xf32, #tpu.memory_space<vmem>>, vector<16xf32>,
        tpu.vector_store %arg8[%swap3A_118, %swap3A_119, %swap3A_120], %broadcast_in_dim3A_1 {strides = array<i32>} : memref<2x128x128xf32, #tpu.memory_space<vmem>>, vector<16xf32>,
        %scan3A_122 = arith.constant 0 : i32
        scf.yield %scan3A_122 : i32
      }
      %scan3A_113 = arith.constant 8 : i32
      scf.yield %scan3A_112 : i32
    }
    %scan3A_7 = arith.constant 128 : i32
    %mul3A_8 = arith.constant 640 : i32
    %mul3A_9 = arith.muli %arg1, %mul3A_8 : i32
    %add3A_10 = arith.constant 0 : i32
    %add3A_11 = arith.addi %mul3A_9, %add3A_10 : i32
    %run_scoped3A = arith.constant 0 : i32
    "tpu.region"() ({
      %run_scoped3A_105 = tpu.sem_alloc : memref<!tpu.dma_semaphore, #tpu.memory_space<semaphore_mem>>
      %dma_start3A_106 = arith.constant 0 : i32
      %dma_start3A_107 = arith.constant 0 : i32
      %dma_start3A_108 = tpu.memref_slice %arg8[%run_scoped3A, %dma_start3A_106, %dma_start3A_107] : memref<2x128x128xf32, #tpu.memory_space<vmem>> -> memref<1x128x128xf32, #tpu.memory_space<vmem>>
      %dma_start3A_109 = tpu.memref_squeeze %dma_start3A_108 : memref<1x128x128xf32, #tpu.memory_space<vmem>> -> memref<128x128xf32, #tpu.memory_space<vmem>>
      %dma_start3A_110 = arith.constant 0 : i32
      %dma_start3A_111 = tpu.memref_slice %arg9[%add3A_11, %dma_start3A_110] : memref<10240x128xf32, #tpu.memory_space<vmem_shared>> -> memref<128x128xf32, #tpu.memory_space<vmem_shared>>
      %dma_start3A_112 = arith.constant 0 : i32
      %dma_start3A_113 = tpu.memref_slice %arg9[%add3A_11, %dma_start3A_112] : memref<10240x128xf32, #tpu.memory_space<vmem_shared>> -> memref<128x128xf32, #tpu.memory_space<vmem_shared>>
      %dma_start3A_114 = arith.constant 0 : i32
      %dma_start3A_115 = arith.constant 0 : i32
      %dma_start3A_116 = tpu.memref_slice %arg8[%run_scoped3A, %dma_start3A_114, %dma_start3A_115] : memref<2x128x128xf32, #tpu.memory_space<vmem>> -> memref<1x128x128xf32, #tpu.memory_space<vmem>>
      %dma_start3A_117 = tpu.memref_squeeze %dma_start3A_116 : memref<1x128x128xf32, #tpu.memory_space<vmem>> -> memref<128x128xf32, #tpu.memory_space<vmem>>
      tpu.enqueue_dma source(%dma_start3A_117 : memref<128x128xf32, #tpu.memory_space<vmem>>) target(%dma_start3A_113 : memref<128x128xf32, #tpu.memory_space<vmem_shared>>) target_semaphore(%run_scoped3A_105 : memref<!tpu.dma_semaphore, #tpu.memory_space<semaphore_mem>>)
      %dma_wait3A = arith.constant 0 : i32
      %dma_wait3A_118 = arith.constant 0 : i32
      %dma_wait3A_119 = tpu.memref_slice %arg8[%run_scoped3A, %dma_wait3A, %dma_wait3A_118] : memref<2x128x128xf32, #tpu.memory_space<vmem>> -> memref<1x128x128xf32, #tpu.memory_space<vmem>>
      %dma_wait3A_120 = tpu.memref_squeeze %dma_wait3A_119 : memref<1x128x128xf32, #tpu.memory_space<vmem>> -> memref<128x128xf32, #tpu.memory_space<vmem>>
      %dma_wait3A_121 = arith.constant 0 : i32
      %dma_wait3A_122 = tpu.memref_slice %arg9[%add3A_11, %dma_wait3A_121] : memref<10240x128xf32, #tpu.memory_space<vmem_shared>> -> memref<128x128xf32, #tpu.memory_space<vmem_shared>>
      %dma_wait3A_123 = arith.constant 0 : i32
      %dma_wait3A_124 = tpu.memref_slice %arg9[%add3A_11, %dma_wait3A_123] : memref<10240x128xf32, #tpu.memory_space<vmem_shared>> -> memref<128x128xf32, #tpu.memory_space<vmem_shared>>
      %dma_wait3A_125 = arith.constant 0 : i32
      %dma_wait3A_126 = arith.constant 0 : i32
      %dma_wait3A_127 = tpu.memref_slice %arg8[%run_scoped3A, %dma_wait3A_125, %dma_wait3A_126] : memref<2x128x128xf32, #tpu.memory_space<vmem>> -> memref<1x128x128xf32, #tpu.memory_space<vmem>>
      %dma_wait3A_128 = tpu.memref_squeeze %dma_wait3A_127 : memref<1x128x128xf32, #tpu.memory_space<vmem>> -> memref<128x128xf32, #tpu.memory_space<vmem>>
      tpu.wait_dma2 semaphore(%run_scoped3A_105 : memref<!tpu.dma_semaphore, #tpu.memory_space<semaphore_mem>>) src(%dma_wait3A_128 : memref<128x128xf32, #tpu.memory_space<vmem>>) dst(%dma_wait3A_124 : memref<128x128xf32, #tpu.memory_space<vmem_shared>>)
      tpu.yield
    }) : () -> ()
    %mul3A_12 = arith.constant 640 : i32
    %mul3A_13 = arith.muli %arg1, %mul3A_12 : i32
    %add3A_14 = arith.constant 128 : i32
    %add3A_15 = arith.addi %mul3A_13, %add3A_14 : i32
    %run_scoped3A_16 = arith.constant 0 : i32
    "tpu.region"() ({
      %run_scoped3A_105 = tpu.sem_alloc : memref<!tpu.dma_semaphore, #tpu.memory_space<semaphore_mem>>
      %dma_start3A_106 = arith.constant 0 : i32
      %dma_start3A_107 = arith.constant 0 : i32
      %dma_start3A_108 = tpu.memref_slice %arg8[%run_scoped3A_16, %dma_start3A_106, %dma_start3A_107] : memref<2x128x128xf32, #tpu.memory_space<vmem>> -> memref<1x128x128xf32, #tpu.memory_space<vmem>>
      %dma_start3A_109 = tpu.memref_squeeze %dma_start3A_108 : memref<1x128x128xf32, #tpu.memory_space<vmem>> -> memref<128x128xf32, #tpu.memory_space<vmem>>
      %dma_start3A_110 = arith.constant 0 : i32
      %dma_start3A_111 = tpu.memref_slice %arg9[%add3A_15, %dma_start3A_110] : memref<10240x128xf32, #tpu.memory_space<vmem_shared>> -> memref<128x128xf32, #tpu.memory_space<vmem_shared>>
      %dma_start3A_112 = arith.constant 0 : i32
      %dma_start3A_113 = tpu.memref_slice %arg9[%add3A_15, %dma_start3A_112] : memref<10240x128xf32, #tpu.memory_space<vmem_shared>> -> memref<128x128xf32, #tpu.memory_space<vmem_shared>>
      %dma_start3A_114 = arith.constant 0 : i32
      %dma_start3A_115 = arith.constant 0 : i32
      %dma_start3A_116 = tpu.memref_slice %arg8[%run_scoped3A_16, %dma_start3A_114, %dma_start3A_115] : memref<2x128x128xf32, #tpu.memory_space<vmem>> -> memref<1x128x128xf32, #tpu.memory_space<vmem>>
      %dma_start3A_117 = tpu.memref_squeeze %dma_start3A_116 : memref<1x128x128xf32, #tpu.memory_space<vmem>> -> memref<128x128xf32, #tpu.memory_space<vmem>>
      tpu.enqueue_dma source(%dma_start3A_117 : memref<128x128xf32, #tpu.memory_space<vmem>>) target(%dma_start3A_113 : memref<128x128xf32, #tpu.memory_space<vmem_shared>>) target_semaphore(%run_scoped3A_105 : memref<!tpu.dma_semaphore, #tpu.memory_space<semaphore_mem>>)
      %dma_wait3A = arith.constant 0 : i32
      %dma_wait3A_118 = arith.constant 0 : i32
      %dma_wait3A_119 = tpu.memref_slice %arg8[%run_scoped3A_16, %dma_wait3A, %dma_wait3A_118] : memref<2x128x128xf32, #tpu.memory_space<vmem>> -> memref<1x128x128xf32, #tpu.memory_space<vmem>>
      %dma_wait3A_120 = tpu.memref_squeeze %dma_wait3A_119 : memref<1x128x128xf32, #tpu.memory_space<vmem>> -> memref<128x128xf32, #tpu.memory_space<vmem>>
      %dma_wait3A_121 = arith.constant 0 : i32
      %dma_wait3A_122 = tpu.memref_slice %arg9[%add3A_15, %dma_wait3A_121] : memref<10240x128xf32, #tpu.memory_space<vmem_shared>> -> memref<128x128xf32, #tpu.memory_space<vmem_shared>>
      %dma_wait3A_123 = arith.constant 0 : i32
      %dma_wait3A_124 = tpu.memref_slice %arg9[%add3A_15, %dma_wait3A_123] : memref<10240x128xf32, #tpu.memory_space<vmem_shared>> -> memref<128x128xf32, #tpu.memory_space<vmem_shared>>
      %dma_wait3A_125 = arith.constant 0 : i32
      %dma_wait3A_126 = arith.constant 0 : i32
      %dma_wait3A_127 = tpu.memref_slice %arg8[%run_scoped3A_16, %dma_wait3A_125, %dma_wait3A_126] : memref<2x128x128xf32, #tpu.memory_space<vmem>> -> memref<1x128x128xf32, #tpu.memory_space<vmem>>
      %dma_wait3A_128 = tpu.memref_squeeze %dma_wait3A_127 : memref<1x128x128xf32, #tpu.memory_space<vmem>> -> memref<128x128xf32, #tpu.memory_space<vmem>>
      tpu.wait_dma2 semaphore(%run_scoped3A_105 : memref<!tpu.dma_semaphore, #tpu.memory_space<semaphore_mem>>) src(%dma_wait3A_128 : memref<128x128xf32, #tpu.memory_space<vmem>>) dst(%dma_wait3A_124 : memref<128x128xf32, #tpu.memory_space<vmem_shared>>)
      tpu.yield
    }) : () -> ()
    %mul3A_17 = arith.constant 640 : i32
    %mul3A_18 = arith.muli %arg1, %mul3A_17 : i32
    %add3A_19 = arith.constant 256 : i32
    %add3A_20 = arith.addi %mul3A_18, %add3A_19 : i32
    %run_scoped3A_21 = arith.constant 0 : i32
    "tpu.region"() ({
      %run_scoped3A_105 = tpu.sem_alloc : memref<!tpu.dma_semaphore, #tpu.memory_space<semaphore_mem>>
      %dma_start3A_106 = arith.constant 0 : i32
      %dma_start3A_107 = arith.constant 0 : i32
      %dma_start3A_108 = tpu.memref_slice %arg8[%run_scoped3A_21, %dma_start3A_106, %dma_start3A_107] : memref<2x128x128xf32, #tpu.memory_space<vmem>> -> memref<1x128x128xf32, #tpu.memory_space<vmem>>
      %dma_start3A_109 = tpu.memref_squeeze %dma_start3A_108 : memref<1x128x128xf32, #tpu.memory_space<vmem>> -> memref<128x128xf32, #tpu.memory_space<vmem>>
      %dma_start3A_110 = arith.constant 0 : i32
      %dma_start3A_111 = tpu.memref_slice %arg9[%add3A_20, %dma_start3A_110] : memref<10240x128xf32, #tpu.memory_space<vmem_shared>> -> memref<128x128xf32, #tpu.memory_space<vmem_shared>>
      %dma_start3A_112 = arith.constant 0 : i32
      %dma_start3A_113 = tpu.memref_slice %arg9[%add3A_20, %dma_start3A_112] : memref<10240x128xf32, #tpu.memory_space<vmem_shared>> -> memref<128x128xf32, #tpu.memory_space<vmem_shared>>
      %dma_start3A_114 = arith.constant 0 : i32
      %dma_start3A_115 = arith.constant 0 : i32
      %dma_start3A_116 = tpu.memref_slice %arg8[%run_scoped3A_21, %dma_start3A_114, %dma_start3A_115] : memref<2x128x128xf32, #tpu.memory_space<vmem>> -> memref<1x128x128xf32, #tpu.memory_space<vmem>>
      %dma_start3A_117 = tpu.memref_squeeze %dma_start3A_116 : memref<1x128x128xf32, #tpu.memory_space<vmem>> -> memref<128x128xf32, #tpu.memory_space<vmem>>
      tpu.enqueue_dma source(%dma_start3A_117 : memref<128x128xf32, #tpu.memory_space<vmem>>) target(%dma_start3A_113 : memref<128x128xf32, #tpu.memory_space<vmem_shared>>) target_semaphore(%run_scoped3A_105 : memref<!tpu.dma_semaphore, #tpu.memory_space<semaphore_mem>>)
      %dma_wait3A = arith.constant 0 : i32
      %dma_wait3A_118 = arith.constant 0 : i32
      %dma_wait3A_119 = tpu.memref_slice %arg8[%run_scoped3A_21, %dma_wait3A, %dma_wait3A_118] : memref<2x128x128xf32, #tpu.memory_space<vmem>> -> memref<1x128x128xf32, #tpu.memory_space<vmem>>
      %dma_wait3A_120 = tpu.memref_squeeze %dma_wait3A_119 : memref<1x128x128xf32, #tpu.memory_space<vmem>> -> memref<128x128xf32, #tpu.memory_space<vmem>>
      %dma_wait3A_121 = arith.constant 0 : i32
      %dma_wait3A_122 = tpu.memref_slice %arg9[%add3A_20, %dma_wait3A_121] : memref<10240x128xf32, #tpu.memory_space<vmem_shared>> -> memref<128x128xf32, #tpu.memory_space<vmem_shared>>
      %dma_wait3A_123 = arith.constant 0 : i32
      %dma_wait3A_124 = tpu.memref_slice %arg9[%add3A_20, %dma_wait3A_123] : memref<10240x128xf32, #tpu.memory_space<vmem_shared>> -> memref<128x128xf32, #tpu.memory_space<vmem_shared>>
      %dma_wait3A_125 = arith.constant 0 : i32
      %dma_wait3A_126 = arith.constant 0 : i32
      %dma_wait3A_127 = tpu.memref_slice %arg8[%run_scoped3A_21, %dma_wait3A_125, %dma_wait3A_126] : memref<2x128x128xf32, #tpu.memory_space<vmem>> -> memref<1x128x128xf32, #tpu.memory_space<vmem>>
      %dma_wait3A_128 = tpu.memref_squeeze %dma_wait3A_127 : memref<1x128x128xf32, #tpu.memory_space<vmem>> -> memref<128x128xf32, #tpu.memory_space<vmem>>
      tpu.wait_dma2 semaphore(%run_scoped3A_105 : memref<!tpu.dma_semaphore, #tpu.memory_space<semaphore_mem>>) src(%dma_wait3A_128 : memref<128x128xf32, #tpu.memory_space<vmem>>) dst(%dma_wait3A_124 : memref<128x128xf32, #tpu.memory_space<vmem_shared>>)
      tpu.yield
    }) : () -> ()
    %mul3A_22 = arith.constant 640 : i32
    %mul3A_23 = arith.muli %arg1, %mul3A_22 : i32
    %add3A_24 = arith.constant 384 : i32
    %add3A_25 = arith.addi %mul3A_23, %add3A_24 : i32
    %run_scoped3A_26 = arith.constant 0 : i32
    "tpu.region"() ({
      %run_scoped3A_105 = tpu.sem_alloc : memref<!tpu.dma_semaphore, #tpu.memory_space<semaphore_mem>>
      %dma_start3A_106 = arith.constant 0 : i32
      %dma_start3A_107 = arith.constant 0 : i32
      %dma_start3A_108 = tpu.memref_slice %arg8[%run_scoped3A_26, %dma_start3A_106, %dma_start3A_107] : memref<2x128x128xf32, #tpu.memory_space<vmem>> -> memref<1x128x128xf32, #tpu.memory_space<vmem>>
      %dma_start3A_109 = tpu.memref_squeeze %dma_start3A_108 : memref<1x128x128xf32, #tpu.memory_space<vmem>> -> memref<128x128xf32, #tpu.memory_space<vmem>>
      %dma_start3A_110 = arith.constant 0 : i32
      %dma_start3A_111 = tpu.memref_slice %arg9[%add3A_25, %dma_start3A_110] : memref<10240x128xf32, #tpu.memory_space<vmem_shared>> -> memref<128x128xf32, #tpu.memory_space<vmem_shared>>
      %dma_start3A_112 = arith.constant 0 : i32
      %dma_start3A_113 = tpu.memref_slice %arg9[%add3A_25, %dma_start3A_112] : memref<10240x128xf32, #tpu.memory_space<vmem_shared>> -> memref<128x128xf32, #tpu.memory_space<vmem_shared>>
      %dma_start3A_114 = arith.constant 0 : i32
      %dma_start3A_115 = arith.constant 0 : i32
      %dma_start3A_116 = tpu.memref_slice %arg8[%run_scoped3A_26, %dma_start3A_114, %dma_start3A_115] : memref<2x128x128xf32, #tpu.memory_space<vmem>> -> memref<1x128x128xf32, #tpu.memory_space<vmem>>
      %dma_start3A_117 = tpu.memref_squeeze %dma_start3A_116 : memref<1x128x128xf32, #tpu.memory_space<vmem>> -> memref<128x128xf32, #tpu.memory_space<vmem>>
      tpu.enqueue_dma source(%dma_start3A_117 : memref<128x128xf32, #tpu.memory_space<vmem>>) target(%dma_start3A_113 : memref<128x128xf32, #tpu.memory_space<vmem_shared>>) target_semaphore(%run_scoped3A_105 : memref<!tpu.dma_semaphore, #tpu.memory_space<semaphore_mem>>)
      %dma_wait3A = arith.constant 0 : i32
      %dma_wait3A_118 = arith.constant 0 : i32
      %dma_wait3A_119 = tpu.memref_slice %arg8[%run_scoped3A_26, %dma_wait3A, %dma_wait3A_118] : memref<2x128x128xf32, #tpu.memory_space<vmem>> -> memref<1x128x128xf32, #tpu.memory_space<vmem>>
      %dma_wait3A_120 = tpu.memref_squeeze %dma_wait3A_119 : memref<1x128x128xf32, #tpu.memory_space<vmem>> -> memref<128x128xf32, #tpu.memory_space<vmem>>
      %dma_wait3A_121 = arith.constant 0 : i32
      %dma_wait3A_122 = tpu.memref_slice %arg9[%add3A_25, %dma_wait3A_121] : memref<10240x128xf32, #tpu.memory_space<vmem_shared>> -> memref<128x128xf32, #tpu.memory_space<vmem_shared>>
      %dma_wait3A_123 = arith.constant 0 : i32
      %dma_wait3A_124 = tpu.memref_slice %arg9[%add3A_25, %dma_wait3A_123] : memref<10240x128xf32, #tpu.memory_space<vmem_shared>> -> memref<128x128xf32, #tpu.memory_space<vmem_shared>>
      %dma_wait3A_125 = arith.constant 0 : i32
      %dma_wait3A_126 = arith.constant 0 : i32
      %dma_wait3A_127 = tpu.memref_slice %arg8[%run_scoped3A_26, %dma_wait3A_125, %dma_wait3A_126] : memref<2x128x128xf32, #tpu.memory_space<vmem>> -> memref<1x128x128xf32, #tpu.memory_space<vmem>>
      %dma_wait3A_128 = tpu.memref_squeeze %dma_wait3A_127 : memref<1x128x128xf32, #tpu.memory_space<vmem>> -> memref<128x128xf32, #tpu.memory_space<vmem>>
      tpu.wait_dma2 semaphore(%run_scoped3A_105 : memref<!tpu.dma_semaphore, #tpu.memory_space<semaphore_mem>>) src(%dma_wait3A_128 : memref<128x128xf32, #tpu.memory_space<vmem>>) dst(%dma_wait3A_124 : memref<128x128xf32, #tpu.memory_space<vmem_shared>>)
      tpu.yield
    }) : () -> ()
    %mul3A_27 = arith.constant 640 : i32
    %mul3A_28 = arith.muli %arg1, %mul3A_27 : i32
    %add3A_29 = arith.constant 512 : i32
    %add3A_30 = arith.addi %mul3A_28, %add3A_29 : i32
    %run_scoped3A_31 = arith.constant 0 : i32
    "tpu.region"() ({
      %run_scoped3A_105 = tpu.sem_alloc : memref<!tpu.dma_semaphore, #tpu.memory_space<semaphore_mem>>
      %dma_start3A_106 = arith.constant 0 : i32
      %dma_start3A_107 = arith.constant 0 : i32
      %dma_start3A_108 = tpu.memref_slice %arg8[%run_scoped3A_31, %dma_start3A_106, %dma_start3A_107] : memref<2x128x128xf32, #tpu.memory_space<vmem>> -> memref<1x128x128xf32, #tpu.memory_space<vmem>>
      %dma_start3A_109 = tpu.memref_squeeze %dma_start3A_108 : memref<1x128x128xf32, #tpu.memory_space<vmem>> -> memref<128x128xf32, #tpu.memory_space<vmem>>
      %dma_start3A_110 = arith.constant 0 : i32
      %dma_start3A_111 = tpu.memref_slice %arg9[%add3A_30, %dma_start3A_110] : memref<10240x128xf32, #tpu.memory_space<vmem_shared>> -> memref<128x128xf32, #tpu.memory_space<vmem_shared>>
      %dma_start3A_112 = arith.constant 0 : i32
      %dma_start3A_113 = tpu.memref_slice %arg9[%add3A_30, %dma_start3A_112] : memref<10240x128xf32, #tpu.memory_space<vmem_shared>> -> memref<128x128xf32, #tpu.memory_space<vmem_shared>>
      %dma_start3A_114 = arith.constant 0 : i32
      %dma_start3A_115 = arith.constant 0 : i32
      %dma_start3A_116 = tpu.memref_slice %arg8[%run_scoped3A_31, %dma_start3A_114, %dma_start3A_115] : memref<2x128x128xf32, #tpu.memory_space<vmem>> -> memref<1x128x128xf32, #tpu.memory_space<vmem>>
      %dma_start3A_117 = tpu.memref_squeeze %dma_start3A_116 : memref<1x128x128xf32, #tpu.memory_space<vmem>> -> memref<128x128xf32, #tpu.memory_space<vmem>>
      tpu.enqueue_dma source(%dma_start3A_117 : memref<128x128xf32, #tpu.memory_space<vmem>>) target(%dma_start3A_113 : memref<128x128xf32, #tpu.memory_space<vmem_shared>>) target_semaphore(%run_scoped3A_105 : memref<!tpu.dma_semaphore, #tpu.memory_space<semaphore_mem>>)
      %dma_wait3A = arith.constant 0 : i32
      %dma_wait3A_118 = arith.constant 0 : i32
      %dma_wait3A_119 = tpu.memref_slice %arg8[%run_scoped3A_31, %dma_wait3A, %dma_wait3A_118] : memref<2x128x128xf32, #tpu.memory_space<vmem>> -> memref<1x128x128xf32, #tpu.memory_space<vmem>>
      %dma_wait3A_120 = tpu.memref_squeeze %dma_wait3A_119 : memref<1x128x128xf32, #tpu.memory_space<vmem>> -> memref<128x128xf32, #tpu.memory_space<vmem>>
      %dma_wait3A_121 = arith.constant 0 : i32
      %dma_wait3A_122 = tpu.memref_slice %arg9[%add3A_30, %dma_wait3A_121] : memref<10240x128xf32, #tpu.memory_space<vmem_shared>> -> memref<128x128xf32, #tpu.memory_space<vmem_shared>>
      %dma_wait3A_123 = arith.constant 0 : i32
      %dma_wait3A_124 = tpu.memref_slice %arg9[%add3A_30, %dma_wait3A_123] : memref<10240x128xf32, #tpu.memory_space<vmem_shared>> -> memref<128x128xf32, #tpu.memory_space<vmem_shared>>
      %dma_wait3A_125 = arith.constant 0 : i32
      %dma_wait3A_126 = arith.constant 0 : i32
      %dma_wait3A_127 = tpu.memref_slice %arg8[%run_scoped3A_31, %dma_wait3A_125, %dma_wait3A_126] : memref<2x128x128xf32, #tpu.memory_space<vmem>> -> memref<1x128x128xf32, #tpu.memory_space<vmem>>
      %dma_wait3A_128 = tpu.memref_squeeze %dma_wait3A_127 : memref<1x128x128xf32, #tpu.memory_space<vmem>> -> memref<128x128xf32, #tpu.memory_space<vmem>>
      tpu.wait_dma2 semaphore(%run_scoped3A_105 : memref<!tpu.dma_semaphore, #tpu.memory_space<semaphore_mem>>) src(%dma_wait3A_128 : memref<128x128xf32, #tpu.memory_space<vmem>>) dst(%dma_wait3A_124 : memref<128x128xf32, #tpu.memory_space<vmem_shared>>)
      tpu.yield
    }) : () -> ()
    %dma_start3A = arith.constant 0 : i32
    %dma_start3A_32 = arith.constant 0 : i32
    %dma_start3A_33 = arith.constant 0 : i32
    %dma_start3A_34 = tpu.memref_slice %arg8[%dma_start3A, %dma_start3A_32, %dma_start3A_33] : memref<2x128x128xf32, #tpu.memory_space<vmem>> -> memref<1x128x128xf32, #tpu.memory_space<vmem>>
    %dma_start3A_35 = tpu.memref_squeeze %dma_start3A_34 : memref<1x128x128xf32, #tpu.memory_space<vmem>> -> memref<128x128xf32, #tpu.memory_space<vmem>>
    %dma_start3A_36 = arith.constant 0 : i32
    %dma_start3A_37 = tpu.memref_slice %arg6[%dma_start3A_36] : memref<10240xi32, #tpu.memory_space<vmem>> -> memref<128xi32, #tpu.memory_space<vmem>>
    %dma_start3A_38 = arith.constant 0 : i32
    %dma_start3A_39 = arith.constant 0 : i32
    %dma_start3A_40 = tpu.memref_slice %arg2[%dma_start3A_38, %dma_start3A_39] : memref<10240x128xf32, #tpu.memory_space<hbm>> -> memref<10240x128xf32, #tpu.memory_space<hbm>>
    tpu.enqueue_indirect_dma source(%dma_start3A_40 : memref<10240x128xf32, #tpu.memory_space<hbm>>) target(%dma_start3A_35 : memref<128x128xf32, #tpu.memory_space<vmem>>) offsets(%dma_start3A_37 : memref<128xi32, #tpu.memory_space<vmem>>) semaphore(%arg10 : memref<!tpu.dma_semaphore, #tpu.memory_space<semaphore_mem>>)
    %dma_start3A_41 = arith.constant 0 : i32
    %dma_start3A_42 = arith.constant 0 : i32
    %dma_start3A_43 = arith.constant 0 : i32
    %dma_start3A_44 = tpu.memref_slice %arg7[%dma_start3A_42, %dma_start3A_43] : memref<2x128xi32, #tpu.memory_space<vmem>> -> memref<1x128xi32, #tpu.memory_space<vmem>>
    %dma_start3A_45 = tpu.memref_squeeze %dma_start3A_44 : memref<1x128xi32, #tpu.memory_space<vmem>> -> memref<128xi32, #tpu.memory_space<vmem>>
    %dma_start3A_46 = arith.constant 0 : i32
    %dma_start3A_47 = arith.constant 0 : i32
    %dma_start3A_48 = tpu.memref_slice %arg4[%add3A, %dma_start3A_46, %dma_start3A_47] : memref<32x80x128xi32, #tpu.memory_space<hbm>> -> memref<1x80x128xi32, #tpu.memory_space<hbm>>
    %dma_start3A_49 = tpu.memref_squeeze %dma_start3A_48 : memref<1x80x128xi32, #tpu.memory_space<hbm>> -> memref<80x128xi32, #tpu.memory_space<hbm>>
    %dma_start3A_50 = arith.constant 0 : i32
    %dma_start3A_51 = tpu.memref_slice %dma_start3A_49[%dma_start3A_41, %dma_start3A_50] : memref<80x128xi32, #tpu.memory_space<hbm>> -> memref<1x128xi32, #tpu.memory_space<hbm>>
    %dma_start3A_52 = tpu.memref_squeeze %dma_start3A_51 : memref<1x128xi32, #tpu.memory_space<hbm>> -> memref<128xi32, #tpu.memory_space<hbm>>
    %dma_start3A_53 = arith.constant 0 : i32
    %dma_start3A_54 = tpu.memref_slice %arg7[%dma_start3A_42, %dma_start3A_53] : memref<2x128xi32, #tpu.memory_space<vmem>> -> memref<1x128xi32, #tpu.memory_space<vmem>>
    %dma_start3A_55 = tpu.memref_squeeze %dma_start3A_54 : memref<1x128xi32, #tpu.memory_space<vmem>> -> memref<128xi32, #tpu.memory_space<vmem>>
    %dma_start3A_56 = arith.constant 0 : i32
    %dma_start3A_57 = arith.constant 0 : i32
    %dma_start3A_58 = tpu.memref_slice %arg4[%add3A, %dma_start3A_56, %dma_start3A_57] : memref<32x80x128xi32, #tpu.memory_space<hbm>> -> memref<1x80x128xi32, #tpu.memory_space<hbm>>
    %dma_start3A_59 = tpu.memref_squeeze %dma_start3A_58 : memref<1x80x128xi32, #tpu.memory_space<hbm>> -> memref<80x128xi32, #tpu.memory_space<hbm>>
    %dma_start3A_60 = arith.constant 0 : i32
    %dma_start3A_61 = tpu.memref_slice %dma_start3A_59[%dma_start3A_41, %dma_start3A_60] : memref<80x128xi32, #tpu.memory_space<hbm>> -> memref<1x128xi32, #tpu.memory_space<hbm>>
    %dma_start3A_62 = tpu.memref_squeeze %dma_start3A_61 : memref<1x128xi32, #tpu.memory_space<hbm>> -> memref<128xi32, #tpu.memory_space<hbm>>
    tpu.enqueue_dma source(%dma_start3A_62 : memref<128xi32, #tpu.memory_space<hbm>>) target(%dma_start3A_55 : memref<128xi32, #tpu.memory_space<vmem>>) target_semaphore(%arg10 : memref<!tpu.dma_semaphore, #tpu.memory_space<semaphore_mem>>)
    %dma_start3A_63 = arith.constant 1 : i32
    %dma_start3A_64 = arith.constant 0 : i32
    %dma_start3A_65 = arith.constant 0 : i32
    %dma_start3A_66 = tpu.memref_slice %arg8[%dma_start3A_63, %dma_start3A_64, %dma_start3A_65] : memref<2x128x128xf32, #tpu.memory_space<vmem>> -> memref<1x128x128xf32, #tpu.memory_space<vmem>>
    %dma_start3A_67 = tpu.memref_squeeze %dma_start3A_66 : memref<1x128x128xf32, #tpu.memory_space<vmem>> -> memref<128x128xf32, #tpu.memory_space<vmem>>
    %dma_start3A_68 = arith.constant 128 : i32
    %dma_start3A_69 = tpu.memref_slice %arg6[%dma_start3A_68] : memref<10240xi32, #tpu.memory_space<vmem>> -> memref<128xi32, #tpu.memory_space<vmem>>
    %dma_start3A_70 = arith.constant 0 : i32
    %dma_start3A_71 = arith.constant 0 : i32
    %dma_start3A_72 = tpu.memref_slice %arg2[%dma_start3A_70, %dma_start3A_71] : memref<10240x128xf32, #tpu.memory_space<hbm>> -> memref<10240x128xf32, #tpu.memory_space<hbm>>
    tpu.enqueue_indirect_dma source(%dma_start3A_72 : memref<10240x128xf32, #tpu.memory_space<hbm>>) target(%dma_start3A_67 : memref<128x128xf32, #tpu.memory_space<vmem>>) offsets(%dma_start3A_69 : memref<128xi32, #tpu.memory_space<vmem>>) semaphore(%arg11 : memref<!tpu.dma_semaphore, #tpu.memory_space<semaphore_mem>>)
    %dma_start3A_73 = arith.constant 1 : i32
    %dma_start3A_74 = arith.constant 1 : i32
    %dma_start3A_75 = arith.constant 0 : i32
    %dma_start3A_76 = tpu.memref_slice %arg7[%dma_start3A_74, %dma_start3A_75] : memref<2x128xi32, #tpu.memory_space<vmem>> -> memref<1x128xi32, #tpu.memory_space<vmem>>
    %dma_start3A_77 = tpu.memref_squeeze %dma_start3A_76 : memref<1x128xi32, #tpu.memory_space<vmem>> -> memref<128xi32, #tpu.memory_space<vmem>>
    %dma_start3A_78 = arith.constant 0 : i32
    %dma_start3A_79 = arith.constant 0 : i32
    %dma_start3A_80 = tpu.memref_slice %arg4[%add3A, %dma_start3A_78, %dma_start3A_79] : memref<32x80x128xi32, #tpu.memory_space<hbm>> -> memref<1x80x128xi32, #tpu.memory_space<hbm>>
    %dma_start3A_81 = tpu.memref_squeeze %dma_start3A_80 : memref<1x80x128xi32, #tpu.memory_space<hbm>> -> memref<80x128xi32, #tpu.memory_space<hbm>>
    %dma_start3A_82 = arith.constant 0 : i32
    %dma_start3A_83 = tpu.memref_slice %dma_start3A_81[%dma_start3A_73, %dma_start3A_82] : memref<80x128xi32, #tpu.memory_space<hbm>> -> memref<1x128xi32, #tpu.memory_space<hbm>>
    %dma_start3A_84 = tpu.memref_squeeze %dma_start3A_83 : memref<1x128xi32, #tpu.memory_space<hbm>> -> memref<128xi32, #tpu.memory_space<hbm>>
    %dma_start3A_85 = arith.constant 0 : i32
    %dma_start3A_86 = tpu.memref_slice %arg7[%dma_start3A_74, %dma_start3A_85] : memref<2x128xi32, #tpu.memory_space<vmem>> -> memref<1x128xi32, #tpu.memory_space<vmem>>
    %dma_start3A_87 = tpu.memref_squeeze %dma_start3A_86 : memref<1x128xi32, #tpu.memory_space<vmem>> -> memref<128xi32, #tpu.memory_space<vmem>>
    %dma_start3A_88 = arith.constant 0 : i32
    %dma_start3A_89 = arith.constant 0 : i32
    %dma_start3A_90 = tpu.memref_slice %arg4[%add3A, %dma_start3A_88, %dma_start3A_89] : memref<32x80x128xi32, #tpu.memory_space<hbm>> -> memref<1x80x128xi32, #tpu.memory_space<hbm>>
    %dma_start3A_91 = tpu.memref_squeeze %dma_start3A_90 : memref<1x80x128xi32, #tpu.memory_space<hbm>> -> memref<80x128xi32, #tpu.memory_space<hbm>>
    %dma_start3A_92 = arith.constant 0 : i32
    %dma_start3A_93 = tpu.memref_slice %dma_start3A_91[%dma_start3A_73, %dma_start3A_92] : memref<80x128xi32, #tpu.memory_space<hbm>> -> memref<1x128xi32, #tpu.memory_space<hbm>>
    %dma_start3A_94 = tpu.memref_squeeze %dma_start3A_93 : memref<1x128xi32, #tpu.memory_space<hbm>> -> memref<128xi32, #tpu.memory_space<hbm>>
    tpu.enqueue_dma source(%dma_start3A_94 : memref<128xi32, #tpu.memory_space<hbm>>) target(%dma_start3A_87 : memref<128xi32, #tpu.memory_space<vmem>>) target_semaphore(%arg11 : memref<!tpu.dma_semaphore, #tpu.memory_space<semaphore_mem>>)
    %barrier3A = arith.constant 0 : index
    tpu.barrier barrier_id(%barrier3A)
    %scan3A_95 = arith.constant 0 : i32
    %scan3A_96 = arith.constant 40 : i32
    %scan3A_97 = arith.addi %scan3A_95, %scan3A_96 : i32
    %scan3A_98 = arith.constant 1 : i32
    scf.for %scan3A_105 = %scan3A_95 to %scan3A_97 step %scan3A_98  : i32 {
      %mul3A_106 = arith.constant 2 : i32
      %mul3A_107 = arith.muli %scan3A_105, %mul3A_106 : i32
      %add3A_108 = arith.constant 0 : i32
      %add3A_109 = arith.addi %add3A_108, %mul3A_107 : i32
      %add3A_110 = arith.constant 0 : i32
      %add3A_111 = arith.addi %add3A_109, %add3A_110 : i32
      %mul3A_112 = arith.constant 128 : i32
      %mul3A_113 = arith.muli %add3A_111, %mul3A_112 : i32
      %dma_wait3A = arith.constant 0 : i32
      %dma_wait3A_114 = arith.constant 0 : i32
      %dma_wait3A_115 = arith.constant 0 : i32
      %dma_wait3A_116 = tpu.memref_slice %arg8[%dma_wait3A, %dma_wait3A_114, %dma_wait3A_115] : memref<2x128x128xf32, #tpu.memory_space<vmem>> -> memref<1x128x128xf32, #tpu.memory_space<vmem>>
      %dma_wait3A_117 = tpu.memref_squeeze %dma_wait3A_116 : memref<1x128x128xf32, #tpu.memory_space<vmem>> -> memref<128x128xf32, #tpu.memory_space<vmem>>
      %dma_wait3A_118 = tpu.memref_slice %arg6[%mul3A_113] : memref<10240xi32, #tpu.memory_space<vmem>> -> memref<128xi32, #tpu.memory_space<vmem>>
      %dma_wait3A_119 = arith.constant 0 : i32
      %dma_wait3A_120 = arith.constant 0 : i32
      %dma_wait3A_121 = tpu.memref_slice %arg2[%dma_wait3A_119, %dma_wait3A_120] : memref<10240x128xf32, #tpu.memory_space<hbm>> -> memref<10240x128xf32, #tpu.memory_space<hbm>>
      tpu.wait_indirect_dma semaphore(%arg10 : memref<!tpu.dma_semaphore, #tpu.memory_space<semaphore_mem>>) src(%dma_wait3A_121 : memref<10240x128xf32, #tpu.memory_space<hbm>>) dst(%dma_wait3A_117 : memref<128x128xf32, #tpu.memory_space<vmem>>)
      %dma_wait3A_122 = arith.constant 0 : i32
      %dma_wait3A_123 = arith.constant 0 : i32
      %dma_wait3A_124 = tpu.memref_slice %arg7[%dma_wait3A_122, %dma_wait3A_123] : memref<2x128xi32, #tpu.memory_space<vmem>> -> memref<1x128xi32, #tpu.memory_space<vmem>>
      %dma_wait3A_125 = tpu.memref_squeeze %dma_wait3A_124 : memref<1x128xi32, #tpu.memory_space<vmem>> -> memref<128xi32, #tpu.memory_space<vmem>>
      %dma_wait3A_126 = arith.constant 0 : i32
      %dma_wait3A_127 = arith.constant 0 : i32
      %dma_wait3A_128 = tpu.memref_slice %arg4[%add3A, %dma_wait3A_126, %dma_wait3A_127] : memref<32x80x128xi32, #tpu.memory_space<hbm>> -> memref<1x80x128xi32, #tpu.memory_space<hbm>>
      %dma_wait3A_129 = tpu.memref_squeeze %dma_wait3A_128 : memref<1x80x128xi32, #tpu.memory_space<hbm>> -> memref<80x128xi32, #tpu.memory_space<hbm>>
      %dma_wait3A_130 = arith.constant 0 : i32
      %dma_wait3A_131 = tpu.memref_slice %dma_wait3A_129[%add3A_111, %dma_wait3A_130] : memref<80x128xi32, #tpu.memory_space<hbm>> -> memref<1x128xi32, #tpu.memory_space<hbm>>
      %dma_wait3A_132 = tpu.memref_squeeze %dma_wait3A_131 : memref<1x128xi32, #tpu.memory_space<hbm>> -> memref<128xi32, #tpu.memory_space<hbm>>
      %dma_wait3A_133 = arith.constant 0 : i32
      %dma_wait3A_134 = tpu.memref_slice %arg7[%dma_wait3A_122, %dma_wait3A_133] : memref<2x128xi32, #tpu.memory_space<vmem>> -> memref<1x128xi32, #tpu.memory_space<vmem>>
      %dma_wait3A_135 = tpu.memref_squeeze %dma_wait3A_134 : memref<1x128xi32, #tpu.memory_space<vmem>> -> memref<128xi32, #tpu.memory_space<vmem>>
      %dma_wait3A_136 = arith.constant 0 : i32
      %dma_wait3A_137 = arith.constant 0 : i32
      %dma_wait3A_138 = tpu.memref_slice %arg4[%add3A, %dma_wait3A_136, %dma_wait3A_137] : memref<32x80x128xi32, #tpu.memory_space<hbm>> -> memref<1x80x128xi32, #tpu.memory_space<hbm>>
      %dma_wait3A_139 = tpu.memref_squeeze %dma_wait3A_138 : memref<1x80x128xi32, #tpu.memory_space<hbm>> -> memref<80x128xi32, #tpu.memory_space<hbm>>
      %dma_wait3A_140 = arith.constant 0 : i32
      %dma_wait3A_141 = tpu.memref_slice %dma_wait3A_139[%add3A_111, %dma_wait3A_140] : memref<80x128xi32, #tpu.memory_space<hbm>> -> memref<1x128xi32, #tpu.memory_space<hbm>>
      %dma_wait3A_142 = tpu.memref_squeeze %dma_wait3A_141 : memref<1x128xi32, #tpu.memory_space<hbm>> -> memref<128xi32, #tpu.memory_space<hbm>>
      tpu.wait_dma2 semaphore(%arg10 : memref<!tpu.dma_semaphore, #tpu.memory_space<semaphore_mem>>) src(%dma_wait3A_142 : memref<128xi32, #tpu.memory_space<hbm>>) dst(%dma_wait3A_135 : memref<128xi32, #tpu.memory_space<vmem>>)
      %run_scoped3A_143 = arith.constant 0 : i32
      %run_scoped3A_144 = arith.constant 0 : i32
      "tpu.region"() ({
        %run_scoped3A_192 = tpu.sem_alloc : memref<!tpu.dma_semaphore, #tpu.memory_space<semaphore_mem>>
        %dma_start3A_193 = arith.constant 0 : i32
        %dma_start3A_194 = arith.constant 0 : i32
        %dma_start3A_195 = tpu.memref_slice %arg8[%run_scoped3A_143, %dma_start3A_193, %dma_start3A_194] : memref<2x128x128xf32, #tpu.memory_space<vmem>> -> memref<1x128x128xf32, #tpu.memory_space<vmem>>
        %dma_start3A_196 = tpu.memref_squeeze %dma_start3A_195 : memref<1x128x128xf32, #tpu.memory_space<vmem>> -> memref<128x128xf32, #tpu.memory_space<vmem>>
        %dma_start3A_197 = arith.constant 0 : i32
        %dma_start3A_198 = tpu.memref_slice %arg7[%run_scoped3A_144, %dma_start3A_197] : memref<2x128xi32, #tpu.memory_space<vmem>> -> memref<1x128xi32, #tpu.memory_space<vmem>>
        %dma_start3A_199 = tpu.memref_squeeze %dma_start3A_198 : memref<1x128xi32, #tpu.memory_space<vmem>> -> memref<128xi32, #tpu.memory_space<vmem>>
        %dma_start3A_200 = arith.constant 0 : i32
        %dma_start3A_201 = arith.constant 0 : i32
        %dma_start3A_202 = tpu.memref_slice %arg9[%dma_start3A_200, %dma_start3A_201] : memref<10240x128xf32, #tpu.memory_space<vmem_shared>> -> memref<10240x128xf32, #tpu.memory_space<vmem_shared>>
        tpu.enqueue_indirect_dma source(%dma_start3A_196 : memref<128x128xf32, #tpu.memory_space<vmem>>) target(%dma_start3A_202 : memref<10240x128xf32, #tpu.memory_space<vmem_shared>>) offsets(%dma_start3A_199 : memref<128xi32, #tpu.memory_space<vmem>>) semaphore(%run_scoped3A_192 : memref<!tpu.dma_semaphore, #tpu.memory_space<semaphore_mem>>) {add = true}
        %dma_wait3A_203 = arith.constant 0 : i32
        %dma_wait3A_204 = arith.constant 0 : i32
        %dma_wait3A_205 = tpu.memref_slice %arg8[%run_scoped3A_143, %dma_wait3A_203, %dma_wait3A_204] : memref<2x128x128xf32, #tpu.memory_space<vmem>> -> memref<1x128x128xf32, #tpu.memory_space<vmem>>
        %dma_wait3A_206 = tpu.memref_squeeze %dma_wait3A_205 : memref<1x128x128xf32, #tpu.memory_space<vmem>> -> memref<128x128xf32, #tpu.memory_space<vmem>>
        %dma_wait3A_207 = arith.constant 0 : i32
        %dma_wait3A_208 = tpu.memref_slice %arg7[%run_scoped3A_144, %dma_wait3A_207] : memref<2x128xi32, #tpu.memory_space<vmem>> -> memref<1x128xi32, #tpu.memory_space<vmem>>
        %dma_wait3A_209 = tpu.memref_squeeze %dma_wait3A_208 : memref<1x128xi32, #tpu.memory_space<vmem>> -> memref<128xi32, #tpu.memory_space<vmem>>
        %dma_wait3A_210 = arith.constant 0 : i32
        %dma_wait3A_211 = arith.constant 0 : i32
        %dma_wait3A_212 = tpu.memref_slice %arg9[%dma_wait3A_210, %dma_wait3A_211] : memref<10240x128xf32, #tpu.memory_space<vmem_shared>> -> memref<10240x128xf32, #tpu.memory_space<vmem_shared>>
        tpu.wait_indirect_dma semaphore(%run_scoped3A_192 : memref<!tpu.dma_semaphore, #tpu.memory_space<semaphore_mem>>) src(%dma_wait3A_206 : memref<128x128xf32, #tpu.memory_space<vmem>>) dst(%dma_wait3A_212 : memref<10240x128xf32, #tpu.memory_space<vmem_shared>>)
        tpu.yield
      }) : () -> ()
      %add3A_145 = arith.constant 2 : i32
      %add3A_146 = arith.addi %add3A_111, %add3A_145 : i32
      %lt3A = arith.constant 80 : i32
      %lt3A_147 = arith.cmpi slt, %add3A_146, %lt3A : i32
      %convert_element_type3A = arith.extui %lt3A_147 : i1 to i32
      %cond3A = arith.constant 0 : i32
      %cond3A_148 = arith.cmpi ne, %convert_element_type3A, %cond3A : i32
      scf.if %cond3A_148 {
        %add3A_192 = arith.constant 2 : i32
        %add3A_193 = arith.addi %add3A_111, %add3A_192 : i32
        %mul3A_194 = arith.constant 128 : i32
        %mul3A_195 = arith.muli %add3A_193, %mul3A_194 : i32
        %dma_start3A_196 = arith.constant 0 : i32
        %dma_start3A_197 = arith.constant 0 : i32
        %dma_start3A_198 = arith.constant 0 : i32
        %dma_start3A_199 = tpu.memref_slice %arg8[%dma_start3A_196, %dma_start3A_197, %dma_start3A_198] : memref<2x128x128xf32, #tpu.memory_space<vmem>> -> memref<1x128x128xf32, #tpu.memory_space<vmem>>
        %dma_start3A_200 = tpu.memref_squeeze %dma_start3A_199 : memref<1x128x128xf32, #tpu.memory_space<vmem>> -> memref<128x128xf32, #tpu.memory_space<vmem>>
        %dma_start3A_201 = tpu.memref_slice %arg6[%mul3A_195] : memref<10240xi32, #tpu.memory_space<vmem>> -> memref<128xi32, #tpu.memory_space<vmem>>
        %dma_start3A_202 = arith.constant 0 : i32
        %dma_start3A_203 = arith.constant 0 : i32
        %dma_start3A_204 = tpu.memref_slice %arg2[%dma_start3A_202, %dma_start3A_203] : memref<10240x128xf32, #tpu.memory_space<hbm>> -> memref<10240x128xf32, #tpu.memory_space<hbm>>
        tpu.enqueue_indirect_dma source(%dma_start3A_204 : memref<10240x128xf32, #tpu.memory_space<hbm>>) target(%dma_start3A_200 : memref<128x128xf32, #tpu.memory_space<vmem>>) offsets(%dma_start3A_201 : memref<128xi32, #tpu.memory_space<vmem>>) semaphore(%arg10 : memref<!tpu.dma_semaphore, #tpu.memory_space<semaphore_mem>>)
        %dma_start3A_205 = arith.constant 0 : i32
        %dma_start3A_206 = arith.constant 0 : i32
        %dma_start3A_207 = tpu.memref_slice %arg7[%dma_start3A_205, %dma_start3A_206] : memref<2x128xi32, #tpu.memory_space<vmem>> -> memref<1x128xi32, #tpu.memory_space<vmem>>
        %dma_start3A_208 = tpu.memref_squeeze %dma_start3A_207 : memref<1x128xi32, #tpu.memory_space<vmem>> -> memref<128xi32, #tpu.memory_space<vmem>>
        %dma_start3A_209 = arith.constant 0 : i32
        %dma_start3A_210 = arith.constant 0 : i32
        %dma_start3A_211 = tpu.memref_slice %arg4[%add3A, %dma_start3A_209, %dma_start3A_210] : memref<32x80x128xi32, #tpu.memory_space<hbm>> -> memref<1x80x128xi32, #tpu.memory_space<hbm>>
        %dma_start3A_212 = tpu.memref_squeeze %dma_start3A_211 : memref<1x80x128xi32, #tpu.memory_space<hbm>> -> memref<80x128xi32, #tpu.memory_space<hbm>>
        %dma_start3A_213 = arith.constant 0 : i32
        %dma_start3A_214 = tpu.memref_slice %dma_start3A_212[%add3A_193, %dma_start3A_213] : memref<80x128xi32, #tpu.memory_space<hbm>> -> memref<1x128xi32, #tpu.memory_space<hbm>>
        %dma_start3A_215 = tpu.memref_squeeze %dma_start3A_214 : memref<1x128xi32, #tpu.memory_space<hbm>> -> memref<128xi32, #tpu.memory_space<hbm>>
        %dma_start3A_216 = arith.constant 0 : i32
        %dma_start3A_217 = tpu.memref_slice %arg7[%dma_start3A_205, %dma_start3A_216] : memref<2x128xi32, #tpu.memory_space<vmem>> -> memref<1x128xi32, #tpu.memory_space<vmem>>
        %dma_start3A_218 = tpu.memref_squeeze %dma_start3A_217 : memref<1x128xi32, #tpu.memory_space<vmem>> -> memref<128xi32, #tpu.memory_space<vmem>>
        %dma_start3A_219 = arith.constant 0 : i32
        %dma_start3A_220 = arith.constant 0 : i32
        %dma_start3A_221 = tpu.memref_slice %arg4[%add3A, %dma_start3A_219, %dma_start3A_220] : memref<32x80x128xi32, #tpu.memory_space<hbm>> -> memref<1x80x128xi32, #tpu.memory_space<hbm>>
        %dma_start3A_222 = tpu.memref_squeeze %dma_start3A_221 : memref<1x80x128xi32, #tpu.memory_space<hbm>> -> memref<80x128xi32, #tpu.memory_space<hbm>>
        %dma_start3A_223 = arith.constant 0 : i32
        %dma_start3A_224 = tpu.memref_slice %dma_start3A_222[%add3A_193, %dma_start3A_223] : memref<80x128xi32, #tpu.memory_space<hbm>> -> memref<1x128xi32, #tpu.memory_space<hbm>>
        %dma_start3A_225 = tpu.memref_squeeze %dma_start3A_224 : memref<1x128xi32, #tpu.memory_space<hbm>> -> memref<128xi32, #tpu.memory_space<hbm>>
        tpu.enqueue_dma source(%dma_start3A_225 : memref<128xi32, #tpu.memory_space<hbm>>) target(%dma_start3A_218 : memref<128xi32, #tpu.memory_space<vmem>>) target_semaphore(%arg10 : memref<!tpu.dma_semaphore, #tpu.memory_space<semaphore_mem>>)
      } else {
      }
      %add3A_149 = arith.constant 1 : i32
      %add3A_150 = arith.addi %add3A_109, %add3A_149 : i32
      %mul3A_151 = arith.constant 128 : i32
      %mul3A_152 = arith.muli %add3A_150, %mul3A_151 : i32
      %dma_wait3A_153 = arith.constant 1 : i32
      %dma_wait3A_154 = arith.constant 0 : i32
      %dma_wait3A_155 = arith.constant 0 : i32
      %dma_wait3A_156 = tpu.memref_slice %arg8[%dma_wait3A_153, %dma_wait3A_154, %dma_wait3A_155] : memref<2x128x128xf32, #tpu.memory_space<vmem>> -> memref<1x128x128xf32, #tpu.memory_space<vmem>>
      %dma_wait3A_157 = tpu.memref_squeeze %dma_wait3A_156 : memref<1x128x128xf32, #tpu.memory_space<vmem>> -> memref<128x128xf32, #tpu.memory_space<vmem>>
      %dma_wait3A_158 = tpu.memref_slice %arg6[%mul3A_152] : memref<10240xi32, #tpu.memory_space<vmem>> -> memref<128xi32, #tpu.memory_space<vmem>>
      %dma_wait3A_159 = arith.constant 0 : i32
      %dma_wait3A_160 = arith.constant 0 : i32
      %dma_wait3A_161 = tpu.memref_slice %arg2[%dma_wait3A_159, %dma_wait3A_160] : memref<10240x128xf32, #tpu.memory_space<hbm>> -> memref<10240x128xf32, #tpu.memory_space<hbm>>
      tpu.wait_indirect_dma semaphore(%arg11 : memref<!tpu.dma_semaphore, #tpu.memory_space<semaphore_mem>>) src(%dma_wait3A_161 : memref<10240x128xf32, #tpu.memory_space<hbm>>) dst(%dma_wait3A_157 : memref<128x128xf32, #tpu.memory_space<vmem>>)
      %dma_wait3A_162 = arith.constant 1 : i32
      %dma_wait3A_163 = arith.constant 0 : i32
      %dma_wait3A_164 = tpu.memref_slice %arg7[%dma_wait3A_162, %dma_wait3A_163] : memref<2x128xi32, #tpu.memory_space<vmem>> -> memref<1x128xi32, #tpu.memory_space<vmem>>
      %dma_wait3A_165 = tpu.memref_squeeze %dma_wait3A_164 : memref<1x128xi32, #tpu.memory_space<vmem>> -> memref<128xi32, #tpu.memory_space<vmem>>
      %dma_wait3A_166 = arith.constant 0 : i32
      %dma_wait3A_167 = arith.constant 0 : i32
      %dma_wait3A_168 = tpu.memref_slice %arg4[%add3A, %dma_wait3A_166, %dma_wait3A_167] : memref<32x80x128xi32, #tpu.memory_space<hbm>> -> memref<1x80x128xi32, #tpu.memory_space<hbm>>
      %dma_wait3A_169 = tpu.memref_squeeze %dma_wait3A_168 : memref<1x80x128xi32, #tpu.memory_space<hbm>> -> memref<80x128xi32, #tpu.memory_space<hbm>>
      %dma_wait3A_170 = arith.constant 0 : i32
      %dma_wait3A_171 = tpu.memref_slice %dma_wait3A_169[%add3A_150, %dma_wait3A_170] : memref<80x128xi32, #tpu.memory_space<hbm>> -> memref<1x128xi32, #tpu.memory_space<hbm>>
      %dma_wait3A_172 = tpu.memref_squeeze %dma_wait3A_171 : memref<1x128xi32, #tpu.memory_space<hbm>> -> memref<128xi32, #tpu.memory_space<hbm>>
      %dma_wait3A_173 = arith.constant 0 : i32
      %dma_wait3A_174 = tpu.memref_slice %arg7[%dma_wait3A_162, %dma_wait3A_173] : memref<2x128xi32, #tpu.memory_space<vmem>> -> memref<1x128xi32, #tpu.memory_space<vmem>>
      %dma_wait3A_175 = tpu.memref_squeeze %dma_wait3A_174 : memref<1x128xi32, #tpu.memory_space<vmem>> -> memref<128xi32, #tpu.memory_space<vmem>>
      %dma_wait3A_176 = arith.constant 0 : i32
      %dma_wait3A_177 = arith.constant 0 : i32
      %dma_wait3A_178 = tpu.memref_slice %arg4[%add3A, %dma_wait3A_176, %dma_wait3A_177] : memref<32x80x128xi32, #tpu.memory_space<hbm>> -> memref<1x80x128xi32, #tpu.memory_space<hbm>>
      %dma_wait3A_179 = tpu.memref_squeeze %dma_wait3A_178 : memref<1x80x128xi32, #tpu.memory_space<hbm>> -> memref<80x128xi32, #tpu.memory_space<hbm>>
      %dma_wait3A_180 = arith.constant 0 : i32
      %dma_wait3A_181 = tpu.memref_slice %dma_wait3A_179[%add3A_150, %dma_wait3A_180] : memref<80x128xi32, #tpu.memory_space<hbm>> -> memref<1x128xi32, #tpu.memory_space<hbm>>
      %dma_wait3A_182 = tpu.memref_squeeze %dma_wait3A_181 : memref<1x128xi32, #tpu.memory_space<hbm>> -> memref<128xi32, #tpu.memory_space<hbm>>
      tpu.wait_dma2 semaphore(%arg11 : memref<!tpu.dma_semaphore, #tpu.memory_space<semaphore_mem>>) src(%dma_wait3A_182 : memref<128xi32, #tpu.memory_space<hbm>>) dst(%dma_wait3A_175 : memref<128xi32, #tpu.memory_space<vmem>>)
      %run_scoped3A_183 = arith.constant 1 : i32
      %run_scoped3A_184 = arith.constant 1 : i32
      "tpu.region"() ({
        %run_scoped3A_192 = tpu.sem_alloc : memref<!tpu.dma_semaphore, #tpu.memory_space<semaphore_mem>>
        %dma_start3A_193 = arith.constant 0 : i32
        %dma_start3A_194 = arith.constant 0 : i32
        %dma_start3A_195 = tpu.memref_slice %arg8[%run_scoped3A_183, %dma_start3A_193, %dma_start3A_194] : memref<2x128x128xf32, #tpu.memory_space<vmem>> -> memref<1x128x128xf32, #tpu.memory_space<vmem>>
        %dma_start3A_196 = tpu.memref_squeeze %dma_start3A_195 : memref<1x128x128xf32, #tpu.memory_space<vmem>> -> memref<128x128xf32, #tpu.memory_space<vmem>>
        %dma_start3A_197 = arith.constant 0 : i32
        %dma_start3A_198 = tpu.memref_slice %arg7[%run_scoped3A_184, %dma_start3A_197] : memref<2x128xi32, #tpu.memory_space<vmem>> -> memref<1x128xi32, #tpu.memory_space<vmem>>
        %dma_start3A_199 = tpu.memref_squeeze %dma_start3A_198 : memref<1x128xi32, #tpu.memory_space<vmem>> -> memref<128xi32, #tpu.memory_space<vmem>>
        %dma_start3A_200 = arith.constant 0 : i32
        %dma_start3A_201 = arith.constant 0 : i32
        %dma_start3A_202 = tpu.memref_slice %arg9[%dma_start3A_200, %dma_start3A_201] : memref<10240x128xf32, #tpu.memory_space<vmem_shared>> -> memref<10240x128xf32, #tpu.memory_space<vmem_shared>>
        tpu.enqueue_indirect_dma source(%dma_start3A_196 : memref<128x128xf32, #tpu.memory_space<vmem>>) target(%dma_start3A_202 : memref<10240x128xf32, #tpu.memory_space<vmem_shared>>) offsets(%dma_start3A_199 : memref<128xi32, #tpu.memory_space<vmem>>) semaphore(%run_scoped3A_192 : memref<!tpu.dma_semaphore, #tpu.memory_space<semaphore_mem>>) {add = true}
        %dma_wait3A_203 = arith.constant 0 : i32
        %dma_wait3A_204 = arith.constant 0 : i32
        %dma_wait3A_205 = tpu.memref_slice %arg8[%run_scoped3A_183, %dma_wait3A_203, %dma_wait3A_204] : memref<2x128x128xf32, #tpu.memory_space<vmem>> -> memref<1x128x128xf32, #tpu.memory_space<vmem>>
        %dma_wait3A_206 = tpu.memref_squeeze %dma_wait3A_205 : memref<1x128x128xf32, #tpu.memory_space<vmem>> -> memref<128x128xf32, #tpu.memory_space<vmem>>
        %dma_wait3A_207 = arith.constant 0 : i32
        %dma_wait3A_208 = tpu.memref_slice %arg7[%run_scoped3A_184, %dma_wait3A_207] : memref<2x128xi32, #tpu.memory_space<vmem>> -> memref<1x128xi32, #tpu.memory_space<vmem>>
        %dma_wait3A_209 = tpu.memref_squeeze %dma_wait3A_208 : memref<1x128xi32, #tpu.memory_space<vmem>> -> memref<128xi32, #tpu.memory_space<vmem>>
        %dma_wait3A_210 = arith.constant 0 : i32
        %dma_wait3A_211 = arith.constant 0 : i32
        %dma_wait3A_212 = tpu.memref_slice %arg9[%dma_wait3A_210, %dma_wait3A_211] : memref<10240x128xf32, #tpu.memory_space<vmem_shared>> -> memref<10240x128xf32, #tpu.memory_space<vmem_shared>>
        tpu.wait_indirect_dma semaphore(%run_scoped3A_192 : memref<!tpu.dma_semaphore, #tpu.memory_space<semaphore_mem>>) src(%dma_wait3A_206 : memref<128x128xf32, #tpu.memory_space<vmem>>) dst(%dma_wait3A_212 : memref<10240x128xf32, #tpu.memory_space<vmem_shared>>)
        tpu.yield
      }) : () -> ()
      %add3A_185 = arith.constant 2 : i32
      %add3A_186 = arith.addi %add3A_150, %add3A_185 : i32
      %lt3A_187 = arith.constant 80 : i32
      %lt3A_188 = arith.cmpi slt, %add3A_186, %lt3A_187 : i32
      %convert_element_type3A_189 = arith.extui %lt3A_188 : i1 to i32
      %cond3A_190 = arith.constant 0 : i32
      %cond3A_191 = arith.cmpi ne, %convert_element_type3A_189, %cond3A_190 : i32
      scf.if %cond3A_191 {
        %add3A_192 = arith.constant 2 : i32
        %add3A_193 = arith.addi %add3A_150, %add3A_192 : i32
        %mul3A_194 = arith.constant 128 : i32
        %mul3A_195 = arith.muli %add3A_193, %mul3A_194 : i32
        %dma_start3A_196 = arith.constant 1 : i32
        %dma_start3A_197 = arith.constant 0 : i32
        %dma_start3A_198 = arith.constant 0 : i32
        %dma_start3A_199 = tpu.memref_slice %arg8[%dma_start3A_196, %dma_start3A_197, %dma_start3A_198] : memref<2x128x128xf32, #tpu.memory_space<vmem>> -> memref<1x128x128xf32, #tpu.memory_space<vmem>>
        %dma_start3A_200 = tpu.memref_squeeze %dma_start3A_199 : memref<1x128x128xf32, #tpu.memory_space<vmem>> -> memref<128x128xf32, #tpu.memory_space<vmem>>
        %dma_start3A_201 = tpu.memref_slice %arg6[%mul3A_195] : memref<10240xi32, #tpu.memory_space<vmem>> -> memref<128xi32, #tpu.memory_space<vmem>>
        %dma_start3A_202 = arith.constant 0 : i32
        %dma_start3A_203 = arith.constant 0 : i32
        %dma_start3A_204 = tpu.memref_slice %arg2[%dma_start3A_202, %dma_start3A_203] : memref<10240x128xf32, #tpu.memory_space<hbm>> -> memref<10240x128xf32, #tpu.memory_space<hbm>>
        tpu.enqueue_indirect_dma source(%dma_start3A_204 : memref<10240x128xf32, #tpu.memory_space<hbm>>) target(%dma_start3A_200 : memref<128x128xf32, #tpu.memory_space<vmem>>) offsets(%dma_start3A_201 : memref<128xi32, #tpu.memory_space<vmem>>) semaphore(%arg11 : memref<!tpu.dma_semaphore, #tpu.memory_space<semaphore_mem>>)
        %dma_start3A_205 = arith.constant 1 : i32
        %dma_start3A_206 = arith.constant 0 : i32
        %dma_start3A_207 = tpu.memref_slice %arg7[%dma_start3A_205, %dma_start3A_206] : memref<2x128xi32, #tpu.memory_space<vmem>> -> memref<1x128xi32, #tpu.memory_space<vmem>>
        %dma_start3A_208 = tpu.memref_squeeze %dma_start3A_207 : memref<1x128xi32, #tpu.memory_space<vmem>> -> memref<128xi32, #tpu.memory_space<vmem>>
        %dma_start3A_209 = arith.constant 0 : i32
        %dma_start3A_210 = arith.constant 0 : i32
        %dma_start3A_211 = tpu.memref_slice %arg4[%add3A, %dma_start3A_209, %dma_start3A_210] : memref<32x80x128xi32, #tpu.memory_space<hbm>> -> memref<1x80x128xi32, #tpu.memory_space<hbm>>
        %dma_start3A_212 = tpu.memref_squeeze %dma_start3A_211 : memref<1x80x128xi32, #tpu.memory_space<hbm>> -> memref<80x128xi32, #tpu.memory_space<hbm>>
        %dma_start3A_213 = arith.constant 0 : i32
        %dma_start3A_214 = tpu.memref_slice %dma_start3A_212[%add3A_193, %dma_start3A_213] : memref<80x128xi32, #tpu.memory_space<hbm>> -> memref<1x128xi32, #tpu.memory_space<hbm>>
        %dma_start3A_215 = tpu.memref_squeeze %dma_start3A_214 : memref<1x128xi32, #tpu.memory_space<hbm>> -> memref<128xi32, #tpu.memory_space<hbm>>
        %dma_start3A_216 = arith.constant 0 : i32
        %dma_start3A_217 = tpu.memref_slice %arg7[%dma_start3A_205, %dma_start3A_216] : memref<2x128xi32, #tpu.memory_space<vmem>> -> memref<1x128xi32, #tpu.memory_space<vmem>>
        %dma_start3A_218 = tpu.memref_squeeze %dma_start3A_217 : memref<1x128xi32, #tpu.memory_space<vmem>> -> memref<128xi32, #tpu.memory_space<vmem>>
        %dma_start3A_219 = arith.constant 0 : i32
        %dma_start3A_220 = arith.constant 0 : i32
        %dma_start3A_221 = tpu.memref_slice %arg4[%add3A, %dma_start3A_219, %dma_start3A_220] : memref<32x80x128xi32, #tpu.memory_space<hbm>> -> memref<1x80x128xi32, #tpu.memory_space<hbm>>
        %dma_start3A_222 = tpu.memref_squeeze %dma_start3A_221 : memref<1x80x128xi32, #tpu.memory_space<hbm>> -> memref<80x128xi32, #tpu.memory_space<hbm>>
        %dma_start3A_223 = arith.constant 0 : i32
        %dma_start3A_224 = tpu.memref_slice %dma_start3A_222[%add3A_193, %dma_start3A_223] : memref<80x128xi32, #tpu.memory_space<hbm>> -> memref<1x128xi32, #tpu.memory_space<hbm>>
        %dma_start3A_225 = tpu.memref_squeeze %dma_start3A_224 : memref<1x128xi32, #tpu.memory_space<hbm>> -> memref<128xi32, #tpu.memory_space<hbm>>
        tpu.enqueue_dma source(%dma_start3A_225 : memref<128xi32, #tpu.memory_space<hbm>>) target(%dma_start3A_218 : memref<128xi32, #tpu.memory_space<vmem>>) target_semaphore(%arg11 : memref<!tpu.dma_semaphore, #tpu.memory_space<semaphore_mem>>)
      } else {
      }
    }
    %scan3A_99 = arith.constant 40 : i32
    %barrier3A_100 = arith.constant 0 : index
    tpu.barrier barrier_id(%barrier3A_100)
    %mul3A_101 = arith.constant 640 : i32
    %mul3A_102 = arith.muli %arg1, %mul3A_101 : i32
    %mul3A_103 = arith.constant 640 : i32
    %mul3A_104 = arith.muli %arg1, %mul3A_103 : i32
    "tpu.region"() ({
      %run_scoped3A_105 = tpu.sem_alloc : memref<!tpu.dma_semaphore, #tpu.memory_space<semaphore_mem>>
      %dma_start3A_106 = arith.constant 0 : i32
      %dma_start3A_107 = arith.constant 0 : i32
      %dma_start3A_108 = tpu.memref_slice %arg5[%arg0, %dma_start3A_106, %dma_start3A_107] : memref<2x10240x128xf32, #tpu.memory_space<hbm>> -> memref<1x10240x128xf32, #tpu.memory_space<hbm>>
      %dma_start3A_109 = tpu.memref_squeeze %dma_start3A_108 : memref<1x10240x128xf32, #tpu.memory_space<hbm>> -> memref<10240x128xf32, #tpu.memory_space<hbm>>
      %dma_start3A_110 = arith.constant 0 : i32
      %dma_start3A_111 = tpu.memref_slice %dma_start3A_109[%mul3A_104, %dma_start3A_110] : memref<10240x128xf32, #tpu.memory_space<hbm>> -> memref<640x128xf32, #tpu.memory_space<hbm>>
      %dma_start3A_112 = arith.constant 0 : i32
      %dma_start3A_113 = tpu.memref_slice %arg9[%mul3A_102, %dma_start3A_112] : memref<10240x128xf32, #tpu.memory_space<vmem_shared>> -> memref<640x128xf32, #tpu.memory_space<vmem_shared>>
      tpu.enqueue_dma source(%dma_start3A_113 : memref<640x128xf32, #tpu.memory_space<vmem_shared>>) target(%dma_start3A_111 : memref<640x128xf32, #tpu.memory_space<hbm>>) target_semaphore(%run_scoped3A_105 : memref<!tpu.dma_semaphore, #tpu.memory_space<semaphore_mem>>)
      %dma_wait3A = arith.constant 0 : i32
      %dma_wait3A_114 = arith.constant 0 : i32
      %dma_wait3A_115 = tpu.memref_slice %arg5[%arg0, %dma_wait3A, %dma_wait3A_114] : memref<2x10240x128xf32, #tpu.memory_space<hbm>> -> memref<1x10240x128xf32, #tpu.memory_space<hbm>>
      %dma_wait3A_116 = tpu.memref_squeeze %dma_wait3A_115 : memref<1x10240x128xf32, #tpu.memory_space<hbm>> -> memref<10240x128xf32, #tpu.memory_space<hbm>>
      %dma_wait3A_117 = arith.constant 0 : i32
      %dma_wait3A_118 = tpu.memref_slice %dma_wait3A_116[%mul3A_104, %dma_wait3A_117] : memref<10240x128xf32, #tpu.memory_space<hbm>> -> memref<640x128xf32, #tpu.memory_space<hbm>>
      %dma_wait3A_119 = arith.constant 0 : i32
      %dma_wait3A_120 = tpu.memref_slice %arg9[%mul3A_102, %dma_wait3A_119] : memref<10240x128xf32, #tpu.memory_space<vmem_shared>> -> memref<640x128xf32, #tpu.memory_space<vmem_shared>>
      tpu.wait_dma2 semaphore(%run_scoped3A_105 : memref<!tpu.dma_semaphore, #tpu.memory_space<semaphore_mem>>) src(%dma_wait3A_120 : memref<640x128xf32, #tpu.memory_space<vmem_shared>>) dst(%dma_wait3A_118 : memref<640x128xf32, #tpu.memory_space<hbm>>)
      tpu.yield
    }) : () -> ()
    return
  }
}

module attributes {stable_mosaic.version = 14 : i64} {
  func.func @_layer1_body(%arg0: i32, %arg1: memref<1024x128xf32, #tpu.memory_space<vmem>>, %arg2: memref<128x128xf32, #tpu.memory_space<vmem>>, %arg3: memref<1024x1xf32, #tpu.memory_space<vmem>>, %arg4: memref<1024x128xf32, #tpu.memory_space<vmem>>, %arg5: memref<1024x128xf32, #tpu.memory_space<vmem>>) attributes {dimension_semantics = [#tpu.dimension_semantics<arbitrary>], iteration_bounds = array<i64: 10>, scalar_prefetch = 0 : i64, scratch_operands = 0 : i64, tpu.core_type = #tpu.core_type<tc>, window_params = [{transform_indices = @transform_0, window_bounds = array<i64: 1024, 128>}, {pipeline_mode = #tpu.pipeline_mode<synchronous>, transform_indices = @transform_1, window_bounds = array<i64: 128, 128>}, {transform_indices = @transform_2, window_bounds = array<i64: 1024, 1>}, {transform_indices = @transform_3, window_bounds = array<i64: 1024, 128>}, {transform_indices = @transform_4, window_bounds = array<i64: 1024, 128>}]} {
    %get3A = arith.constant 0 : index
    %get3A_0 = arith.constant 0 : index
    %get3A_1 = vector.load %arg1[%get3A, %get3A_0] : memref<1024x128xf32, #tpu.memory_space<vmem>>, vector<1024x128xf32>
    %get3A_2 = arith.constant 0 : index
    %get3A_3 = arith.constant 0 : index
    %get3A_4 = vector.load %arg2[%get3A_2, %get3A_3] : memref<128x128xf32, #tpu.memory_space<vmem>>, vector<128x128xf32>
    %dot_general3A = arith.constant dense<0.000000e+00> : vector<1024x128xf32>
    %dot_general3A_5 = tpu.matmul %get3A_1, %get3A_4, %dot_general3A {dimension_numbers = #tpu.dot_dimension_numbers<[1], [0], [0], [1], [0, 0, 1, 1], [], []>, transpose_lhs_hint = false} : vector<1024x128xf32>, vector<128x128xf32>, vector<1024x128xf32> -> vector<1024x128xf32>
    %swap3A = arith.constant 0 : index
    %swap3A_6 = arith.constant 0 : index
    %swap3A_7 = vector.load %arg4[%swap3A, %swap3A_6] : memref<1024x128xf32, #tpu.memory_space<vmem>>, vector<1024x128xf32>
    tpu.vector_store %arg4[%swap3A, %swap3A_6], %dot_general3A_5 {strides = array<i32>} : memref<1024x128xf32, #tpu.memory_space<vmem>>, vector<1024x128xf32>,
    %get3A_8 = arith.constant 0 : index
    %get3A_9 = arith.constant 0 : index
    %get3A_10 = vector.load %arg3[%get3A_8, %get3A_9] : memref<1024x1xf32, #tpu.memory_space<vmem>>, vector<1024x1xf32>
    %mul3A = vector.broadcast %get3A_10 : vector<1024x1xf32> to vector<1024x128xf32>
    %mul3A_11 = arith.mulf %mul3A, %dot_general3A_5 : vector<1024x128xf32>
    %swap3A_12 = arith.constant 0 : index
    %swap3A_13 = arith.constant 0 : index
    %swap3A_14 = vector.load %arg5[%swap3A_12, %swap3A_13] : memref<1024x128xf32, #tpu.memory_space<vmem>>, vector<1024x128xf32>
    tpu.vector_store %arg5[%swap3A_12, %swap3A_13], %mul3A_11 {strides = array<i32>} : memref<1024x128xf32, #tpu.memory_space<vmem>>, vector<1024x128xf32>,
    return
  }
  func.func @transform_0(%arg0: i32) -> (i32, i32) {
    %c0_i32 = arith.constant 0 : i32
    %c0_i32_0 = arith.constant 0 : i32
    return %arg0, %c0_i32 : i32, i32
  }
  func.func @transform_1(%arg0: i32) -> (i32, i32) {
    %c0_i32 = arith.constant 0 : i32
    %c0_i32_0 = arith.constant 0 : i32
    %c0_i32_1 = arith.constant 0 : i32
    return %c0_i32, %c0_i32_0 : i32, i32
  }
  func.func @transform_2(%arg0: i32) -> (i32, i32) {
    %c0_i32 = arith.constant 0 : i32
    %c0_i32_0 = arith.constant 0 : i32
    return %arg0, %c0_i32 : i32, i32
  }
  func.func @transform_3(%arg0: i32) -> (i32, i32) {
    %c0_i32 = arith.constant 0 : i32
    %c0_i32_0 = arith.constant 0 : i32
    return %arg0, %c0_i32 : i32, i32
  }
  func.func @transform_4(%arg0: i32) -> (i32, i32) {
    %c0_i32 = arith.constant 0 : i32
    %c0_i32_0 = arith.constant 0 : i32
    return %arg0, %c0_i32 : i32, i32
  }
}

module attributes {stable_mosaic.version = 14 : i64} {
  func.func @_layer_body(%arg0: i32, %arg1: memref<1024x128xf32, #tpu.memory_space<vmem>>, %arg2: memref<1024x128xf32, #tpu.memory_space<vmem>>, %arg3: memref<1024x128xf32, #tpu.memory_space<vmem>>, %arg4: memref<1024x1xf32, #tpu.memory_space<vmem>>, %arg5: memref<1024x1xf32, #tpu.memory_space<vmem>>, %arg6: memref<1x128xf32, #tpu.memory_space<vmem>>, %arg7: memref<128x128xf32, #tpu.memory_space<vmem>>, %arg8: memref<1024x128xf32, #tpu.memory_space<vmem>>, %arg9: memref<1024x128xf32, #tpu.memory_space<vmem>>) attributes {dimension_semantics = [#tpu.dimension_semantics<arbitrary>], iteration_bounds = array<i64: 10>, scalar_prefetch = 0 : i64, scratch_operands = 0 : i64, tpu.core_type = #tpu.core_type<tc>, window_params = [{transform_indices = @transform_0, window_bounds = array<i64: 1024, 128>}, {transform_indices = @transform_1, window_bounds = array<i64: 1024, 128>}, {transform_indices = @transform_2, window_bounds = array<i64: 1024, 128>}, {transform_indices = @transform_3, window_bounds = array<i64: 1024, 1>}, {transform_indices = @transform_4, window_bounds = array<i64: 1024, 1>}, {pipeline_mode = #tpu.pipeline_mode<synchronous>, transform_indices = @transform_5, window_bounds = array<i64: 1, 128>}, {pipeline_mode = #tpu.pipeline_mode<synchronous>, transform_indices = @transform_6, window_bounds = array<i64: 128, 128>}, {transform_indices = @transform_7, window_bounds = array<i64: 1024, 128>}, {transform_indices = @transform_8, window_bounds = array<i64: 1024, 128>}]} {
    %get3A = arith.constant 0 : index
    %get3A_0 = arith.constant 0 : index
    %get3A_1 = vector.load %arg5[%get3A, %get3A_0] : memref<1024x1xf32, #tpu.memory_space<vmem>>, vector<1024x1xf32>
    %get3A_2 = arith.constant 0 : index
    %get3A_3 = arith.constant 0 : index
    %get3A_4 = vector.load %arg1[%get3A_2, %get3A_3] : memref<1024x128xf32, #tpu.memory_space<vmem>>, vector<1024x128xf32>
    %mul3A = vector.broadcast %get3A_1 : vector<1024x1xf32> to vector<1024x128xf32>
    %mul3A_5 = arith.mulf %mul3A, %get3A_4 : vector<1024x128xf32>
    %get3A_6 = arith.constant 0 : index
    %get3A_7 = arith.constant 0 : index
    %get3A_8 = vector.load %arg4[%get3A_6, %get3A_7] : memref<1024x1xf32, #tpu.memory_space<vmem>>, vector<1024x1xf32>
    %get3A_9 = arith.constant 0 : index
    %get3A_10 = arith.constant 0 : index
    %get3A_11 = vector.load %arg2[%get3A_9, %get3A_10] : memref<1024x128xf32, #tpu.memory_space<vmem>>, vector<1024x128xf32>
    %get3A_12 = arith.constant 0 : index
    %get3A_13 = arith.constant 0 : index
    %get3A_14 = vector.load %arg3[%get3A_12, %get3A_13] : memref<1024x128xf32, #tpu.memory_space<vmem>>, vector<1024x128xf32>
    %add3A = arith.addf %get3A_11, %get3A_14 : vector<1024x128xf32>
    %mul3A_15 = vector.broadcast %get3A_8 : vector<1024x1xf32> to vector<1024x128xf32>
    %mul3A_16 = arith.mulf %mul3A_15, %add3A : vector<1024x128xf32>
    %add3A_17 = arith.addf %mul3A_5, %mul3A_16 : vector<1024x128xf32>
    %get3A_18 = arith.constant 0 : index
    %get3A_19 = arith.constant 0 : index
    %get3A_20 = vector.load %arg6[%get3A_18, %get3A_19] : memref<1x128xf32, #tpu.memory_space<vmem>>, vector<1x128xf32>
    %add3A_21 = vector.broadcast %get3A_20 : vector<1x128xf32> to vector<1024x128xf32>
    %add3A_22 = arith.addf %add3A_17, %add3A_21 : vector<1024x128xf32>
    %max3A = arith.constant 0.000000e+00 : f32
    %max3A_23 = vector.broadcast %max3A : f32 to vector<1024x128xf32>
    %max3A_24 = arith.maximumf %add3A_22, %max3A_23 : vector<1024x128xf32>
    %get3A_25 = arith.constant 0 : index
    %get3A_26 = arith.constant 0 : index
    %get3A_27 = vector.load %arg7[%get3A_25, %get3A_26] : memref<128x128xf32, #tpu.memory_space<vmem>>, vector<128x128xf32>
    %dot_general3A = arith.constant dense<0.000000e+00> : vector<1024x128xf32>
    %dot_general3A_28 = tpu.matmul %max3A_24, %get3A_27, %dot_general3A {dimension_numbers = #tpu.dot_dimension_numbers<[1], [0], [0], [1], [0, 0, 1, 1], [], []>, transpose_lhs_hint = false} : vector<1024x128xf32>, vector<128x128xf32>, vector<1024x128xf32> -> vector<1024x128xf32>
    %swap3A = arith.constant 0 : index
    %swap3A_29 = arith.constant 0 : index
    %swap3A_30 = vector.load %arg8[%swap3A, %swap3A_29] : memref<1024x128xf32, #tpu.memory_space<vmem>>, vector<1024x128xf32>
    tpu.vector_store %arg8[%swap3A, %swap3A_29], %dot_general3A_28 {strides = array<i32>} : memref<1024x128xf32, #tpu.memory_space<vmem>>, vector<1024x128xf32>,
    %get3A_31 = arith.constant 0 : index
    %get3A_32 = arith.constant 0 : index
    %get3A_33 = vector.load %arg4[%get3A_31, %get3A_32] : memref<1024x1xf32, #tpu.memory_space<vmem>>, vector<1024x1xf32>
    %mul3A_34 = vector.broadcast %get3A_33 : vector<1024x1xf32> to vector<1024x128xf32>
    %mul3A_35 = arith.mulf %mul3A_34, %dot_general3A_28 : vector<1024x128xf32>
    %swap3A_36 = arith.constant 0 : index
    %swap3A_37 = arith.constant 0 : index
    %swap3A_38 = vector.load %arg9[%swap3A_36, %swap3A_37] : memref<1024x128xf32, #tpu.memory_space<vmem>>, vector<1024x128xf32>
    tpu.vector_store %arg9[%swap3A_36, %swap3A_37], %mul3A_35 {strides = array<i32>} : memref<1024x128xf32, #tpu.memory_space<vmem>>, vector<1024x128xf32>,
    return
  }
  func.func @transform_0(%arg0: i32) -> (i32, i32) {
    %c0_i32 = arith.constant 0 : i32
    %c0_i32_0 = arith.constant 0 : i32
    return %arg0, %c0_i32 : i32, i32
  }
  func.func @transform_1(%arg0: i32) -> (i32, i32) {
    %c0_i32 = arith.constant 0 : i32
    %c0_i32_0 = arith.constant 0 : i32
    return %arg0, %c0_i32 : i32, i32
  }
  func.func @transform_2(%arg0: i32) -> (i32, i32) {
    %c0_i32 = arith.constant 0 : i32
    %c0_i32_0 = arith.constant 0 : i32
    return %arg0, %c0_i32 : i32, i32
  }
  func.func @transform_3(%arg0: i32) -> (i32, i32) {
    %c0_i32 = arith.constant 0 : i32
    %c0_i32_0 = arith.constant 0 : i32
    return %arg0, %c0_i32 : i32, i32
  }
  func.func @transform_4(%arg0: i32) -> (i32, i32) {
    %c0_i32 = arith.constant 0 : i32
    %c0_i32_0 = arith.constant 0 : i32
    return %arg0, %c0_i32 : i32, i32
  }
  func.func @transform_5(%arg0: i32) -> (i32, i32) {
    %c0_i32 = arith.constant 0 : i32
    %c0_i32_0 = arith.constant 0 : i32
    %c0_i32_1 = arith.constant 0 : i32
    return %c0_i32, %c0_i32_0 : i32, i32
  }
  func.func @transform_6(%arg0: i32) -> (i32, i32) {
    %c0_i32 = arith.constant 0 : i32
    %c0_i32_0 = arith.constant 0 : i32
    %c0_i32_1 = arith.constant 0 : i32
    return %c0_i32, %c0_i32_0 : i32, i32
  }
  func.func @transform_7(%arg0: i32) -> (i32, i32) {
    %c0_i32 = arith.constant 0 : i32
    %c0_i32_0 = arith.constant 0 : i32
    return %arg0, %c0_i32 : i32, i32
  }
  func.func @transform_8(%arg0: i32) -> (i32, i32) {
    %c0_i32 = arith.constant 0 : i32
    %c0_i32_0 = arith.constant 0 : i32
    return %arg0, %c0_i32 : i32, i32
  }
}

module attributes {stable_mosaic.version = 14 : i64} {
  func.func @_pool_body(%arg0: i32, %arg1: memref<1024x128xf32, #tpu.memory_space<vmem>>, %arg2: memref<1024x128xf32, #tpu.memory_space<vmem>>, %arg3: memref<1024x128xf32, #tpu.memory_space<vmem>>, %arg4: memref<1024x1xf32, #tpu.memory_space<vmem>>, %arg5: memref<1024x1xf32, #tpu.memory_space<vmem>>, %arg6: memref<1x128xf32, #tpu.memory_space<vmem>>, %arg7: memref<1024x1xi32, #tpu.memory_space<vmem>>, %arg8: memref<64x128xf32, #tpu.memory_space<vmem>>, %arg9: memref<64x128xf32, #tpu.memory_space<vmem>>) attributes {dimension_semantics = [#tpu.dimension_semantics<arbitrary>], iteration_bounds = array<i64: 10>, scalar_prefetch = 0 : i64, scratch_operands = 0 : i64, tpu.core_type = #tpu.core_type<tc>, window_params = [{transform_indices = @transform_0, window_bounds = array<i64: 1024, 128>}, {transform_indices = @transform_1, window_bounds = array<i64: 1024, 128>}, {transform_indices = @transform_2, window_bounds = array<i64: 1024, 128>}, {transform_indices = @transform_3, window_bounds = array<i64: 1024, 1>}, {transform_indices = @transform_4, window_bounds = array<i64: 1024, 1>}, {pipeline_mode = #tpu.pipeline_mode<synchronous>, transform_indices = @transform_5, window_bounds = array<i64: 1, 128>}, {transform_indices = @transform_6, window_bounds = array<i64: 1024, 1>}, {pipeline_mode = #tpu.pipeline_mode<synchronous>, transform_indices = @transform_7, window_bounds = array<i64: 64, 128>}, {pipeline_mode = #tpu.pipeline_mode<synchronous>, transform_indices = @transform_8, window_bounds = array<i64: 64, 128>}]} {
    %get3A = arith.constant 0 : index
    %get3A_0 = arith.constant 0 : index
    %get3A_1 = vector.load %arg5[%get3A, %get3A_0] : memref<1024x1xf32, #tpu.memory_space<vmem>>, vector<1024x1xf32>
    %get3A_2 = arith.constant 0 : index
    %get3A_3 = arith.constant 0 : index
    %get3A_4 = vector.load %arg1[%get3A_2, %get3A_3] : memref<1024x128xf32, #tpu.memory_space<vmem>>, vector<1024x128xf32>
    %mul3A = vector.broadcast %get3A_1 : vector<1024x1xf32> to vector<1024x128xf32>
    %mul3A_5 = arith.mulf %mul3A, %get3A_4 : vector<1024x128xf32>
    %get3A_6 = arith.constant 0 : index
    %get3A_7 = arith.constant 0 : index
    %get3A_8 = vector.load %arg4[%get3A_6, %get3A_7] : memref<1024x1xf32, #tpu.memory_space<vmem>>, vector<1024x1xf32>
    %get3A_9 = arith.constant 0 : index
    %get3A_10 = arith.constant 0 : index
    %get3A_11 = vector.load %arg2[%get3A_9, %get3A_10] : memref<1024x128xf32, #tpu.memory_space<vmem>>, vector<1024x128xf32>
    %get3A_12 = arith.constant 0 : index
    %get3A_13 = arith.constant 0 : index
    %get3A_14 = vector.load %arg3[%get3A_12, %get3A_13] : memref<1024x128xf32, #tpu.memory_space<vmem>>, vector<1024x128xf32>
    %add3A = arith.addf %get3A_11, %get3A_14 : vector<1024x128xf32>
    %mul3A_15 = vector.broadcast %get3A_8 : vector<1024x1xf32> to vector<1024x128xf32>
    %mul3A_16 = arith.mulf %mul3A_15, %add3A : vector<1024x128xf32>
    %add3A_17 = arith.addf %mul3A_5, %mul3A_16 : vector<1024x128xf32>
    %get3A_18 = arith.constant 0 : index
    %get3A_19 = arith.constant 0 : index
    %get3A_20 = vector.load %arg6[%get3A_18, %get3A_19] : memref<1x128xf32, #tpu.memory_space<vmem>>, vector<1x128xf32>
    %add3A_21 = vector.broadcast %get3A_20 : vector<1x128xf32> to vector<1024x128xf32>
    %add3A_22 = arith.addf %add3A_17, %add3A_21 : vector<1024x128xf32>
    %max3A = arith.constant 0.000000e+00 : f32
    %max3A_23 = vector.broadcast %max3A : f32 to vector<1024x128xf32>
    %max3A_24 = arith.maximumf %add3A_22, %max3A_23 : vector<1024x128xf32>
    %iota3A = tpu.iota {dimensions = array<i32: 1>} : vector<1x64xi32>
    %get3A_25 = arith.constant 0 : index
    %get3A_26 = arith.constant 0 : index
    %get3A_27 = vector.load %arg7[%get3A_25, %get3A_26] : memref<1024x1xi32, #tpu.memory_space<vmem>>, vector<1024x1xi32>
    %eq3A = vector.broadcast %get3A_27 : vector<1024x1xi32> to vector<1024x64xi32>
    %eq3A_28 = vector.broadcast %iota3A : vector<1x64xi32> to vector<1024x64xi32>
    %eq3A_29 = arith.cmpi eq, %eq3A, %eq3A_28 : vector<1024x64xi32>
    %convert_element_type3A = arith.extui %eq3A_29 : vector<1024x64xi1> to vector<1024x64xi32>
    %convert_element_type3A_30 = arith.sitofp %convert_element_type3A : vector<1024x64xi32> to vector<1024x64xf32>
    %dot_general3A = arith.constant dense<0.000000e+00> : vector<64x128xf32>
    %dot_general3A_31 = tpu.matmul %convert_element_type3A_30, %max3A_24, %dot_general3A {dimension_numbers = #tpu.dot_dimension_numbers<[0], [0], [1], [1], [0, 1, 1, 1], [], []>, precision = #tpu.contract_precision<fp32>, transpose_lhs_hint = false} : vector<1024x64xf32>, vector<1024x128xf32>, vector<64x128xf32> -> vector<64x128xf32>
    %broadcast_in_dim3A = arith.constant 1.000000e+00 : f32
    %broadcast_in_dim3A_32 = vector.broadcast %broadcast_in_dim3A : f32 to vector<1024x128xf32>
    %dot_general3A_33 = arith.constant dense<0.000000e+00> : vector<64x128xf32>
    %dot_general3A_34 = tpu.matmul %convert_element_type3A_30, %broadcast_in_dim3A_32, %dot_general3A_33 {dimension_numbers = #tpu.dot_dimension_numbers<[0], [0], [1], [1], [0, 1, 1, 1], [], []>, precision = #tpu.contract_precision<fp32>, transpose_lhs_hint = false} : vector<1024x64xf32>, vector<1024x128xf32>, vector<64x128xf32> -> vector<64x128xf32>
    %eq3A_35 = arith.constant 0 : i32
    %eq3A_36 = arith.cmpi eq, %arg0, %eq3A_35 : i32
    %convert_element_type3A_37 = arith.extui %eq3A_36 : i1 to i32
    %cond3A = arith.constant 0 : i32
    %cond3A_38 = arith.cmpi ne, %convert_element_type3A_37, %cond3A : i32
    scf.if %cond3A_38 {
      %swap3A = arith.constant 0 : index
      %swap3A_43 = arith.constant 0 : index
      %swap3A_44 = vector.load %arg8[%swap3A, %swap3A_43] : memref<64x128xf32, #tpu.memory_space<vmem>>, vector<64x128xf32>
      tpu.vector_store %arg8[%swap3A, %swap3A_43], %dot_general3A_31 {strides = array<i32>} : memref<64x128xf32, #tpu.memory_space<vmem>>, vector<64x128xf32>,
      %swap3A_45 = arith.constant 0 : index
      %swap3A_46 = arith.constant 0 : index
      %swap3A_47 = vector.load %arg9[%swap3A_45, %swap3A_46] : memref<64x128xf32, #tpu.memory_space<vmem>>, vector<64x128xf32>
      tpu.vector_store %arg9[%swap3A_45, %swap3A_46], %dot_general3A_34 {strides = array<i32>} : memref<64x128xf32, #tpu.memory_space<vmem>>, vector<64x128xf32>,
    } else {
    }
    %gt3A = arith.constant 0 : i32
    %gt3A_39 = arith.cmpi sgt, %arg0, %gt3A : i32
    %convert_element_type3A_40 = arith.extui %gt3A_39 : i1 to i32
    %cond3A_41 = arith.constant 0 : i32
    %cond3A_42 = arith.cmpi ne, %convert_element_type3A_40, %cond3A_41 : i32
    scf.if %cond3A_42 {
      %get3A_43 = arith.constant 0 : index
      %get3A_44 = arith.constant 0 : index
      %get3A_45 = vector.load %arg8[%get3A_43, %get3A_44] : memref<64x128xf32, #tpu.memory_space<vmem>>, vector<64x128xf32>
      %add3A_46 = arith.addf %get3A_45, %dot_general3A_31 : vector<64x128xf32>
      %swap3A = arith.constant 0 : index
      %swap3A_47 = arith.constant 0 : index
      %swap3A_48 = vector.load %arg8[%swap3A, %swap3A_47] : memref<64x128xf32, #tpu.memory_space<vmem>>, vector<64x128xf32>
      tpu.vector_store %arg8[%swap3A, %swap3A_47], %add3A_46 {strides = array<i32>} : memref<64x128xf32, #tpu.memory_space<vmem>>, vector<64x128xf32>,
      %get3A_49 = arith.constant 0 : index
      %get3A_50 = arith.constant 0 : index
      %get3A_51 = vector.load %arg9[%get3A_49, %get3A_50] : memref<64x128xf32, #tpu.memory_space<vmem>>, vector<64x128xf32>
      %add3A_52 = arith.addf %get3A_51, %dot_general3A_34 : vector<64x128xf32>
      %swap3A_53 = arith.constant 0 : index
      %swap3A_54 = arith.constant 0 : index
      %swap3A_55 = vector.load %arg9[%swap3A_53, %swap3A_54] : memref<64x128xf32, #tpu.memory_space<vmem>>, vector<64x128xf32>
      tpu.vector_store %arg9[%swap3A_53, %swap3A_54], %add3A_52 {strides = array<i32>} : memref<64x128xf32, #tpu.memory_space<vmem>>, vector<64x128xf32>,
    } else {
    }
    return
  }
  func.func @transform_0(%arg0: i32) -> (i32, i32) {
    %c0_i32 = arith.constant 0 : i32
    %c0_i32_0 = arith.constant 0 : i32
    return %arg0, %c0_i32 : i32, i32
  }
  func.func @transform_1(%arg0: i32) -> (i32, i32) {
    %c0_i32 = arith.constant 0 : i32
    %c0_i32_0 = arith.constant 0 : i32
    return %arg0, %c0_i32 : i32, i32
  }
  func.func @transform_2(%arg0: i32) -> (i32, i32) {
    %c0_i32 = arith.constant 0 : i32
    %c0_i32_0 = arith.constant 0 : i32
    return %arg0, %c0_i32 : i32, i32
  }
  func.func @transform_3(%arg0: i32) -> (i32, i32) {
    %c0_i32 = arith.constant 0 : i32
    %c0_i32_0 = arith.constant 0 : i32
    return %arg0, %c0_i32 : i32, i32
  }
  func.func @transform_4(%arg0: i32) -> (i32, i32) {
    %c0_i32 = arith.constant 0 : i32
    %c0_i32_0 = arith.constant 0 : i32
    return %arg0, %c0_i32 : i32, i32
  }
  func.func @transform_5(%arg0: i32) -> (i32, i32) {
    %c0_i32 = arith.constant 0 : i32
    %c0_i32_0 = arith.constant 0 : i32
    %c0_i32_1 = arith.constant 0 : i32
    return %c0_i32, %c0_i32_0 : i32, i32
  }
  func.func @transform_6(%arg0: i32) -> (i32, i32) {
    %c0_i32 = arith.constant 0 : i32
    %c0_i32_0 = arith.constant 0 : i32
    return %arg0, %c0_i32 : i32, i32
  }
  func.func @transform_7(%arg0: i32) -> (i32, i32) {
    %c0_i32 = arith.constant 0 : i32
    %c0_i32_0 = arith.constant 0 : i32
    %c0_i32_1 = arith.constant 0 : i32
    return %c0_i32, %c0_i32_0 : i32, i32
  }
  func.func @transform_8(%arg0: i32) -> (i32, i32) {
    %c0_i32 = arith.constant 0 : i32
    %c0_i32_0 = arith.constant 0 : i32
    %c0_i32_1 = arith.constant 0 : i32
    return %c0_i32, %c0_i32_0 : i32, i32
  }
}

module attributes {stable_mosaic.version = 14 : i64} {
  func.func @_head_body(%arg0: i32, %arg1: memref<64x128xf32, #tpu.memory_space<vmem>>, %arg2: memref<64x128xf32, #tpu.memory_space<vmem>>, %arg3: memref<128x64xf32, #tpu.memory_space<vmem>>, %arg4: memref<1x64xf32, #tpu.memory_space<vmem>>, %arg5: memref<64x1xf32, #tpu.memory_space<vmem>>, %arg6: memref<1x1xf32, #tpu.memory_space<vmem>>, %arg7: memref<64x1xf32, #tpu.memory_space<vmem>>) attributes {dimension_semantics = [#tpu.dimension_semantics<arbitrary>], iteration_bounds = array<i64: 1>, scalar_prefetch = 0 : i64, scratch_operands = 0 : i64, tpu.core_type = #tpu.core_type<tc>, window_params = [{pipeline_mode = #tpu.pipeline_mode<synchronous>, transform_indices = @transform_0, window_bounds = array<i64: 64, 128>}, {pipeline_mode = #tpu.pipeline_mode<synchronous>, transform_indices = @transform_1, window_bounds = array<i64: 64, 128>}, {pipeline_mode = #tpu.pipeline_mode<synchronous>, transform_indices = @transform_2, window_bounds = array<i64: 128, 64>}, {pipeline_mode = #tpu.pipeline_mode<synchronous>, transform_indices = @transform_3, window_bounds = array<i64: 1, 64>}, {pipeline_mode = #tpu.pipeline_mode<synchronous>, transform_indices = @transform_4, window_bounds = array<i64: 64, 1>}, {pipeline_mode = #tpu.pipeline_mode<synchronous>, transform_indices = @transform_5, window_bounds = array<i64: 1, 1>}, {pipeline_mode = #tpu.pipeline_mode<synchronous>, transform_indices = @transform_6, window_bounds = array<i64: 64, 1>}]} {
    %get3A = arith.constant 0 : index
    %get3A_0 = arith.constant 0 : index
    %get3A_1 = vector.load %arg1[%get3A, %get3A_0] : memref<64x128xf32, #tpu.memory_space<vmem>>, vector<64x128xf32>
    %get3A_2 = arith.constant 0 : index
    %get3A_3 = arith.constant 0 : index
    %get3A_4 = vector.load %arg2[%get3A_2, %get3A_3] : memref<64x128xf32, #tpu.memory_space<vmem>>, vector<64x128xf32>
    %jit3A = arith.constant 1.000000e+00 : f32
    %max3A = vector.broadcast %jit3A : f32 to vector<64x128xf32>
    %max3A_5 = arith.maximumf %max3A, %get3A_4 : vector<64x128xf32>
    %div3A = arith.divf %get3A_1, %max3A_5 : vector<64x128xf32>
    %get3A_6 = arith.constant 0 : index
    %get3A_7 = arith.constant 0 : index
    %get3A_8 = vector.load %arg3[%get3A_6, %get3A_7] : memref<128x64xf32, #tpu.memory_space<vmem>>, vector<128x64xf32>
    %dot_general3A = arith.constant dense<0.000000e+00> : vector<64x64xf32>
    %dot_general3A_9 = tpu.matmul %div3A, %get3A_8, %dot_general3A {dimension_numbers = #tpu.dot_dimension_numbers<[1], [0], [0], [1], [0, 0, 1, 1], [], []>, transpose_lhs_hint = false} : vector<64x128xf32>, vector<128x64xf32>, vector<64x64xf32> -> vector<64x64xf32>
    %get3A_10 = arith.constant 0 : index
    %get3A_11 = arith.constant 0 : index
    %get3A_12 = vector.load %arg4[%get3A_10, %get3A_11] : memref<1x64xf32, #tpu.memory_space<vmem>>, vector<1x64xf32>
    %add3A = vector.broadcast %get3A_12 : vector<1x64xf32> to vector<64x64xf32>
    %add3A_13 = arith.addf %dot_general3A_9, %add3A : vector<64x64xf32>
    %max3A_14 = arith.constant 0.000000e+00 : f32
    %max3A_15 = vector.broadcast %max3A_14 : f32 to vector<64x64xf32>
    %max3A_16 = arith.maximumf %add3A_13, %max3A_15 : vector<64x64xf32>
    %get3A_17 = arith.constant 0 : index
    %get3A_18 = arith.constant 0 : index
    %get3A_19 = vector.load %arg5[%get3A_17, %get3A_18] : memref<64x1xf32, #tpu.memory_space<vmem>>, vector<64x1xf32>
    %dot_general3A_20 = arith.constant dense<0.000000e+00> : vector<64x1xf32>
    %dot_general3A_21 = tpu.matmul %max3A_16, %get3A_19, %dot_general3A_20 {dimension_numbers = #tpu.dot_dimension_numbers<[1], [0], [0], [1], [0, 0, 1, 1], [], []>, transpose_lhs_hint = false} : vector<64x64xf32>, vector<64x1xf32>, vector<64x1xf32> -> vector<64x1xf32>
    %get3A_22 = arith.constant 0 : index
    %get3A_23 = arith.constant 0 : index
    %get3A_24 = vector.load %arg6[%get3A_22, %get3A_23] : memref<1x1xf32, #tpu.memory_space<vmem>>, vector<1x1xf32>
    %add3A_25 = vector.broadcast %get3A_24 : vector<1x1xf32> to vector<64x1xf32>
    %add3A_26 = arith.addf %dot_general3A_21, %add3A_25 : vector<64x1xf32>
    %swap3A = arith.constant 0 : index
    %swap3A_27 = arith.constant 0 : index
    %swap3A_28 = vector.load %arg7[%swap3A, %swap3A_27] : memref<64x1xf32, #tpu.memory_space<vmem>>, vector<64x1xf32>
    tpu.vector_store %arg7[%swap3A, %swap3A_27], %add3A_26 {strides = array<i32>} : memref<64x1xf32, #tpu.memory_space<vmem>>, vector<64x1xf32>,
    return
  }
  func.func @transform_0(%arg0: i32) -> (i32, i32) {
    %c0_i32 = arith.constant 0 : i32
    %c0_i32_0 = arith.constant 0 : i32
    %c0_i32_1 = arith.constant 0 : i32
    return %c0_i32, %c0_i32_0 : i32, i32
  }
  func.func @transform_1(%arg0: i32) -> (i32, i32) {
    %c0_i32 = arith.constant 0 : i32
    %c0_i32_0 = arith.constant 0 : i32
    %c0_i32_1 = arith.constant 0 : i32
    return %c0_i32, %c0_i32_0 : i32, i32
  }
  func.func @transform_2(%arg0: i32) -> (i32, i32) {
    %c0_i32 = arith.constant 0 : i32
    %c0_i32_0 = arith.constant 0 : i32
    %c0_i32_1 = arith.constant 0 : i32
    return %c0_i32, %c0_i32_0 : i32, i32
  }
  func.func @transform_3(%arg0: i32) -> (i32, i32) {
    %c0_i32 = arith.constant 0 : i32
    %c0_i32_0 = arith.constant 0 : i32
    %c0_i32_1 = arith.constant 0 : i32
    return %c0_i32, %c0_i32_0 : i32, i32
  }
  func.func @transform_4(%arg0: i32) -> (i32, i32) {
    %c0_i32 = arith.constant 0 : i32
    %c0_i32_0 = arith.constant 0 : i32
    %c0_i32_1 = arith.constant 0 : i32
    return %c0_i32, %c0_i32_0 : i32, i32
  }
  func.func @transform_5(%arg0: i32) -> (i32, i32) {
    %c0_i32 = arith.constant 0 : i32
    %c0_i32_0 = arith.constant 0 : i32
    %c0_i32_1 = arith.constant 0 : i32
    return %c0_i32, %c0_i32_0 : i32, i32
  }
  func.func @transform_6(%arg0: i32) -> (i32, i32) {
    %c0_i32 = arith.constant 0 : i32
    %c0_i32_0 = arith.constant 0 : i32
    %c0_i32_1 = arith.constant 0 : i32
    return %c0_i32, %c0_i32_0 : i32, i32
  }
}

</mosaic_0001>

<sc_bundles>
// kernel: kernel.11.cloned.1.call-start
scs
__scs_entry_jumppad:
0x0: {  	(pc) =	sbr.rel $0x88, $3  }
0x1: {  	(tag) =	ssettag $0x0;
	lr =	simm.s32 $0x1  }
0x2: {  	[smem:$0x3F94] =	sst lr;
	_ =	strace $0xD0000000  }
0x3: {  	_ = 	snop  }
0x4: {  	_ = 	snop  }
0x5: {  	_ = 	snop  }
0x6: {  	_ = 	snop  }
0x7: {  	_ = 	snop  }
__scs_overlays_trampoline_lowered:
0x8: {  	[smem:$0x3FA3] =	sst s0  }
0x9: {  	[smem:$0x3FA4] =	sst s1  }
0xa: {  	[smem:$0x3FA5] =	sst s2  }
0xb: {  	[smem:$0x3FA6] =	sst s3  }
0xc: {  	[smem:$0x3FA7] =	sst s4  }
0xd: {  	[smem:$0x3FA8] =	sst s5  }
0xe: {  	[smem:$0x3FA9] =	sst s6  }
0xf: {  	[smem:$0x3FAA] =	sst s7  }
0x10: {  	[smem:$0x3FAB] =	sst s8  }
0x11: {  	[smem:$0x3FAC] =	sst s9;
	s0 =	simm.s32 @!p0 $0x0  }
0x12: {  	s1 =	sld [smem:$0x3F92];
	s0 =	simm.s32 @p0 $0x1  }
0x13: {  	[smem:$0x3FAD] =	sst s0;
	s0 =	simm.s32 @!p1 $0x0  }
0x14: {  	s2 =	sld [smem:$0x3F91];
	s0 =	simm.s32 @p1 $0x1  }
0x15: {  	[smem:$0x3FAE] =	sst s0;
	s0 =	simm.s32 @!p2 $0x0  }
0x16: {  	s3 =	sld [smem:$0x3FDB];
	s0 =	simm.s32 @p2 $0x1  }
0x17: {  	s4 =	simm.s32 $0x1BF5;
	[smem:$0x3FB0] =	sst s0  }
0x18: {  	s0 =	sld [smem:$0x3F93];
	_ =	swait.ge [sflag:s4], $0x0  }
0x19: {  	s7 =	sld [smem:$0x3F94]  }
0x1a: {  	s8 =	sadd.s32 $0xFFFFE003, lr  }
0x1b: {  	s9 =	sadd.s32 $0xFFFFFEF7, lr;
	s5 =	simm.s32 $0xFFFFFFFF;
	p2 =	slt.u32 s8, $0xFFFFF086  }
0x1c: {  	p1 =	slt.u32 s9, $0xF7A;
	s5 =	simm.s32 @!p2 $0x0  }
0x1d: {  	s5 =	simm.s32 @p1 $0x1;
	p0 =	seq.s32 s7, s2  }
0x1e: {  	s7 =	smul.u32 @!p0 $0xF7A, s2;
	p2 =	seq.s32 @!p0 s5, $0x0  }
0x1f: {  	s9 =	smul.u32 $0xF7A, s1;
	s8 =	simm.s32 @!p0 $0x1BF5;
	p2 =	por !p2, p0  }
0x20: {  	[sflag:s8] =	ssyncset.s32 @!p0 $0xFFFFF086;
	s6 =	sadd.s32 @!p0 s3, s7;
	s7 =	simm.s32 @!p0 $0x108  }
0x21: {  	s3 =	sadd.s32 s3, s9;
	s6 =	sadd.s32 @!p0 $0x88, s6;
	s7 =	simm.s32 @p2 $0x1082  }
0x22: {  	[simem:s7], [sflag:s8] =	dma.local @!p0 [hbm:s6], $0xF7A  }
0x23: {  	s9 =	sor.u32 $0xD0000000, s2;
	s6 =	simm.s32 $0x108;
	_ =	swait.ge @!p0 [sflag:s8], $0x0  }
0x24: {  	s3 =	sadd.s32 $0x88, s3;
	s6 =	simm.s32 @!p1 $0x1082;
	[sflag:s4] =	ssyncset.s32 $0xFFFFF086  }
0x25: {  	[simem:s6], [sflag:s4] =	dma.local [hbm:s3], $0xF7A  }
0x26: {  	[smem:$0x3F94] =	sst s1;
	(tag) =	ssettag s2;
	_ =	strace s9  }
0x27: {  	s1 =	sld [smem:$0x3FA4]  }
0x28: {  	s2 =	sld [smem:$0x3FA5]  }
0x29: {  	s4 =	sld [smem:$0x3FA7]  }
0x2a: {  	p0 =	seq.s32 s5, $0x0;
	s5 =	sld [smem:$0x3FA8]  }
0x2b: {  	s6 =	sld [smem:$0x3FA9]  }
0x2c: {  	s7 =	sld [smem:$0x3FAA]  }
0x2d: {  	s3 =	simm.s32 $0x108;
	s8 =	sld [smem:$0x3FAB]  }
0x2e: {  	s3 =	simm.s32 @!p0 $0x1082;
	s9 =	sld [smem:$0x3FAC]  }
0x2f: {  	lr =	sadd.s32 s0, s3;
	s0 =	sld [smem:$0x3FA3]  }
0x30: {  	s3 =	sld [smem:$0x3FA6]  }
0x31: {  	[smem:$0x3FAF] =	sst s10  }
0x32: {  	s10 =	sld [smem:$0x3FAD];
	_ =	sdelay $0x3  }
0x33: {  	p0 =	seq.s32 s10, $0x1;
	s10 =	sld [smem:$0x3FAF];
	_ =	sdelay $0x3  }
0x34: {  	[smem:$0x3FAF] =	sst s10  }
0x35: {  	s10 =	sld [smem:$0x3FAE];
	_ =	sdelay $0x3  }
0x36: {  	p1 =	seq.s32 s10, $0x1;
	s10 =	sld [smem:$0x3FAF];
	_ =	sdelay $0x3  }
0x37: {  	[smem:$0x3FAF] =	sst s10  }
0x38: {  	s10 =	sld [smem:$0x3FB0]  }
0x39: {  	_ = 	snop;
	(pc) =	sbr.ind lr, $3  }
0x3a: {  	_ = 	snop  }
0x3b: {  	_ = 	snop  }
0x3c: {  	p2 =	seq.s32 s10, $0x1;
	s10 =	sld [smem:$0x3FAF]  }
0x3d: {  	_ =	shalt  }
0x3e: {  	_ =	shalt  }
0x3f: {  	_ =	shalt  }
0x40: {  	_ =	shalt  }
0x41: {  	_ =	shalt  }
0x42: {  	_ =	shalt  }
0x43: {  	_ =	shalt  }
0x44: {  	_ =	shalt  }
0x45: {  	_ =	shalt  }
0x46: {  	_ =	shalt  }
0x47: {  	_ =	shalt  }
0x48: {  	_ =	shalt  }
0x49: {  	_ =	shalt  }
0x4a: {  	_ =	shalt  }
0x4b: {  	_ =	shalt  }
0x4c: {  	_ =	shalt  }
0x4d: {  	_ =	shalt  }
0x4e: {  	_ =	shalt  }
0x4f: {  	_ =	shalt  }
0x50: {  	_ =	shalt  }
0x51: {  	_ =	shalt  }
0x52: {  	_ =	shalt  }
0x53: {  	_ =	shalt  }
0x54: {  	_ =	shalt  }
0x55: {  	_ =	shalt  }
0x56: {  	_ =	shalt  }
0x57: {  	_ =	shalt  }
0x58: {  	_ =	shalt  }
0x59: {  	_ =	shalt  }
0x5a: {  	_ =	shalt  }
0x5b: {  	_ =	shalt  }
0x5c: {  	_ =	shalt  }
0x5d: {  	_ =	shalt  }
0x5e: {  	_ =	shalt  }
0x5f: {  	_ =	shalt  }
0x60: {  	_ =	shalt  }
0x61: {  	_ =	shalt  }
0x62: {  	_ =	shalt  }
0x63: {  	_ =	shalt  }
0x64: {  	_ =	shalt  }
0x65: {  	_ =	shalt  }
0x66: {  	_ =	shalt  }
0x67: {  	_ =	shalt  }
0x68: {  	_ =	shalt  }
0x69: {  	_ =	shalt  }
0x6a: {  	_ =	shalt  }
0x6b: {  	_ =	shalt  }
0x6c: {  	_ =	shalt  }
0x6d: {  	_ =	shalt  }
0x6e: {  	_ =	shalt  }
0x6f: {  	_ =	shalt  }
0x70: {  	_ =	shalt  }
0x71: {  	_ =	shalt  }
0x72: {  	_ =	shalt  }
0x73: {  	_ =	shalt  }
0x74: {  	_ =	shalt  }
0x75: {  	_ =	shalt  }
0x76: {  	_ =	shalt  }
0x77: {  	_ =	shalt  }
0x78: {  	_ =	shalt  }
0x79: {  	_ =	shalt  }
0x7a: {  	_ =	shalt  }
0x7b: {  	_ =	shalt  }
0x7c: {  	_ =	shalt  }
0x7d: {  	_ =	shalt  }
0x7e: {  	_ =	shalt  }
0x7f: {  	_ =	shalt  }
0x80: {  	_ =	shalt  }
0x81: {  	_ =	shalt  }
0x82: {  	_ =	shalt  }
0x83: {  	_ =	shalt  }
0x84: {  	_ =	shalt  }
0x85: {  	_ =	shalt  }
0x86: {  	_ =	shalt  }
0x87: {  	_ =	shalt  }
.Lfunc_end0:
.L_simem_size_0:
called_computation_lowered:
.L_overlay_start_0:
0x88: {  	s2 =	sld [smem:$0x3FD9]  }
0x89: {  	s3 =	sld [smem:$0x3FFE];
	_ =	sdelay $0x1  }
0x8a: {  	s1 =	srdreg.scid  }
0x8b: {  	s0 =	sand.u32 $0x1, s1  }
0x8c: {  	s16 =	sshll.u32 s0, $0xA;
	s2 =	sadd.s32 s3, s2  }
0x8d: {  	s2 =	sadd.s32 s2, s16  }
0x8e: {  	[smem:$0x3FBB] =	sst s2  }
0x8f: {  	_ = 	snop  }
0x90: {  	(tm) =	ssettm $0x1  }
0x91: {  	s17 =	sld [smem:$0x3FFB];
	_ =	sdelay $0x3  }
0x92: {  	_ =	strace s17  }
0x93: {  	s2 =	sld [smem:$0x3FFC];
	_ =	sdelay $0x3  }
0x94: {  	_ =	strace s2  }
0x95: {  	s2 =	sld [smem:$0x3FFD];
	_ =	sdelay $0x3  }
0x96: {  	_ =	strace s2  }
0x97: {  	_ =	strace $0x8FFFFFFF  }
0x98: {  	s18 =	sld [smem:$0x3FDB];
	_ =	sdelay $0x1  }
0x99: {  	s19 =	simm.s32 $_scs_section_size  }
0x9a: {  	s4 =	simm.s32 $_size__tile_overlayer_lowered;
	s5 =	simm.s32 $_tile_overlayer_lowered  }
0x9b: {  	s22 =	simm.s32 $0x1BFF;
	s21 =	sshll.u32 s5, $0x1;
	s2 =	sadd.s32 s19, s18  }
0x9c: {  	s6 =	simm.s32 $0x0;
	s20 =	sshll.u32 s4, $0x1;
	s4 =	sadd.s32 s21, s2  }
0x9d: {  	[timem:s6], [sflag:s22] =	dma.local [hbm:s4], s20  }
0x9e: {  	_ =	swait.ge [sflag:s22], s20  }
0x9f: {  	s3 =	ssub.s32 $0x0, s20;
	[sflag:s22] =	ssyncset.done $0x0  }
0xa0: {  	[sflag:s22] =	ssyncadd.s32 s3;
	_ =	sdelay $0x1  }
0xa1: {  	s23 =	simm.s32 $0x1B8B  }
0xa2: {  	_ =	swait.ge [sflag:s23], $0x1  }
0xa3: {  	[sflag:s23] =	ssyncset.done $0x0  }
0xa4: {  	s25 =	simm.s32 $0x1B8E;
	s24 =	sld [smem:$0x3FFE];
	[sflag:s23] =	ssyncadd.s32 $0xFFFFFFFF  }
0xa5: {  	s26 =	simm.s32 $execute0_lowered;
	[smem:$0x3FD2] =	sst s25  }
0xa6: {  	s4 =	sshll.u32 s26, $0x1;
	_ =	strace $0x80000046;
	[dreg:$0x1] =	wrdreg $0xFFFFFFFF  }
0xa7: {  	s28 =	simm.s32 $_size_execute0_lowered;
	s2 =	sadd.s32 s2, s4;
	[dreg:$0x0] =	wrdreg $0x0  }
0xa8: {  	s4 =	sshll.u32 s28, $0x1;
	[dreg:$0x2] =	wrdreg s2  }
0xa9: {  	[dreg:$0x3] =	wrdreg s4  }
0xaa: {  	[dreg:$0x4] =	wrdreg $0xC0  }
0xab: {  	_ =	task [dreg:s6], $0x5FFFF  }
0xac: {  	[dreg:$0x1] =	wrdreg $0xFFFFFFFF  }
0xad: {  	[dreg:$0x0] =	wrdreg $0x60  }
0xae: {  	[dreg:$0x2] =	wrdreg s24  }
0xaf: {  	[dreg:$0x3] =	wrdreg $0x9  }
0xb0: {  	_ =	task.clear_ibuf [dreg:s6], $0x4FFFF;
	_ =	strace $0x90000046  }
0xb1: {  	s29 =	simm.s32 $0x9;
	_ =	strace $0x80000048  }
0xb2: {  	_ =	swait.ge [sflag:s29], $0x1  }
0xb3: {  	[sflag:s29] =	ssyncadd.s32 $0xFFFFFFFF  }
0xb4: {  	_ =	strace $0x90000048  }
0xb5: {  	_ =	sfence  }
0xb6: {  	s30 =	sld [smem:$0x0];
	_ =	sdelay $0x2  }
0xb7: {  	s31 =	sshll.u32 s1, $0xD;
	s1 =	sshrl.u32 s1, $0x2  }
0xb8: {  	s3 =	sand.u32 $0x4000, s31;
	s1 =	sadd.s32 s1, s30  }
0xb9: {  	s0 =	sor.u32 s3, s0;
	s1 =	sshll.u32 s1, $0x11  }
0xba: {  	s0 =	sor.u32 s1, s0  }
0xbb: {  	s0 =	sadd.s32 $0x8F2B, s0  }
0xbc: {  	[sflag:s0] =	ssyncadd.remote.s32 $0x1  }
0xbd: {  	_ =	sfence.sel $0xFFFF  }
0xbe: {  	[dreg:$0x0] =	wrdreg $0xFFFFFFFF;
	(pc) =	sbr.abs _section_cstart, $3  }
0xbf: {  	[dreg:$0x1] =	wrdreg $0xFFFFFFFF  }
0xc0: {  	_ =	task.clear_ibuf [dreg:s6], $0x2FFFF;
	_ =	strace $0x9FFFFFFF  }
0xc1: {  	(tm) =	ssettm $0x7FFFFFFF  }
tec
execute0_lowered:
.L_overlay_start_1:
0x0: {  	(tag) =	ssettag $0x1  }
0x1: {  	s1 =	srdreg.scid  }
0x2: {  	s0 =	stileid.u32;
	s5 =	rddreg [dreg:$0x0];
	s7 =	simm.s32 $0x400  }
0x3: {  	s8 =	simm.s32 $0x1;
	s9 =	simm.s32 $0x2800;
	s10 =	simm.s32 $0x0  }
0x4: {  	s3 =	sand.u32 $0x1, s1;
	s29 =	sshrl.u32 s0, $0x2;
	s2 =	sshll.u32 s0, $0x8  }
0x5: {  	s4 =	smul.u32 $0x14000, s29;
	s30 =	sshll.u32 s3, $0x7;
	s2 =	sand.u32 $0x300, s2  }
0x6: {  	s1 =	rddreg [dreg:$0x1];
	s3 =	ssub.s32 $0x2, s3;
	s6 =	sor.u32 s30, s2  }
0x7: {  	s2 =	simm.s32 $0x0;
	s31 =	sshrl.u32 s3, $0x1;
	s4 =	sor.u32 s4, s6  }
0x8: {  	[smem:$0x7FF] =	sst s2;
	s6 =	simm.s32 $0x80;
	s4 =	sshrl.u32 s4, $0x3  }
0x9: {  	_ =	strace $0x80000047;
	s4 =	sadd.s32 s4, s5;
	s5 =	ssub.s32 s3, s31  }
0xa: {  	v0 =	vimm.f32 $0.0e+00;
	v1 =	vimm.f32 $1.000000000e+00;
	s3 =	sadd.s32 $0xE000, s4;
	s4 =	sadd.s32 $0x18000, s4;
	s5 =	smax.u32 s5, $0x1  }
.LBB2_1:
0xb: {  	[tilespmem:s2], [sflag:$0x1] =	stream.strided.gather [hbm4b:s3+s6], $0x2800, s7, s6, $0x38;
	[tilespmem:$0x5000] =	vst v63  }
0xc: {  	_ =	swait.ge [sflag:s8], $0x2800  }
0xd: {  	[sflag:s8] =	ssyncset.done $0x0  }
0xe: {  	s11 =	simm.s32 $0x0;
	[sflag:s8] =	ssyncadd.s32 $0xFFFFD800  }
.LBB2_2:
0xf: {  	p0 =	sne.s32 s11, $0x9FC0  }
.Ltmp0:
0x10: {  	_ = 	snop;
	(pc) =	sbr.rel @p0 .LBB2_2-.Ltmp0, $3  }
0x11: {  	_ =	sdelay $0x1  }
0x12: {  	s12 =	sshra.s32 s11, $0x2  }
0x13: {  	s11 =	sadd.s32 $0x40, s11;
	[tilespmem:s12+$0x2800] =	vst v0  }
0x14: {  	s12 =	simm.s32 $0x0;
	s11 =	simm.s32 $0x40  }
.LBB2_4:
0x15: {  	p0 =	sne.s32 s11, $0x9FC0;
	v2 =	vld [tilespmem:s12+$0x0];
	_ =	sdelay $0x3  }
.Ltmp1:
0x16: {  	(pc) =	sbr.rel @p0 .LBB2_4-.Ltmp1, $2  }
0x17: {  	_ =	sdelay $0x2  }
0x18: {  	s12 =	sshra.s32 s11, $0x2;
	s11 =	sadd.s32 $0x40, s11;
	[tilespmem:v2+s9+$0x0] =	vst.idx.add.f32.msk $0xffff, v1  }
0x19: {  	v2 =	vld [tilespmem:s12+$0x0];
	_ =	sdelay $0x5  }
0x1a: {  	s10 =	sadd.s32 $0x1, s10  }
0x1b: {  	p0 =	sne.s32 s10, s5  }
.Ltmp2:
0x1c: {  	[tilespmem:v2+s9+$0x0] =	vst.idx.add.f32.msk $0xffff, v1;
	(pc) =	sbr.rel @p0 .LBB2_1-.Ltmp2, $4  }
0x1d: {  	[hbm4b:s4+s6] =	stream.strided.scatter [tilespmem:s9], [sflag:$0x1], $0x2800, s7, s6, $0x38;
	[tilespmem:$0x5000] =	vst v63  }
0x1e: {  	_ =	swait.ge [sflag:s8], $0x2800  }
0x1f: {  	[sflag:s8] =	ssyncset.done $0x0  }
0x20: {  	[sflag:s8] =	ssyncadd.s32 $0xFFFFD800  }
0x21: {  	_ =	sfence.sel $0x180000  }
0x22: {  	[bflag:$0x0] =	sbarrier.arrive $0xFFFF  }
0x23: {  	p0 =	sne.s32 s0, $0x0;
	_ =	strace $0x90000047  }
0x24: {  	s0 =	sadd.s32 @!p0 $0x100000, s1;
	[bflag:$0x2] =	sbarrier.arrive $0xFFFF  }
0x25: {  	[sflag:s0] =	ssyncadd.tile.s32 @!p0 $0x1;
	_ =	shalt  }
.Lfunc_end2:
_tile_overlayer_lowered:
.L_overlay_start_2:
0x26: {  	(tag) =	ssettag $0x2  }
0x27: {  	s0 =	rddreg [dreg:$0x0];
	s2 =	stileid.u32  }
0x28: {  	s1 =	rddreg [dreg:$0x1];
	p0 =	sne.s32 s2, $0x0  }
0x29: {  	s3 =	rddreg [dreg:$0x2];
	[bflag:$0x3] =	sbarrier.arrive $0xFFFF;
	s2 =	simm.s32 @!p0 $0x1C01  }
0x2a: {  	[timem:s3], [sflag:s2] =	dma.local @!p0 [hbm:s0], s1  }
0x2b: {  	s0 =	simm.s32 @!p0 $0x1  }
0x2c: {  	_ =	swait.ge @!p0 [sflag:s0], s1  }
0x2d: {  	s1 =	ssub.s32 @!p0 $0x0, s1;
	[sflag:s0] =	ssyncset.done @!p0 $0x0  }
0x2e: {  	[sflag:s0] =	ssyncadd.s32 @!p0 s1  }
0x2f: {  	[bflag:$0x3] =	sbarrier.arrive $0xFFFF  }
0x30: {  	_ =	shalt  }

// kernel: kernel.14.cloned.1.call-start
scs
__scs_entry_jumppad:
0x0: {  	(pc) =	sbr.rel $0x88, $3  }
0x1: {  	(tag) =	ssettag $0x0;
	lr =	simm.s32 $0x1  }
0x2: {  	[smem:$0x3F94] =	sst lr;
	_ =	strace $0xD0000000  }
0x3: {  	_ = 	snop  }
0x4: {  	_ = 	snop  }
0x5: {  	_ = 	snop  }
0x6: {  	_ = 	snop  }
0x7: {  	_ = 	snop  }
__scs_overlays_trampoline_lowered:
0x8: {  	[smem:$0x3FA3] =	sst s0  }
0x9: {  	[smem:$0x3FA4] =	sst s1  }
0xa: {  	[smem:$0x3FA5] =	sst s2  }
0xb: {  	[smem:$0x3FA6] =	sst s3  }
0xc: {  	[smem:$0x3FA7] =	sst s4  }
0xd: {  	[smem:$0x3FA8] =	sst s5  }
0xe: {  	[smem:$0x3FA9] =	sst s6  }
0xf: {  	[smem:$0x3FAA] =	sst s7  }
0x10: {  	[smem:$0x3FAB] =	sst s8  }
0x11: {  	[smem:$0x3FAC] =	sst s9;
	s0 =	simm.s32 @!p0 $0x0  }
0x12: {  	s1 =	sld [smem:$0x3F92];
	s0 =	simm.s32 @p0 $0x1  }
0x13: {  	[smem:$0x3FAD] =	sst s0;
	s0 =	simm.s32 @!p1 $0x0  }
0x14: {  	s2 =	sld [smem:$0x3F91];
	s0 =	simm.s32 @p1 $0x1  }
0x15: {  	[smem:$0x3FAE] =	sst s0;
	s0 =	simm.s32 @!p2 $0x0  }
0x16: {  	s3 =	sld [smem:$0x3FDB];
	s0 =	simm.s32 @p2 $0x1  }
0x17: {  	s4 =	simm.s32 $0x1BF5;
	[smem:$0x3FB0] =	sst s0  }
0x18: {  	s0 =	sld [smem:$0x3F93];
	_ =	swait.ge [sflag:s4], $0x0  }
0x19: {  	s7 =	sld [smem:$0x3F94]  }
0x1a: {  	s8 =	sadd.s32 $0xFFFFE003, lr  }
0x1b: {  	s9 =	sadd.s32 $0xFFFFFEF7, lr;
	s5 =	simm.s32 $0xFFFFFFFF;
	p2 =	slt.u32 s8, $0xFFFFF086  }
0x1c: {  	p1 =	slt.u32 s9, $0xF7A;
	s5 =	simm.s32 @!p2 $0x0  }
0x1d: {  	s5 =	simm.s32 @p1 $0x1;
	p0 =	seq.s32 s7, s2  }
0x1e: {  	s7 =	smul.u32 @!p0 $0xF7A, s2;
	p2 =	seq.s32 @!p0 s5, $0x0  }
0x1f: {  	s9 =	smul.u32 $0xF7A, s1;
	s8 =	simm.s32 @!p0 $0x1BF5;
	p2 =	por !p2, p0  }
0x20: {  	[sflag:s8] =	ssyncset.s32 @!p0 $0xFFFFF086;
	s6 =	sadd.s32 @!p0 s3, s7;
	s7 =	simm.s32 @!p0 $0x108  }
0x21: {  	s3 =	sadd.s32 s3, s9;
	s6 =	sadd.s32 @!p0 $0x88, s6;
	s7 =	simm.s32 @p2 $0x1082  }
0x22: {  	[simem:s7], [sflag:s8] =	dma.local @!p0 [hbm:s6], $0xF7A  }
0x23: {  	s9 =	sor.u32 $0xD0000000, s2;
	s6 =	simm.s32 $0x108;
	_ =	swait.ge @!p0 [sflag:s8], $0x0  }
0x24: {  	s3 =	sadd.s32 $0x88, s3;
	s6 =	simm.s32 @!p1 $0x1082;
	[sflag:s4] =	ssyncset.s32 $0xFFFFF086  }
0x25: {  	[simem:s6], [sflag:s4] =	dma.local [hbm:s3], $0xF7A  }
0x26: {  	[smem:$0x3F94] =	sst s1;
	(tag) =	ssettag s2;
	_ =	strace s9  }
0x27: {  	s1 =	sld [smem:$0x3FA4]  }
0x28: {  	s2 =	sld [smem:$0x3FA5]  }
0x29: {  	s4 =	sld [smem:$0x3FA7]  }
0x2a: {  	p0 =	seq.s32 s5, $0x0;
	s5 =	sld [smem:$0x3FA8]  }
0x2b: {  	s6 =	sld [smem:$0x3FA9]  }
0x2c: {  	s7 =	sld [smem:$0x3FAA]  }
0x2d: {  	s3 =	simm.s32 $0x108;
	s8 =	sld [smem:$0x3FAB]  }
0x2e: {  	s3 =	simm.s32 @!p0 $0x1082;
	s9 =	sld [smem:$0x3FAC]  }
0x2f: {  	lr =	sadd.s32 s0, s3;
	s0 =	sld [smem:$0x3FA3]  }
0x30: {  	s3 =	sld [smem:$0x3FA6]  }
0x31: {  	[smem:$0x3FAF] =	sst s10  }
0x32: {  	s10 =	sld [smem:$0x3FAD];
	_ =	sdelay $0x3  }
0x33: {  	p0 =	seq.s32 s10, $0x1;
	s10 =	sld [smem:$0x3FAF];
	_ =	sdelay $0x3  }
0x34: {  	[smem:$0x3FAF] =	sst s10  }
0x35: {  	s10 =	sld [smem:$0x3FAE];
	_ =	sdelay $0x3  }
0x36: {  	p1 =	seq.s32 s10, $0x1;
	s10 =	sld [smem:$0x3FAF];
	_ =	sdelay $0x3  }
0x37: {  	[smem:$0x3FAF] =	sst s10  }
0x38: {  	s10 =	sld [smem:$0x3FB0]  }
0x39: {  	_ = 	snop;
	(pc) =	sbr.ind lr, $3  }
0x3a: {  	_ = 	snop  }
0x3b: {  	_ = 	snop  }
0x3c: {  	p2 =	seq.s32 s10, $0x1;
	s10 =	sld [smem:$0x3FAF]  }
0x3d: {  	_ =	shalt  }
0x3e: {  	_ =	shalt  }
0x3f: {  	_ =	shalt  }
0x40: {  	_ =	shalt  }
0x41: {  	_ =	shalt  }
0x42: {  	_ =	shalt  }
0x43: {  	_ =	shalt  }
0x44: {  	_ =	shalt  }
0x45: {  	_ =	shalt  }
0x46: {  	_ =	shalt  }
0x47: {  	_ =	shalt  }
0x48: {  	_ =	shalt  }
0x49: {  	_ =	shalt  }
0x4a: {  	_ =	shalt  }
0x4b: {  	_ =	shalt  }
0x4c: {  	_ =	shalt  }
0x4d: {  	_ =	shalt  }
0x4e: {  	_ =	shalt  }
0x4f: {  	_ =	shalt  }
0x50: {  	_ =	shalt  }
0x51: {  	_ =	shalt  }
0x52: {  	_ =	shalt  }
0x53: {  	_ =	shalt  }
0x54: {  	_ =	shalt  }
0x55: {  	_ =	shalt  }
0x56: {  	_ =	shalt  }
0x57: {  	_ =	shalt  }
0x58: {  	_ =	shalt  }
0x59: {  	_ =	shalt  }
0x5a: {  	_ =	shalt  }
0x5b: {  	_ =	shalt  }
0x5c: {  	_ =	shalt  }
0x5d: {  	_ =	shalt  }
0x5e: {  	_ =	shalt  }
0x5f: {  	_ =	shalt  }
0x60: {  	_ =	shalt  }
0x61: {  	_ =	shalt  }
0x62: {  	_ =	shalt  }
0x63: {  	_ =	shalt  }
0x64: {  	_ =	shalt  }
0x65: {  	_ =	shalt  }
0x66: {  	_ =	shalt  }
0x67: {  	_ =	shalt  }
0x68: {  	_ =	shalt  }
0x69: {  	_ =	shalt  }
0x6a: {  	_ =	shalt  }
0x6b: {  	_ =	shalt  }
0x6c: {  	_ =	shalt  }
0x6d: {  	_ =	shalt  }
0x6e: {  	_ =	shalt  }
0x6f: {  	_ =	shalt  }
0x70: {  	_ =	shalt  }
0x71: {  	_ =	shalt  }
0x72: {  	_ =	shalt  }
0x73: {  	_ =	shalt  }
0x74: {  	_ =	shalt  }
0x75: {  	_ =	shalt  }
0x76: {  	_ =	shalt  }
0x77: {  	_ =	shalt  }
0x78: {  	_ =	shalt  }
0x79: {  	_ =	shalt  }
0x7a: {  	_ =	shalt  }
0x7b: {  	_ =	shalt  }
0x7c: {  	_ =	shalt  }
0x7d: {  	_ =	shalt  }
0x7e: {  	_ =	shalt  }
0x7f: {  	_ =	shalt  }
0x80: {  	_ =	shalt  }
0x81: {  	_ =	shalt  }
0x82: {  	_ =	shalt  }
0x83: {  	_ =	shalt  }
0x84: {  	_ =	shalt  }
0x85: {  	_ =	shalt  }
0x86: {  	_ =	shalt  }
0x87: {  	_ =	shalt  }
.Lfunc_end0:
.L_simem_size_0:
called_computation.1_lowered:
.L_overlay_start_0:
0x88: {  	s2 =	sld [smem:$0x3FD9]  }
0x89: {  	s3 =	sld [smem:$0x3FFE];
	_ =	sdelay $0x1  }
0x8a: {  	s1 =	srdreg.scid  }
0x8b: {  	s0 =	sand.u32 $0x1, s1  }
0x8c: {  	s16 =	sshll.u32 s0, $0xA;
	s2 =	sadd.s32 s3, s2  }
0x8d: {  	s2 =	sadd.s32 s2, s16  }
0x8e: {  	[smem:$0x3FBB] =	sst s2  }
0x8f: {  	_ = 	snop  }
0x90: {  	(tm) =	ssettm $0x1  }
0x91: {  	s17 =	sld [smem:$0x3FFB];
	_ =	sdelay $0x3  }
0x92: {  	_ =	strace s17  }
0x93: {  	s2 =	sld [smem:$0x3FFC];
	_ =	sdelay $0x3  }
0x94: {  	_ =	strace s2  }
0x95: {  	s2 =	sld [smem:$0x3FFD];
	_ =	sdelay $0x3  }
0x96: {  	_ =	strace s2  }
0x97: {  	_ =	strace $0x8FFFFFFF  }
0x98: {  	s18 =	sld [smem:$0x3FDB];
	_ =	sdelay $0x1  }
0x99: {  	s19 =	simm.s32 $_scs_section_size  }
0x9a: {  	s4 =	simm.s32 $_size__tile_overlayer_lowered;
	s5 =	simm.s32 $_tile_overlayer_lowered  }
0x9b: {  	s22 =	simm.s32 $0x1BFF;
	s21 =	sshll.u32 s5, $0x1;
	s2 =	sadd.s32 s19, s18  }
0x9c: {  	s6 =	simm.s32 $0x0;
	s20 =	sshll.u32 s4, $0x1;
	s4 =	sadd.s32 s21, s2  }
0x9d: {  	[timem:s6], [sflag:s22] =	dma.local [hbm:s4], s20  }
0x9e: {  	_ =	swait.ge [sflag:s22], s20  }
0x9f: {  	s3 =	ssub.s32 $0x0, s20;
	[sflag:s22] =	ssyncset.done $0x0  }
0xa0: {  	[sflag:s22] =	ssyncadd.s32 s3;
	_ =	sdelay $0x1  }
0xa1: {  	s23 =	simm.s32 $0x1B8B  }
0xa2: {  	_ =	swait.ge [sflag:s23], $0x1  }
0xa3: {  	[sflag:s23] =	ssyncset.done $0x0  }
0xa4: {  	s25 =	simm.s32 $0x1B8E;
	s24 =	sld [smem:$0x3FFE];
	[sflag:s23] =	ssyncadd.s32 $0xFFFFFFFF  }
0xa5: {  	s26 =	simm.s32 $execute0_lowered;
	[smem:$0x3FD2] =	sst s25  }
0xa6: {  	s4 =	sshll.u32 s26, $0x1;
	_ =	strace $0x80000049;
	[dreg:$0x1] =	wrdreg $0xFFFFFFFF  }
0xa7: {  	s28 =	simm.s32 $_size_execute0_lowered;
	s2 =	sadd.s32 s2, s4;
	[dreg:$0x0] =	wrdreg $0x0  }
0xa8: {  	s4 =	sshll.u32 s28, $0x1;
	[dreg:$0x2] =	wrdreg s2  }
0xa9: {  	[dreg:$0x3] =	wrdreg s4  }
0xaa: {  	[dreg:$0x4] =	wrdreg $0xC0  }
0xab: {  	_ =	task [dreg:s6], $0x5FFFF  }
0xac: {  	[dreg:$0x1] =	wrdreg $0xFFFFFFFF  }
0xad: {  	[dreg:$0x0] =	wrdreg $0x60  }
0xae: {  	[dreg:$0x2] =	wrdreg s24  }
0xaf: {  	[dreg:$0x3] =	wrdreg $0xA9000  }
0xb0: {  	[dreg:$0x4] =	wrdreg $0x9  }
0xb1: {  	_ =	task.clear_ibuf [dreg:s6], $0x5FFFF;
	_ =	strace $0x90000049  }
0xb2: {  	s29 =	simm.s32 $0x9;
	_ =	strace $0x8000004B  }
0xb3: {  	_ =	swait.ge [sflag:s29], $0x1  }
0xb4: {  	[sflag:s29] =	ssyncadd.s32 $0xFFFFFFFF  }
0xb5: {  	_ =	strace $0x9000004B  }
0xb6: {  	_ =	sfence  }
0xb7: {  	s30 =	sld [smem:$0x0];
	_ =	sdelay $0x2  }
0xb8: {  	s31 =	sshll.u32 s1, $0xD;
	s1 =	sshrl.u32 s1, $0x2  }
0xb9: {  	s3 =	sand.u32 $0x4000, s31;
	s1 =	sadd.s32 s1, s30  }
0xba: {  	s0 =	sor.u32 s3, s0;
	s1 =	sshll.u32 s1, $0x11  }
0xbb: {  	s0 =	sor.u32 s1, s0  }
0xbc: {  	s0 =	sadd.s32 $0x8F2B, s0  }
0xbd: {  	[sflag:s0] =	ssyncadd.remote.s32 $0x1  }
0xbe: {  	_ =	sfence.sel $0xFFFF  }
0xbf: {  	[dreg:$0x0] =	wrdreg $0xFFFFFFFF;
	(pc) =	sbr.abs _section_cstart, $3  }
0xc0: {  	[dreg:$0x1] =	wrdreg $0xFFFFFFFF  }
0xc1: {  	_ =	task.clear_ibuf [dreg:s6], $0x2FFFF;
	_ =	strace $0x9FFFFFFF  }
0xc2: {  	(tm) =	ssettm $0x7FFFFFFF  }
0xc3: {  	_ =	shalt  }
tec
execute0_lowered:
.L_overlay_start_1:
0x0: {  	(tag) =	ssettag $0x1  }
0x1: {  	s1 =	srdreg.scid;
	s6 =	rddreg [dreg:$0x0]  }
0x2: {  	s0 =	stileid.u32;
	s2 =	rddreg [dreg:$0x1]  }
0x3: {  	s3 =	simm.s32 $0x0;
	s14 =	simm.s32 $0x400;
	s15 =	simm.s32 $0x3  }
0x4: {  	s16 =	simm.s32 $0x2900;
	s17 =	simm.s32 $0x2800;
	s18 =	simm.s32 $0x6900  }
0x5: {  	s20 =	simm.s32 $0x2880;
	s21 =	simm.s32 $0x1;
	s22 =	simm.s32 $0x2  }
0x6: {  	s5 =	sand.u32 $0x1, s1;
	s25 =	sshll.u32 s0, $0x1;
	s9 =	smul.u32 $0x50000, s0  }
0x7: {  	s26 =	sshrl.u32 s0, $0x2;
	s1 =	rddreg [dreg:$0x2];
	s24 =	smul.u32 $0x2800, s0  }
0x8: {  	[smem:$0x7FF] =	sst s3;
	s4 =	sor.u32 s5, s25;
	s7 =	smul.u32 $0x14000, s26  }
0x9: {  	_ =	strace $0x8000004A;
	s10 =	smul.u32 $0x28000, s5;
	s29 =	ssub.s32 $0x2, s5  }
0xa: {  	s25 =	sshll.u32 s0, $0x6;
	s8 =	sshll.u32 s4, $0x7;
	s28 =	smul.u32 $0x500, s4  }
0xb: {  	s4 =	sadd.s32 $0x54000, s6;
	s30 =	sshrl.u32 s9, $0x2;
	s31 =	sshrl.u32 s29, $0x1  }
0xc: {  	s8 =	sand.u32 $0x380, s8;
	s12 =	sadd.s32 s10, s6;
	s5 =	sadd.s32 s30, s2  }
0xd: {  	s13 =	ssub.s32 s29, s31;
	s7 =	sor.u32 s7, s8;
	s11 =	sadd.s32 s28, s6  }
0xe: {  	s8 =	sadd.s32 $0x8000, s5;
	s9 =	sadd.s32 $0xC000, s5;
	s10 =	sadd.s32 $0x10000, s5  }
0xf: {  	s23 =	sadd.s32 $0x7C000, s12;
	s12 =	smax.u32 s13, $0x1;
	s13 =	simm.s32 $0x80  }
0x10: {  	s7 =	sshrl.u32 s7, $0x3;
	s11 =	sadd.s32 $0x4000, s11;
	s23 =	sadd.s32 s24, s23  }
0x11: {  	s24 =	sor.u32 $0x1C03, s25;
	s25 =	simm.s32 $0x0;
	s7 =	sadd.s32 s7, s6  }
0x12: {  	v0 =	vimm.f32 $0.0e+00;
	s19 =	sadd.s32 $0x10, s11;
	s6 =	sadd.s32 $0x22000, s7;
	s7 =	sadd.s32 $0x4000, s5  }
.LBB2_1:
0x13: {  	[tilespmem:s3], [sflag:$0x3] =	stream.strided.gather [hbm4b:s6+s13], $0x2800, s14, s13, $0x38;
	[tilespmem:$0x1E900] =	vst v63  }
0x14: {  	_ =	swait.ge [sflag:s15], $0x2800  }
0x15: {  	[sflag:s15] =	ssyncset.done $0x0  }
0x16: {  	s26 =	simm.s32 $0x0;
	s28 =	simm.s32 $0x200;
	[sflag:s15] =	ssyncadd.s32 $0xFFFFD800  }
.LBB2_2:
0x17: {  	p0 =	sne.s32 s28, $0xFE00;
	[tilespmem:s26+$0x2970] =	vst v0  }
0x18: {  	[tilespmem:s26+$0x2900] =	vst v0  }
0x19: {  	[tilespmem:s26+$0x2910] =	vst v0  }
.Ltmp0:
0x1a: {  	[tilespmem:s26+$0x2920] =	vst v0;
	(pc) =	sbr.rel @p0 .LBB2_2-.Ltmp0, $4  }
0x1b: {  	[tilespmem:s26+$0x2930] =	vst v0  }
0x1c: {  	[tilespmem:s26+$0x2940] =	vst v0  }
0x1d: {  	[tilespmem:s26+$0x2950] =	vst v0  }
0x1e: {  	[tilespmem:s26+$0x2960] =	vst v0;
	s26 =	sshra.s32 s28, $0x2;
	s28 =	sadd.s32 $0x200, s28  }
0x1f: {  	[tilespmem:s26+$0x2970] =	vst v0  }
0x20: {  	[tilespmem:s26+$0x2900] =	vst v0  }
0x21: {  	[tilespmem:s26+$0x2910] =	vst v0  }
0x22: {  	[tilespmem:s26+$0x2920] =	vst v0  }
0x23: {  	[tilespmem:s26+$0x2930] =	vst v0  }
0x24: {  	[tilespmem:s26+$0x2940] =	vst v0  }
0x25: {  	[tilespmem:s26+$0x2950] =	vst v0  }
0x26: {  	[tilespmem:s26+$0x2960] =	vst v0  }
0x27: {  	[spmem:s5] =	stream.linear.scatter [tilespmem:s16], [sflag:$0x3], $0x4000, $0x38;
	[tilespmem:$0x1E900] =	vst v63  }
0x28: {  	_ =	swait.ge [sflag:s15], $0x4000  }
0x29: {  	[sflag:s15] =	ssyncset.done $0x0  }
0x2a: {  	[sflag:s15] =	ssyncadd.s32 $0xFFFFC000  }
0x2b: {  	[spmem:s7] =	stream.linear.scatter [tilespmem:s16], [sflag:$0x3], $0x4000, $0x38;
	[tilespmem:$0x1E900] =	vst v63  }
0x2c: {  	_ =	swait.ge [sflag:s15], $0x4000  }
0x2d: {  	[sflag:s15] =	ssyncset.done $0x0  }
0x2e: {  	[sflag:s15] =	ssyncadd.s32 $0xFFFFC000  }
0x2f: {  	[spmem:s8] =	stream.linear.scatter [tilespmem:s16], [sflag:$0x3], $0x4000, $0x38;
	[tilespmem:$0x1E900] =	vst v63  }
0x30: {  	_ =	swait.ge [sflag:s15], $0x4000  }
0x31: {  	[sflag:s15] =	ssyncset.done $0x0  }
0x32: {  	[sflag:s15] =	ssyncadd.s32 $0xFFFFC000  }
0x33: {  	[spmem:s9] =	stream.linear.scatter [tilespmem:s16], [sflag:$0x3], $0x4000, $0x38;
	[tilespmem:$0x1E900] =	vst v63  }
0x34: {  	_ =	swait.ge [sflag:s15], $0x4000  }
0x35: {  	[sflag:s15] =	ssyncset.done $0x0  }
0x36: {  	[sflag:s15] =	ssyncadd.s32 $0xFFFFC000  }
0x37: {  	[spmem:s10] =	stream.linear.scatter [tilespmem:s16], [sflag:$0x3], $0x4000, $0x38;
	[tilespmem:$0x1E900] =	vst v63  }
0x38: {  	_ =	swait.ge [sflag:s15], $0x4000  }
0x39: {  	[sflag:s15] =	ssyncset.done $0x0  }
0x3a: {  	[sflag:s15] =	ssyncadd.s32 $0xFFFFC000  }
0x3b: {  	[tilespmem:s16], [sflag:$0x1] =	stream.indirect.gather [hbm4b:s4+s13], $0x80, s3, s13, $0xb8;
	[tilespmem:$0x1E900] =	vst v63  }
0x3c: {  	_ = 	snop  }
0x3d: {  	[tilespmem:s17], [sflag:$0x1] =	stream.linear.gather [hbm4b:s11+s3], $0x80, $0x38;
	[tilespmem:$0x1E900] =	vst v63  }
0x3e: {  	_ = 	snop  }
0x3f: {  	[tilespmem:s18], [sflag:$0x2] =	stream.indirect.gather [hbm4b:s4+s13], $0x80, s13, s13, $0xb8;
	[tilespmem:$0x1E900] =	vst v63  }
0x40: {  	_ = 	snop  }
0x41: {  	[tilespmem:s20], [sflag:$0x2] =	stream.linear.gather [hbm4b:s19+s3], $0x80, $0x38;
	[tilespmem:$0x1E900] =	vst v63  }
0x42: {  	[bflag:$0x0] =	sbarrier.arrive $0xFFFF  }
0x43: {  	_ =	swait.ge [sflag:s21], $0x4000  }
0x44: {  	[sflag:s21] =	ssyncset.done $0x0  }
0x45: {  	[sflag:s21] =	ssyncadd.s32 $0xFFFFC000  }
0x46: {  	_ =	swait.ge [sflag:s21], $0x80  }
0x47: {  	[sflag:s21] =	ssyncset.done $0x0  }
0x48: {  	[sflag:s21] =	ssyncadd.s32 $0xFFFFFF80  }
0x49: {  	[spmem:s2] =	stream.indirect.scatter.add.f32 [tilespmem:s16], [sflag:$0x3], $0x80, s17, s13, $0xb8;
	[tilespmem:$0x1E900] =	vst v63  }
0x4a: {  	_ =	swait.ge [sflag:s15], $0x4000  }
0x4b: {  	[sflag:s15] =	ssyncset.done $0x0  }
0x4c: {  	s31 =	simm.s32 $0x100;
	s28 =	sadd.s32 $0xFFFFFB20, s11;
	[sflag:s15] =	ssyncadd.s32 $0xFFFFC000  }
0x4d: {  	[tilespmem:s16], [sflag:$0x1] =	stream.indirect.gather [hbm4b:s4+s13], $0x80, s31, s13, $0xb8;
	[tilespmem:$0x1E900] =	vst v63  }
0x4e: {  	s30 =	sadd.s32 $0x500, s28  }
0x4f: {  	[tilespmem:s17], [sflag:$0x1] =	stream.linear.gather [hbm4b:s30+s3], $0x80, $0x38;
	[tilespmem:$0x1E900] =	vst v63  }
0x50: {  	_ =	swait.ge [sflag:s22], $0x4000  }
0x51: {  	[sflag:s22] =	ssyncset.done $0x0  }
0x52: {  	[sflag:s22] =	ssyncadd.s32 $0xFFFFC000  }
0x53: {  	_ =	swait.ge [sflag:s22], $0x80  }
0x54: {  	[sflag:s22] =	ssyncset.done $0x0  }
0x55: {  	[sflag:s22] =	ssyncadd.s32 $0xFFFFFF80  }
0x56: {  	[spmem:s2] =	stream.indirect.scatter.add.f32 [tilespmem:s18], [sflag:$0x3], $0x80, s20, s13, $0xb8;
	[tilespmem:$0x1E900] =	vst v63  }
0x57: {  	_ =	swait.ge [sflag:s15], $0x4000  }
0x58: {  	s26 =	simm.s32 $0xFFFFFB40;
	s29 =	sadd.s32 $0x510, s28;
	[sflag:s15] =	ssyncset.done $0x0  }
0x59: {  	s28 =	simm.s32 $0x200;
	s31 =	simm.s32 $0x180;
	[sflag:s15] =	ssyncadd.s32 $0xFFFFC000  }
0x5a: {  	[tilespmem:s18], [sflag:$0x2] =	stream.indirect.gather [hbm4b:s4+s13], $0x80, s31, s13, $0xb8;
	[tilespmem:$0x1E900] =	vst v63  }
.LBB2_4:
0x5b: {  	[tilespmem:s20], [sflag:$0x2] =	stream.linear.gather [hbm4b:s29+s3], $0x80, $0x38;
	[tilespmem:$0x1E900] =	vst v63  }
0x5c: {  	s29 =	smov.u32 s26  }
0x5d: {  	p0 =	sne.s32 s26, $0xFFFFFFE0;
	s26 =	sadd.s32 $0x20, s26;
	_ =	swait.ge [sflag:s21], $0x4000  }
0x5e: {  	[sflag:s21] =	ssyncset.done $0x0  }
0x5f: {  	[sflag:s21] =	ssyncadd.s32 $0xFFFFC000  }
0x60: {  	_ =	swait.ge [sflag:s21], $0x80  }
0x61: {  	[sflag:s21] =	ssyncset.done $0x0  }
0x62: {  	[sflag:s21] =	ssyncadd.s32 $0xFFFFFF80  }
0x63: {  	[spmem:s2] =	stream.indirect.scatter.add.f32 [tilespmem:s16], [sflag:$0x3], $0x80, s17, s13, $0xb8;
	[tilespmem:$0x1E900] =	vst v63  }
0x64: {  	_ =	swait.ge [sflag:s15], $0x4000  }
0x65: {  	[sflag:s15] =	ssyncset.done $0x0  }
0x66: {  	s29 =	sadd.s32 s29, s11;
	[sflag:s15] =	ssyncadd.s32 $0xFFFFC000  }
0x67: {  	[tilespmem:s16], [sflag:$0x1] =	stream.indirect.gather [hbm4b:s4+s13], $0x80, s28, s13, $0xb8;
	[tilespmem:$0x1E900] =	vst v63  }
0x68: {  	s30 =	sadd.s32 $0x500, s29  }
0x69: {  	[tilespmem:s17], [sflag:$0x1] =	stream.linear.gather [hbm4b:s30+s3], $0x80, $0x38;
	[tilespmem:$0x1E900] =	vst v63  }
0x6a: {  	_ =	swait.ge [sflag:s22], $0x4000  }
0x6b: {  	[sflag:s22] =	ssyncset.done $0x0  }
0x6c: {  	[sflag:s22] =	ssyncadd.s32 $0xFFFFC000  }
0x6d: {  	_ =	swait.ge [sflag:s22], $0x80  }
0x6e: {  	[sflag:s22] =	ssyncset.done $0x0  }
0x6f: {  	[sflag:s22] =	ssyncadd.s32 $0xFFFFFF80  }
0x70: {  	[spmem:s2] =	stream.indirect.scatter.add.f32 [tilespmem:s18], [sflag:$0x3], $0x80, s20, s13, $0xb8;
	[tilespmem:$0x1E900] =	vst v63  }
.Ltmp1:
0x71: {  	_ =	swait.ge [sflag:s15], $0x4000;
	(pc) =	sbr.rel @p0 .LBB2_4-.Ltmp1, $4  }
0x72: {  	[sflag:s15] =	ssyncset.done $0x0  }
0x73: {  	s30 =	sadd.s32 $0x80, s28;
	[sflag:s15] =	ssyncadd.s32 $0xFFFFC000  }
0x74: {  	[tilespmem:s18], [sflag:$0x2] =	stream.indirect.gather [hbm4b:s4+s13], $0x80, s30, s13, $0xb8;
	[tilespmem:$0x1E900] =	vst v63  }
0x75: {  	s29 =	sadd.s32 $0x510, s29;
	s28 =	sadd.s32 $0x100, s28  }
0x76: {  	[tilespmem:s20], [sflag:$0x2] =	stream.linear.gather [hbm4b:s29+s3], $0x80, $0x38;
	[tilespmem:$0x1E900] =	vst v63  }
0x77: {  	_ =	swait.ge [sflag:s21], $0x4000  }
0x78: {  	[sflag:s21] =	ssyncset.done $0x0  }
0x79: {  	[sflag:s21] =	ssyncadd.s32 $0xFFFFC000  }
0x7a: {  	_ =	swait.ge [sflag:s21], $0x80  }
0x7b: {  	[sflag:s21] =	ssyncset.done $0x0  }
0x7c: {  	[sflag:s21] =	ssyncadd.s32 $0xFFFFFF80  }
0x7d: {  	[spmem:s2] =	stream.indirect.scatter.add.f32 [tilespmem:s16], [sflag:$0x3], $0x80, s17, s13, $0xb8;
	[tilespmem:$0x1E900] =	vst v63  }
0x7e: {  	_ =	swait.ge [sflag:s15], $0x4000  }
0x7f: {  	[sflag:s15] =	ssyncset.done $0x0  }
0x80: {  	[sflag:s15] =	ssyncadd.s32 $0xFFFFC000  }
0x81: {  	_ =	swait.ge [sflag:s22], $0x4000  }
0x82: {  	[sflag:s22] =	ssyncset.done $0x0  }
0x83: {  	[sflag:s22] =	ssyncadd.s32 $0xFFFFC000  }
0x84: {  	_ =	swait.ge [sflag:s22], $0x80  }
0x85: {  	[sflag:s22] =	ssyncset.done $0x0  }
0x86: {  	[sflag:s22] =	ssyncadd.s32 $0xFFFFFF80  }
0x87: {  	[spmem:s2] =	stream.indirect.scatter.add.f32 [tilespmem:s18], [sflag:$0x3], $0x80, s20, s13, $0xb8;
	[tilespmem:$0x1E900] =	vst v63  }
0x88: {  	_ =	swait.ge [sflag:s15], $0x4000  }
0x89: {  	s25 =	sadd.s32 $0x1, s25;
	[sflag:s15] =	ssyncset.done $0x0  }
0x8a: {  	p0 =	sne.s32 s25, s12;
	[sflag:s15] =	ssyncadd.s32 $0xFFFFC000  }
.Ltmp2:
0x8b: {  	s26 =	sshrl.u32 s5, $0x3;
	[bflag:$0x0] =	sbarrier.arrive $0xFFFF;
	(pc) =	sbr.rel @p0 .LBB2_1-.Ltmp2, $4  }
0x8c: {  	[hbm:s23], [sflag:s24] =	dma.local [spmem:s26], $0x2800  }
0x8d: {  	_ =	swait.ge [sflag:s15], $0x2800  }
0x8e: {  	[sflag:s15] =	ssyncset.done $0x0  }
0x8f: {  	[sflag:s15] =	ssyncadd.s32 $0xFFFFD800  }
0x90: {  	_ =	sfence.sel $0x180000  }
0x91: {  	[bflag:$0x0] =	sbarrier.arrive $0xFFFF  }
0x92: {  	p0 =	sne.s32 s0, $0x0;
	_ =	strace $0x9000004A  }
0x93: {  	s0 =	sadd.s32 @!p0 $0x100000, s1;
	[bflag:$0x2] =	sbarrier.arrive $0xFFFF  }
0x94: {  	[sflag:s0] =	ssyncadd.tile.s32 @!p0 $0x1;
	_ =	shalt  }
.Lfunc_end2:
_tile_overlayer_lowered:
.L_overlay_start_2:
0x95: {  	(tag) =	ssettag $0x2  }
0x96: {  	s0 =	rddreg [dreg:$0x0];
	s2 =	stileid.u32  }
0x97: {  	s1 =	rddreg [dreg:$0x1];
	p0 =	sne.s32 s2, $0x0  }
0x98: {  	s3 =	rddreg [dreg:$0x2];
	[bflag:$0x3] =	sbarrier.arrive $0xFFFF;
	s2 =	simm.s32 @!p0 $0x1C03  }
0x99: {  	[timem:s3], [sflag:s2] =	dma.local @!p0 [hbm:s0], s1  }
0x9a: {  	s0 =	simm.s32 @!p0 $0x3  }
0x9b: {  	_ =	swait.ge @!p0 [sflag:s0], s1  }
0x9c: {  	s1 =	ssub.s32 @!p0 $0x0, s1;
	[sflag:s0] =	ssyncset.done @!p0 $0x0  }
0x9d: {  	[sflag:s0] =	ssyncadd.s32 @!p0 s1  }
0x9e: {  	[bflag:$0x3] =	sbarrier.arrive $0xFFFF  }
0x9f: {  	_ =	shalt  }

// kernel: kernel.17.cloned.1.call-start
scs
__scs_entry_jumppad:
0x0: {  	(pc) =	sbr.rel $0x88, $3  }
0x1: {  	(tag) =	ssettag $0x0;
	lr =	simm.s32 $0x1  }
0x2: {  	[smem:$0x3F94] =	sst lr;
	_ =	strace $0xD0000000  }
0x3: {  	_ = 	snop  }
0x4: {  	_ = 	snop  }
0x5: {  	_ = 	snop  }
0x6: {  	_ = 	snop  }
0x7: {  	_ = 	snop  }
__scs_overlays_trampoline_lowered:
0x8: {  	[smem:$0x3FA3] =	sst s0  }
0x9: {  	[smem:$0x3FA4] =	sst s1  }
0xa: {  	[smem:$0x3FA5] =	sst s2  }
0xb: {  	[smem:$0x3FA6] =	sst s3  }
0xc: {  	[smem:$0x3FA7] =	sst s4  }
0xd: {  	[smem:$0x3FA8] =	sst s5  }
0xe: {  	[smem:$0x3FA9] =	sst s6  }
0xf: {  	[smem:$0x3FAA] =	sst s7  }
0x10: {  	[smem:$0x3FAB] =	sst s8  }
0x11: {  	[smem:$0x3FAC] =	sst s9;
	s0 =	simm.s32 @!p0 $0x0  }
0x12: {  	s1 =	sld [smem:$0x3F92];
	s0 =	simm.s32 @p0 $0x1  }
0x13: {  	[smem:$0x3FAD] =	sst s0;
	s0 =	simm.s32 @!p1 $0x0  }
0x14: {  	s2 =	sld [smem:$0x3F91];
	s0 =	simm.s32 @p1 $0x1  }
0x15: {  	[smem:$0x3FAE] =	sst s0;
	s0 =	simm.s32 @!p2 $0x0  }
0x16: {  	s3 =	sld [smem:$0x3FDB];
	s0 =	simm.s32 @p2 $0x1  }
0x17: {  	s4 =	simm.s32 $0x1BF5;
	[smem:$0x3FB0] =	sst s0  }
0x18: {  	s0 =	sld [smem:$0x3F93];
	_ =	swait.ge [sflag:s4], $0x0  }
0x19: {  	s7 =	sld [smem:$0x3F94]  }
0x1a: {  	s8 =	sadd.s32 $0xFFFFE003, lr  }
0x1b: {  	s9 =	sadd.s32 $0xFFFFFEF7, lr;
	s5 =	simm.s32 $0xFFFFFFFF;
	p2 =	slt.u32 s8, $0xFFFFF086  }
0x1c: {  	p1 =	slt.u32 s9, $0xF7A;
	s5 =	simm.s32 @!p2 $0x0  }
0x1d: {  	s5 =	simm.s32 @p1 $0x1;
	p0 =	seq.s32 s7, s2  }
0x1e: {  	s7 =	smul.u32 @!p0 $0xF7A, s2;
	p2 =	seq.s32 @!p0 s5, $0x0  }
0x1f: {  	s9 =	smul.u32 $0xF7A, s1;
	s8 =	simm.s32 @!p0 $0x1BF5;
	p2 =	por !p2, p0  }
0x20: {  	[sflag:s8] =	ssyncset.s32 @!p0 $0xFFFFF086;
	s6 =	sadd.s32 @!p0 s3, s7;
	s7 =	simm.s32 @!p0 $0x108  }
0x21: {  	s3 =	sadd.s32 s3, s9;
	s6 =	sadd.s32 @!p0 $0x88, s6;
	s7 =	simm.s32 @p2 $0x1082  }
0x22: {  	[simem:s7], [sflag:s8] =	dma.local @!p0 [hbm:s6], $0xF7A  }
0x23: {  	s9 =	sor.u32 $0xD0000000, s2;
	s6 =	simm.s32 $0x108;
	_ =	swait.ge @!p0 [sflag:s8], $0x0  }
0x24: {  	s3 =	sadd.s32 $0x88, s3;
	s6 =	simm.s32 @!p1 $0x1082;
	[sflag:s4] =	ssyncset.s32 $0xFFFFF086  }
0x25: {  	[simem:s6], [sflag:s4] =	dma.local [hbm:s3], $0xF7A  }
0x26: {  	[smem:$0x3F94] =	sst s1;
	(tag) =	ssettag s2;
	_ =	strace s9  }
0x27: {  	s1 =	sld [smem:$0x3FA4]  }
0x28: {  	s2 =	sld [smem:$0x3FA5]  }
0x29: {  	s4 =	sld [smem:$0x3FA7]  }
0x2a: {  	p0 =	seq.s32 s5, $0x0;
	s5 =	sld [smem:$0x3FA8]  }
0x2b: {  	s6 =	sld [smem:$0x3FA9]  }
0x2c: {  	s7 =	sld [smem:$0x3FAA]  }
0x2d: {  	s3 =	simm.s32 $0x108;
	s8 =	sld [smem:$0x3FAB]  }
0x2e: {  	s3 =	simm.s32 @!p0 $0x1082;
	s9 =	sld [smem:$0x3FAC]  }
0x2f: {  	lr =	sadd.s32 s0, s3;
	s0 =	sld [smem:$0x3FA3]  }
0x30: {  	s3 =	sld [smem:$0x3FA6]  }
0x31: {  	[smem:$0x3FAF] =	sst s10  }
0x32: {  	s10 =	sld [smem:$0x3FAD];
	_ =	sdelay $0x3  }
0x33: {  	p0 =	seq.s32 s10, $0x1;
	s10 =	sld [smem:$0x3FAF];
	_ =	sdelay $0x3  }
0x34: {  	[smem:$0x3FAF] =	sst s10  }
0x35: {  	s10 =	sld [smem:$0x3FAE];
	_ =	sdelay $0x3  }
0x36: {  	p1 =	seq.s32 s10, $0x1;
	s10 =	sld [smem:$0x3FAF];
	_ =	sdelay $0x3  }
0x37: {  	[smem:$0x3FAF] =	sst s10  }
0x38: {  	s10 =	sld [smem:$0x3FB0]  }
0x39: {  	_ = 	snop;
	(pc) =	sbr.ind lr, $3  }
0x3a: {  	_ = 	snop  }
0x3b: {  	_ = 	snop  }
0x3c: {  	p2 =	seq.s32 s10, $0x1;
	s10 =	sld [smem:$0x3FAF]  }
0x3d: {  	_ =	shalt  }
0x3e: {  	_ =	shalt  }
0x3f: {  	_ =	shalt  }
0x40: {  	_ =	shalt  }
0x41: {  	_ =	shalt  }
0x42: {  	_ =	shalt  }
0x43: {  	_ =	shalt  }
0x44: {  	_ =	shalt  }
0x45: {  	_ =	shalt  }
0x46: {  	_ =	shalt  }
0x47: {  	_ =	shalt  }
0x48: {  	_ =	shalt  }
0x49: {  	_ =	shalt  }
0x4a: {  	_ =	shalt  }
0x4b: {  	_ =	shalt  }
0x4c: {  	_ =	shalt  }
0x4d: {  	_ =	shalt  }
0x4e: {  	_ =	shalt  }
0x4f: {  	_ =	shalt  }
0x50: {  	_ =	shalt  }
0x51: {  	_ =	shalt  }
0x52: {  	_ =	shalt  }
0x53: {  	_ =	shalt  }
0x54: {  	_ =	shalt  }
0x55: {  	_ =	shalt  }
0x56: {  	_ =	shalt  }
0x57: {  	_ =	shalt  }
0x58: {  	_ =	shalt  }
0x59: {  	_ =	shalt  }
0x5a: {  	_ =	shalt  }
0x5b: {  	_ =	shalt  }
0x5c: {  	_ =	shalt  }
0x5d: {  	_ =	shalt  }
0x5e: {  	_ =	shalt  }
0x5f: {  	_ =	shalt  }
0x60: {  	_ =	shalt  }
0x61: {  	_ =	shalt  }
0x62: {  	_ =	shalt  }
0x63: {  	_ =	shalt  }
0x64: {  	_ =	shalt  }
0x65: {  	_ =	shalt  }
0x66: {  	_ =	shalt  }
0x67: {  	_ =	shalt  }
0x68: {  	_ =	shalt  }
0x69: {  	_ =	shalt  }
0x6a: {  	_ =	shalt  }
0x6b: {  	_ =	shalt  }
0x6c: {  	_ =	shalt  }
0x6d: {  	_ =	shalt  }
0x6e: {  	_ =	shalt  }
0x6f: {  	_ =	shalt  }
0x70: {  	_ =	shalt  }
0x71: {  	_ =	shalt  }
0x72: {  	_ =	shalt  }
0x73: {  	_ =	shalt  }
0x74: {  	_ =	shalt  }
0x75: {  	_ =	shalt  }
0x76: {  	_ =	shalt  }
0x77: {  	_ =	shalt  }
0x78: {  	_ =	shalt  }
0x79: {  	_ =	shalt  }
0x7a: {  	_ =	shalt  }
0x7b: {  	_ =	shalt  }
0x7c: {  	_ =	shalt  }
0x7d: {  	_ =	shalt  }
0x7e: {  	_ =	shalt  }
0x7f: {  	_ =	shalt  }
0x80: {  	_ =	shalt  }
0x81: {  	_ =	shalt  }
0x82: {  	_ =	shalt  }
0x83: {  	_ =	shalt  }
0x84: {  	_ =	shalt  }
0x85: {  	_ =	shalt  }
0x86: {  	_ =	shalt  }
0x87: {  	_ =	shalt  }
.Lfunc_end0:
.L_simem_size_0:
called_computation.2_lowered:
.L_overlay_start_0:
0x88: {  	s2 =	sld [smem:$0x3FD9]  }
0x89: {  	s3 =	sld [smem:$0x3FFE];
	_ =	sdelay $0x1  }
0x8a: {  	s1 =	srdreg.scid  }
0x8b: {  	s0 =	sand.u32 $0x1, s1  }
0x8c: {  	s16 =	sshll.u32 s0, $0xA;
	s2 =	sadd.s32 s3, s2  }
0x8d: {  	s2 =	sadd.s32 s2, s16  }
0x8e: {  	[smem:$0x3FBB] =	sst s2  }
0x8f: {  	_ = 	snop  }
0x90: {  	(tm) =	ssettm $0x1  }
0x91: {  	s17 =	sld [smem:$0x3FFB];
	_ =	sdelay $0x3  }
0x92: {  	_ =	strace s17  }
0x93: {  	s2 =	sld [smem:$0x3FFC];
	_ =	sdelay $0x3  }
0x94: {  	_ =	strace s2  }
0x95: {  	s2 =	sld [smem:$0x3FFD];
	_ =	sdelay $0x3  }
0x96: {  	_ =	strace s2  }
0x97: {  	_ =	strace $0x8FFFFFFF  }
0x98: {  	s18 =	sld [smem:$0x3FDB];
	_ =	sdelay $0x1  }
0x99: {  	s19 =	simm.s32 $_scs_section_size  }
0x9a: {  	s4 =	simm.s32 $_size__tile_overlayer_lowered;
	s5 =	simm.s32 $_tile_overlayer_lowered  }
0x9b: {  	s22 =	simm.s32 $0x1BFF;
	s21 =	sshll.u32 s5, $0x1;
	s2 =	sadd.s32 s19, s18  }
0x9c: {  	s6 =	simm.s32 $0x0;
	s20 =	sshll.u32 s4, $0x1;
	s4 =	sadd.s32 s21, s2  }
0x9d: {  	[timem:s6], [sflag:s22] =	dma.local [hbm:s4], s20  }
0x9e: {  	_ =	swait.ge [sflag:s22], s20  }
0x9f: {  	s3 =	ssub.s32 $0x0, s20;
	[sflag:s22] =	ssyncset.done $0x0  }
0xa0: {  	[sflag:s22] =	ssyncadd.s32 s3;
	_ =	sdelay $0x1  }
0xa1: {  	s23 =	simm.s32 $0x1B8B  }
0xa2: {  	_ =	swait.ge [sflag:s23], $0x1  }
0xa3: {  	[sflag:s23] =	ssyncset.done $0x0  }
0xa4: {  	s25 =	simm.s32 $0x1B8E;
	s24 =	sld [smem:$0x3FFE];
	[sflag:s23] =	ssyncadd.s32 $0xFFFFFFFF  }
0xa5: {  	s26 =	simm.s32 $execute0_lowered;
	[smem:$0x3FD2] =	sst s25  }
0xa6: {  	s4 =	sshll.u32 s26, $0x1;
	_ =	strace $0x8000004C;
	[dreg:$0x1] =	wrdreg $0xFFFFFFFF  }
0xa7: {  	s28 =	simm.s32 $_size_execute0_lowered;
	s2 =	sadd.s32 s2, s4;
	[dreg:$0x0] =	wrdreg $0x0  }
0xa8: {  	s4 =	sshll.u32 s28, $0x1;
	[dreg:$0x2] =	wrdreg s2  }
0xa9: {  	[dreg:$0x3] =	wrdreg s4  }
0xaa: {  	[dreg:$0x4] =	wrdreg $0xC0  }
0xab: {  	_ =	task [dreg:s6], $0x5FFFF  }
0xac: {  	[dreg:$0x1] =	wrdreg $0xFFFFFFFF  }
0xad: {  	[dreg:$0x0] =	wrdreg $0x60  }
0xae: {  	[dreg:$0x2] =	wrdreg s24  }
0xaf: {  	[dreg:$0x3] =	wrdreg $0xA9000  }
0xb0: {  	[dreg:$0x4] =	wrdreg $0x9  }
0xb1: {  	_ =	task.clear_ibuf [dreg:s6], $0x5FFFF;
	_ =	strace $0x9000004C  }
0xb2: {  	s29 =	simm.s32 $0x9;
	_ =	strace $0x8000004E  }
0xb3: {  	_ =	swait.ge [sflag:s29], $0x1  }
0xb4: {  	[sflag:s29] =	ssyncadd.s32 $0xFFFFFFFF  }
0xb5: {  	_ =	strace $0x9000004E  }
0xb6: {  	_ =	sfence  }
0xb7: {  	s30 =	sld [smem:$0x0];
	_ =	sdelay $0x2  }
0xb8: {  	s31 =	sshll.u32 s1, $0xD;
	s1 =	sshrl.u32 s1, $0x2  }
0xb9: {  	s3 =	sand.u32 $0x4000, s31;
	s1 =	sadd.s32 s1, s30  }
0xba: {  	s0 =	sor.u32 s3, s0;
	s1 =	sshll.u32 s1, $0x11  }
0xbb: {  	s0 =	sor.u32 s1, s0  }
0xbc: {  	s0 =	sadd.s32 $0x8F2B, s0  }
0xbd: {  	[sflag:s0] =	ssyncadd.remote.s32 $0x1  }
0xbe: {  	_ =	sfence.sel $0xFFFF  }
0xbf: {  	[dreg:$0x0] =	wrdreg $0xFFFFFFFF;
	(pc) =	sbr.abs _section_cstart, $3  }
0xc0: {  	[dreg:$0x1] =	wrdreg $0xFFFFFFFF  }
0xc1: {  	_ =	task.clear_ibuf [dreg:s6], $0x2FFFF;
	_ =	strace $0x9FFFFFFF  }
0xc2: {  	(tm) =	ssettm $0x7FFFFFFF  }
0xc3: {  	_ =	shalt  }
tec
execute0_lowered:
.L_overlay_start_1:
0x0: {  	(tag) =	ssettag $0x1  }
0x1: {  	s1 =	srdreg.scid;
	s6 =	rddreg [dreg:$0x0]  }
0x2: {  	s0 =	stileid.u32;
	s2 =	rddreg [dreg:$0x1]  }
0x3: {  	s3 =	simm.s32 $0x0;
	s14 =	simm.s32 $0x400;
	s15 =	simm.s32 $0x3  }
0x4: {  	s16 =	simm.s32 $0x2900;
	s17 =	simm.s32 $0x2800;
	s18 =	simm.s32 $0x6900  }
0x5: {  	s20 =	simm.s32 $0x2880;
	s21 =	simm.s32 $0x1;
	s22 =	simm.s32 $0x2  }
0x6: {  	s5 =	sand.u32 $0x1, s1;
	s25 =	sshll.u32 s0, $0x1;
	s9 =	smul.u32 $0x50000, s0  }
0x7: {  	s26 =	sshrl.u32 s0, $0x2;
	s1 =	rddreg [dreg:$0x2];
	s24 =	smul.u32 $0x2800, s0  }
0x8: {  	[smem:$0x7FF] =	sst s3;
	s4 =	sor.u32 s5, s25;
	s7 =	smul.u32 $0x14000, s26  }
0x9: {  	_ =	strace $0x8000004D;
	s10 =	smul.u32 $0x28000, s5;
	s29 =	ssub.s32 $0x2, s5  }
0xa: {  	s25 =	sshll.u32 s0, $0x6;
	s8 =	sshll.u32 s4, $0x7;
	s28 =	smul.u32 $0x500, s4  }
0xb: {  	s4 =	sadd.s32 $0x54000, s6;
	s30 =	sshrl.u32 s9, $0x2;
	s31 =	sshrl.u32 s29, $0x1  }
0xc: {  	s8 =	sand.u32 $0x380, s8;
	s12 =	sadd.s32 s10, s6;
	s5 =	sadd.s32 s30, s2  }
0xd: {  	s13 =	ssub.s32 s29, s31;
	s7 =	sor.u32 s7, s8;
	s11 =	sadd.s32 s28, s6  }
0xe: {  	s8 =	sadd.s32 $0x8000, s5;
	s9 =	sadd.s32 $0xC000, s5;
	s10 =	sadd.s32 $0x10000, s5  }
0xf: {  	s23 =	sadd.s32 $0x7C000, s12;
	s12 =	smax.u32 s13, $0x1;
	s13 =	simm.s32 $0x80  }
0x10: {  	s7 =	sshrl.u32 s7, $0x3;
	s11 =	sadd.s32 $0x4000, s11;
	s23 =	sadd.s32 s24, s23  }
0x11: {  	s24 =	sor.u32 $0x1C03, s25;
	s25 =	simm.s32 $0x0;
	s7 =	sadd.s32 s7, s6  }
0x12: {  	v0 =	vimm.f32 $0.0e+00;
	s19 =	sadd.s32 $0x10, s11;
	s6 =	sadd.s32 $0x22000, s7;
	s7 =	sadd.s32 $0x4000, s5  }
.LBB2_1:
0x13: {  	[tilespmem:s3], [sflag:$0x3] =	stream.strided.gather [hbm4b:s6+s13], $0x2800, s14, s13, $0x38;
	[tilespmem:$0x1E900] =	vst v63  }
0x14: {  	_ =	swait.ge [sflag:s15], $0x2800  }
0x15: {  	[sflag:s15] =	ssyncset.done $0x0  }
0x16: {  	s26 =	simm.s32 $0x0;
	s28 =	simm.s32 $0x200;
	[sflag:s15] =	ssyncadd.s32 $0xFFFFD800  }
.LBB2_2:
0x17: {  	p0 =	sne.s32 s28, $0xFE00;
	[tilespmem:s26+$0x2970] =	vst v0  }
0x18: {  	[tilespmem:s26+$0x2900] =	vst v0  }
0x19: {  	[tilespmem:s26+$0x2910] =	vst v0  }
.Ltmp0:
0x1a: {  	[tilespmem:s26+$0x2920] =	vst v0;
	(pc) =	sbr.rel @p0 .LBB2_2-.Ltmp0, $4  }
0x1b: {  	[tilespmem:s26+$0x2930] =	vst v0  }
0x1c: {  	[tilespmem:s26+$0x2940] =	vst v0  }
0x1d: {  	[tilespmem:s26+$0x2950] =	vst v0  }
0x1e: {  	[tilespmem:s26+$0x2960] =	vst v0;
	s26 =	sshra.s32 s28, $0x2;
	s28 =	sadd.s32 $0x200, s28  }
0x1f: {  	[tilespmem:s26+$0x2970] =	vst v0  }
0x20: {  	[tilespmem:s26+$0x2900] =	vst v0  }
0x21: {  	[tilespmem:s26+$0x2910] =	vst v0  }
0x22: {  	[tilespmem:s26+$0x2920] =	vst v0  }
0x23: {  	[tilespmem:s26+$0x2930] =	vst v0  }
0x24: {  	[tilespmem:s26+$0x2940] =	vst v0  }
0x25: {  	[tilespmem:s26+$0x2950] =	vst v0  }
0x26: {  	[tilespmem:s26+$0x2960] =	vst v0  }
0x27: {  	[spmem:s5] =	stream.linear.scatter [tilespmem:s16], [sflag:$0x3], $0x4000, $0x38;
	[tilespmem:$0x1E900] =	vst v63  }
0x28: {  	_ =	swait.ge [sflag:s15], $0x4000  }
0x29: {  	[sflag:s15] =	ssyncset.done $0x0  }
0x2a: {  	[sflag:s15] =	ssyncadd.s32 $0xFFFFC000  }
0x2b: {  	[spmem:s7] =	stream.linear.scatter [tilespmem:s16], [sflag:$0x3], $0x4000, $0x38;
	[tilespmem:$0x1E900] =	vst v63  }
0x2c: {  	_ =	swait.ge [sflag:s15], $0x4000  }
0x2d: {  	[sflag:s15] =	ssyncset.done $0x0  }
0x2e: {  	[sflag:s15] =	ssyncadd.s32 $0xFFFFC000  }
0x2f: {  	[spmem:s8] =	stream.linear.scatter [tilespmem:s16], [sflag:$0x3], $0x4000, $0x38;
	[tilespmem:$0x1E900] =	vst v63  }
0x30: {  	_ =	swait.ge [sflag:s15], $0x4000  }
0x31: {  	[sflag:s15] =	ssyncset.done $0x0  }
0x32: {  	[sflag:s15] =	ssyncadd.s32 $0xFFFFC000  }
0x33: {  	[spmem:s9] =	stream.linear.scatter [tilespmem:s16], [sflag:$0x3], $0x4000, $0x38;
	[tilespmem:$0x1E900] =	vst v63  }
0x34: {  	_ =	swait.ge [sflag:s15], $0x4000  }
0x35: {  	[sflag:s15] =	ssyncset.done $0x0  }
0x36: {  	[sflag:s15] =	ssyncadd.s32 $0xFFFFC000  }
0x37: {  	[spmem:s10] =	stream.linear.scatter [tilespmem:s16], [sflag:$0x3], $0x4000, $0x38;
	[tilespmem:$0x1E900] =	vst v63  }
0x38: {  	_ =	swait.ge [sflag:s15], $0x4000  }
0x39: {  	[sflag:s15] =	ssyncset.done $0x0  }
0x3a: {  	[sflag:s15] =	ssyncadd.s32 $0xFFFFC000  }
0x3b: {  	[tilespmem:s16], [sflag:$0x1] =	stream.indirect.gather [hbm4b:s4+s13], $0x80, s3, s13, $0xb8;
	[tilespmem:$0x1E900] =	vst v63  }
0x3c: {  	_ = 	snop  }
0x3d: {  	[tilespmem:s17], [sflag:$0x1] =	stream.linear.gather [hbm4b:s11+s3], $0x80, $0x38;
	[tilespmem:$0x1E900] =	vst v63  }
0x3e: {  	_ = 	snop  }
0x3f: {  	[tilespmem:s18], [sflag:$0x2] =	stream.indirect.gather [hbm4b:s4+s13], $0x80, s13, s13, $0xb8;
	[tilespmem:$0x1E900] =	vst v63  }
0x40: {  	_ = 	snop  }
0x41: {  	[tilespmem:s20], [sflag:$0x2] =	stream.linear.gather [hbm4b:s19+s3], $0x80, $0x38;
	[tilespmem:$0x1E900] =	vst v63  }
0x42: {  	[bflag:$0x0] =	sbarrier.arrive $0xFFFF  }
0x43: {  	_ =	swait.ge [sflag:s21], $0x4000  }
0x44: {  	[sflag:s21] =	ssyncset.done $0x0  }
0x45: {  	[sflag:s21] =	ssyncadd.s32 $0xFFFFC000  }
0x46: {  	_ =	swait.ge [sflag:s21], $0x80  }
0x47: {  	[sflag:s21] =	ssyncset.done $0x0  }
0x48: {  	[sflag:s21] =	ssyncadd.s32 $0xFFFFFF80  }
0x49: {  	[spmem:s2] =	stream.indirect.scatter.add.f32 [tilespmem:s16], [sflag:$0x3], $0x80, s17, s13, $0xb8;
	[tilespmem:$0x1E900] =	vst v63  }
0x4a: {  	_ =	swait.ge [sflag:s15], $0x4000  }
0x4b: {  	[sflag:s15] =	ssyncset.done $0x0  }
0x4c: {  	s31 =	simm.s32 $0x100;
	s28 =	sadd.s32 $0xFFFFFB20, s11;
	[sflag:s15] =	ssyncadd.s32 $0xFFFFC000  }
0x4d: {  	[tilespmem:s16], [sflag:$0x1] =	stream.indirect.gather [hbm4b:s4+s13], $0x80, s31, s13, $0xb8;
	[tilespmem:$0x1E900] =	vst v63  }
0x4e: {  	s30 =	sadd.s32 $0x500, s28  }
0x4f: {  	[tilespmem:s17], [sflag:$0x1] =	stream.linear.gather [hbm4b:s30+s3], $0x80, $0x38;
	[tilespmem:$0x1E900] =	vst v63  }
0x50: {  	_ =	swait.ge [sflag:s22], $0x4000  }
0x51: {  	[sflag:s22] =	ssyncset.done $0x0  }
0x52: {  	[sflag:s22] =	ssyncadd.s32 $0xFFFFC000  }
0x53: {  	_ =	swait.ge [sflag:s22], $0x80  }
0x54: {  	[sflag:s22] =	ssyncset.done $0x0  }
0x55: {  	[sflag:s22] =	ssyncadd.s32 $0xFFFFFF80  }
0x56: {  	[spmem:s2] =	stream.indirect.scatter.add.f32 [tilespmem:s18], [sflag:$0x3], $0x80, s20, s13, $0xb8;
	[tilespmem:$0x1E900] =	vst v63  }
0x57: {  	_ =	swait.ge [sflag:s15], $0x4000  }
0x58: {  	s26 =	simm.s32 $0xFFFFFB40;
	s29 =	sadd.s32 $0x510, s28;
	[sflag:s15] =	ssyncset.done $0x0  }
0x59: {  	s28 =	simm.s32 $0x200;
	s31 =	simm.s32 $0x180;
	[sflag:s15] =	ssyncadd.s32 $0xFFFFC000  }
0x5a: {  	[tilespmem:s18], [sflag:$0x2] =	stream.indirect.gather [hbm4b:s4+s13], $0x80, s31, s13, $0xb8;
	[tilespmem:$0x1E900] =	vst v63  }
.LBB2_4:
0x5b: {  	[tilespmem:s20], [sflag:$0x2] =	stream.linear.gather [hbm4b:s29+s3], $0x80, $0x38;
	[tilespmem:$0x1E900] =	vst v63  }
0x5c: {  	s29 =	smov.u32 s26  }
0x5d: {  	p0 =	sne.s32 s26, $0xFFFFFFE0;
	s26 =	sadd.s32 $0x20, s26;
	_ =	swait.ge [sflag:s21], $0x4000  }
0x5e: {  	[sflag:s21] =	ssyncset.done $0x0  }
0x5f: {  	[sflag:s21] =	ssyncadd.s32 $0xFFFFC000  }
0x60: {  	_ =	swait.ge [sflag:s21], $0x80  }
0x61: {  	[sflag:s21] =	ssyncset.done $0x0  }
0x62: {  	[sflag:s21] =	ssyncadd.s32 $0xFFFFFF80  }
0x63: {  	[spmem:s2] =	stream.indirect.scatter.add.f32 [tilespmem:s16], [sflag:$0x3], $0x80, s17, s13, $0xb8;
	[tilespmem:$0x1E900] =	vst v63  }
0x64: {  	_ =	swait.ge [sflag:s15], $0x4000  }
0x65: {  	[sflag:s15] =	ssyncset.done $0x0  }
0x66: {  	s29 =	sadd.s32 s29, s11;
	[sflag:s15] =	ssyncadd.s32 $0xFFFFC000  }
0x67: {  	[tilespmem:s16], [sflag:$0x1] =	stream.indirect.gather [hbm4b:s4+s13], $0x80, s28, s13, $0xb8;
	[tilespmem:$0x1E900] =	vst v63  }
0x68: {  	s30 =	sadd.s32 $0x500, s29  }
0x69: {  	[tilespmem:s17], [sflag:$0x1] =	stream.linear.gather [hbm4b:s30+s3], $0x80, $0x38;
	[tilespmem:$0x1E900] =	vst v63  }
0x6a: {  	_ =	swait.ge [sflag:s22], $0x4000  }
0x6b: {  	[sflag:s22] =	ssyncset.done $0x0  }
0x6c: {  	[sflag:s22] =	ssyncadd.s32 $0xFFFFC000  }
0x6d: {  	_ =	swait.ge [sflag:s22], $0x80  }
0x6e: {  	[sflag:s22] =	ssyncset.done $0x0  }
0x6f: {  	[sflag:s22] =	ssyncadd.s32 $0xFFFFFF80  }
0x70: {  	[spmem:s2] =	stream.indirect.scatter.add.f32 [tilespmem:s18], [sflag:$0x3], $0x80, s20, s13, $0xb8;
	[tilespmem:$0x1E900] =	vst v63  }
.Ltmp1:
0x71: {  	_ =	swait.ge [sflag:s15], $0x4000;
	(pc) =	sbr.rel @p0 .LBB2_4-.Ltmp1, $4  }
0x72: {  	[sflag:s15] =	ssyncset.done $0x0  }
0x73: {  	s30 =	sadd.s32 $0x80, s28;
	[sflag:s15] =	ssyncadd.s32 $0xFFFFC000  }
0x74: {  	[tilespmem:s18], [sflag:$0x2] =	stream.indirect.gather [hbm4b:s4+s13], $0x80, s30, s13, $0xb8;
	[tilespmem:$0x1E900] =	vst v63  }
0x75: {  	s29 =	sadd.s32 $0x510, s29;
	s28 =	sadd.s32 $0x100, s28  }
0x76: {  	[tilespmem:s20], [sflag:$0x2] =	stream.linear.gather [hbm4b:s29+s3], $0x80, $0x38;
	[tilespmem:$0x1E900] =	vst v63  }
0x77: {  	_ =	swait.ge [sflag:s21], $0x4000  }
0x78: {  	[sflag:s21] =	ssyncset.done $0x0  }
0x79: {  	[sflag:s21] =	ssyncadd.s32 $0xFFFFC000  }
0x7a: {  	_ =	swait.ge [sflag:s21], $0x80  }
0x7b: {  	[sflag:s21] =	ssyncset.done $0x0  }
0x7c: {  	[sflag:s21] =	ssyncadd.s32 $0xFFFFFF80  }
0x7d: {  	[spmem:s2] =	stream.indirect.scatter.add.f32 [tilespmem:s16], [sflag:$0x3], $0x80, s17, s13, $0xb8;
	[tilespmem:$0x1E900] =	vst v63  }
0x7e: {  	_ =	swait.ge [sflag:s15], $0x4000  }
0x7f: {  	[sflag:s15] =	ssyncset.done $0x0  }
0x80: {  	[sflag:s15] =	ssyncadd.s32 $0xFFFFC000  }
0x81: {  	_ =	swait.ge [sflag:s22], $0x4000  }
0x82: {  	[sflag:s22] =	ssyncset.done $0x0  }
0x83: {  	[sflag:s22] =	ssyncadd.s32 $0xFFFFC000  }
0x84: {  	_ =	swait.ge [sflag:s22], $0x80  }
0x85: {  	[sflag:s22] =	ssyncset.done $0x0  }
0x86: {  	[sflag:s22] =	ssyncadd.s32 $0xFFFFFF80  }
0x87: {  	[spmem:s2] =	stream.indirect.scatter.add.f32 [tilespmem:s18], [sflag:$0x3], $0x80, s20, s13, $0xb8;
	[tilespmem:$0x1E900] =	vst v63  }
0x88: {  	_ =	swait.ge [sflag:s15], $0x4000  }
0x89: {  	s25 =	sadd.s32 $0x1, s25;
	[sflag:s15] =	ssyncset.done $0x0  }
0x8a: {  	p0 =	sne.s32 s25, s12;
	[sflag:s15] =	ssyncadd.s32 $0xFFFFC000  }
.Ltmp2:
0x8b: {  	s26 =	sshrl.u32 s5, $0x3;
	[bflag:$0x0] =	sbarrier.arrive $0xFFFF;
	(pc) =	sbr.rel @p0 .LBB2_1-.Ltmp2, $4  }
0x8c: {  	[hbm:s23], [sflag:s24] =	dma.local [spmem:s26], $0x2800  }
0x8d: {  	_ =	swait.ge [sflag:s15], $0x2800  }
0x8e: {  	[sflag:s15] =	ssyncset.done $0x0  }
0x8f: {  	[sflag:s15] =	ssyncadd.s32 $0xFFFFD800  }
0x90: {  	_ =	sfence.sel $0x180000  }
0x91: {  	[bflag:$0x0] =	sbarrier.arrive $0xFFFF  }
0x92: {  	p0 =	sne.s32 s0, $0x0;
	_ =	strace $0x9000004D  }
0x93: {  	s0 =	sadd.s32 @!p0 $0x100000, s1;
	[bflag:$0x2] =	sbarrier.arrive $0xFFFF  }
0x94: {  	[sflag:s0] =	ssyncadd.tile.s32 @!p0 $0x1;
	_ =	shalt  }
.Lfunc_end2:
_tile_overlayer_lowered:
.L_overlay_start_2:
0x95: {  	(tag) =	ssettag $0x2  }
0x96: {  	s0 =	rddreg [dreg:$0x0];
	s2 =	stileid.u32  }
0x97: {  	s1 =	rddreg [dreg:$0x1];
	p0 =	sne.s32 s2, $0x0  }
0x98: {  	s3 =	rddreg [dreg:$0x2];
	[bflag:$0x3] =	sbarrier.arrive $0xFFFF;
	s2 =	simm.s32 @!p0 $0x1C03  }
0x99: {  	[timem:s3], [sflag:s2] =	dma.local @!p0 [hbm:s0], s1  }
0x9a: {  	s0 =	simm.s32 @!p0 $0x3  }
0x9b: {  	_ =	swait.ge @!p0 [sflag:s0], s1  }
0x9c: {  	s1 =	ssub.s32 @!p0 $0x0, s1;
	[sflag:s0] =	ssyncset.done @!p0 $0x0  }
0x9d: {  	[sflag:s0] =	ssyncadd.s32 @!p0 s1  }
0x9e: {  	[bflag:$0x3] =	sbarrier.arrive $0xFFFF  }
0x9f: {  	_ =	shalt  }

// kernel: kernel.20.cloned.1.call-start
scs
__scs_entry_jumppad:
0x0: {  	(pc) =	sbr.rel $0x88, $3  }
0x1: {  	(tag) =	ssettag $0x0;
	lr =	simm.s32 $0x1  }
0x2: {  	[smem:$0x3F94] =	sst lr;
	_ =	strace $0xD0000000  }
0x3: {  	_ = 	snop  }
0x4: {  	_ = 	snop  }
0x5: {  	_ = 	snop  }
0x6: {  	_ = 	snop  }
0x7: {  	_ = 	snop  }
__scs_overlays_trampoline_lowered:
0x8: {  	[smem:$0x3FA3] =	sst s0  }
0x9: {  	[smem:$0x3FA4] =	sst s1  }
0xa: {  	[smem:$0x3FA5] =	sst s2  }
0xb: {  	[smem:$0x3FA6] =	sst s3  }
0xc: {  	[smem:$0x3FA7] =	sst s4  }
0xd: {  	[smem:$0x3FA8] =	sst s5  }
0xe: {  	[smem:$0x3FA9] =	sst s6  }
0xf: {  	[smem:$0x3FAA] =	sst s7  }
0x10: {  	[smem:$0x3FAB] =	sst s8  }
0x11: {  	[smem:$0x3FAC] =	sst s9;
	s0 =	simm.s32 @!p0 $0x0  }
0x12: {  	s1 =	sld [smem:$0x3F92];
	s0 =	simm.s32 @p0 $0x1  }
0x13: {  	[smem:$0x3FAD] =	sst s0;
	s0 =	simm.s32 @!p1 $0x0  }
0x14: {  	s2 =	sld [smem:$0x3F91];
	s0 =	simm.s32 @p1 $0x1  }
0x15: {  	[smem:$0x3FAE] =	sst s0;
	s0 =	simm.s32 @!p2 $0x0  }
0x16: {  	s3 =	sld [smem:$0x3FDB];
	s0 =	simm.s32 @p2 $0x1  }
0x17: {  	s4 =	simm.s32 $0x1BF5;
	[smem:$0x3FB0] =	sst s0  }
0x18: {  	s0 =	sld [smem:$0x3F93];
	_ =	swait.ge [sflag:s4], $0x0  }
0x19: {  	s7 =	sld [smem:$0x3F94]  }
0x1a: {  	s8 =	sadd.s32 $0xFFFFE003, lr  }
0x1b: {  	s9 =	sadd.s32 $0xFFFFFEF7, lr;
	s5 =	simm.s32 $0xFFFFFFFF;
	p2 =	slt.u32 s8, $0xFFFFF086  }
0x1c: {  	p1 =	slt.u32 s9, $0xF7A;
	s5 =	simm.s32 @!p2 $0x0  }
0x1d: {  	s5 =	simm.s32 @p1 $0x1;
	p0 =	seq.s32 s7, s2  }
0x1e: {  	s7 =	smul.u32 @!p0 $0xF7A, s2;
	p2 =	seq.s32 @!p0 s5, $0x0  }
0x1f: {  	s9 =	smul.u32 $0xF7A, s1;
	s8 =	simm.s32 @!p0 $0x1BF5;
	p2 =	por !p2, p0  }
0x20: {  	[sflag:s8] =	ssyncset.s32 @!p0 $0xFFFFF086;
	s6 =	sadd.s32 @!p0 s3, s7;
	s7 =	simm.s32 @!p0 $0x108  }
0x21: {  	s3 =	sadd.s32 s3, s9;
	s6 =	sadd.s32 @!p0 $0x88, s6;
	s7 =	simm.s32 @p2 $0x1082  }
0x22: {  	[simem:s7], [sflag:s8] =	dma.local @!p0 [hbm:s6], $0xF7A  }
0x23: {  	s9 =	sor.u32 $0xD0000000, s2;
	s6 =	simm.s32 $0x108;
	_ =	swait.ge @!p0 [sflag:s8], $0x0  }
0x24: {  	s3 =	sadd.s32 $0x88, s3;
	s6 =	simm.s32 @!p1 $0x1082;
	[sflag:s4] =	ssyncset.s32 $0xFFFFF086  }
0x25: {  	[simem:s6], [sflag:s4] =	dma.local [hbm:s3], $0xF7A  }
0x26: {  	[smem:$0x3F94] =	sst s1;
	(tag) =	ssettag s2;
	_ =	strace s9  }
0x27: {  	s1 =	sld [smem:$0x3FA4]  }
0x28: {  	s2 =	sld [smem:$0x3FA5]  }
0x29: {  	s4 =	sld [smem:$0x3FA7]  }
0x2a: {  	p0 =	seq.s32 s5, $0x0;
	s5 =	sld [smem:$0x3FA8]  }
0x2b: {  	s6 =	sld [smem:$0x3FA9]  }
0x2c: {  	s7 =	sld [smem:$0x3FAA]  }
0x2d: {  	s3 =	simm.s32 $0x108;
	s8 =	sld [smem:$0x3FAB]  }
0x2e: {  	s3 =	simm.s32 @!p0 $0x1082;
	s9 =	sld [smem:$0x3FAC]  }
0x2f: {  	lr =	sadd.s32 s0, s3;
	s0 =	sld [smem:$0x3FA3]  }
0x30: {  	s3 =	sld [smem:$0x3FA6]  }
0x31: {  	[smem:$0x3FAF] =	sst s10  }
0x32: {  	s10 =	sld [smem:$0x3FAD];
	_ =	sdelay $0x3  }
0x33: {  	p0 =	seq.s32 s10, $0x1;
	s10 =	sld [smem:$0x3FAF];
	_ =	sdelay $0x3  }
0x34: {  	[smem:$0x3FAF] =	sst s10  }
0x35: {  	s10 =	sld [smem:$0x3FAE];
	_ =	sdelay $0x3  }
0x36: {  	p1 =	seq.s32 s10, $0x1;
	s10 =	sld [smem:$0x3FAF];
	_ =	sdelay $0x3  }
0x37: {  	[smem:$0x3FAF] =	sst s10  }
0x38: {  	s10 =	sld [smem:$0x3FB0]  }
0x39: {  	_ = 	snop;
	(pc) =	sbr.ind lr, $3  }
0x3a: {  	_ = 	snop  }
0x3b: {  	_ = 	snop  }
0x3c: {  	p2 =	seq.s32 s10, $0x1;
	s10 =	sld [smem:$0x3FAF]  }
0x3d: {  	_ =	shalt  }
0x3e: {  	_ =	shalt  }
0x3f: {  	_ =	shalt  }
0x40: {  	_ =	shalt  }
0x41: {  	_ =	shalt  }
0x42: {  	_ =	shalt  }
0x43: {  	_ =	shalt  }
0x44: {  	_ =	shalt  }
0x45: {  	_ =	shalt  }
0x46: {  	_ =	shalt  }
0x47: {  	_ =	shalt  }
0x48: {  	_ =	shalt  }
0x49: {  	_ =	shalt  }
0x4a: {  	_ =	shalt  }
0x4b: {  	_ =	shalt  }
0x4c: {  	_ =	shalt  }
0x4d: {  	_ =	shalt  }
0x4e: {  	_ =	shalt  }
0x4f: {  	_ =	shalt  }
0x50: {  	_ =	shalt  }
0x51: {  	_ =	shalt  }
0x52: {  	_ =	shalt  }
0x53: {  	_ =	shalt  }
0x54: {  	_ =	shalt  }
0x55: {  	_ =	shalt  }
0x56: {  	_ =	shalt  }
0x57: {  	_ =	shalt  }
0x58: {  	_ =	shalt  }
0x59: {  	_ =	shalt  }
0x5a: {  	_ =	shalt  }
0x5b: {  	_ =	shalt  }
0x5c: {  	_ =	shalt  }
0x5d: {  	_ =	shalt  }
0x5e: {  	_ =	shalt  }
0x5f: {  	_ =	shalt  }
0x60: {  	_ =	shalt  }
0x61: {  	_ =	shalt  }
0x62: {  	_ =	shalt  }
0x63: {  	_ =	shalt  }
0x64: {  	_ =	shalt  }
0x65: {  	_ =	shalt  }
0x66: {  	_ =	shalt  }
0x67: {  	_ =	shalt  }
0x68: {  	_ =	shalt  }
0x69: {  	_ =	shalt  }
0x6a: {  	_ =	shalt  }
0x6b: {  	_ =	shalt  }
0x6c: {  	_ =	shalt  }
0x6d: {  	_ =	shalt  }
0x6e: {  	_ =	shalt  }
0x6f: {  	_ =	shalt  }
0x70: {  	_ =	shalt  }
0x71: {  	_ =	shalt  }
0x72: {  	_ =	shalt  }
0x73: {  	_ =	shalt  }
0x74: {  	_ =	shalt  }
0x75: {  	_ =	shalt  }
0x76: {  	_ =	shalt  }
0x77: {  	_ =	shalt  }
0x78: {  	_ =	shalt  }
0x79: {  	_ =	shalt  }
0x7a: {  	_ =	shalt  }
0x7b: {  	_ =	shalt  }
0x7c: {  	_ =	shalt  }
0x7d: {  	_ =	shalt  }
0x7e: {  	_ =	shalt  }
0x7f: {  	_ =	shalt  }
0x80: {  	_ =	shalt  }
0x81: {  	_ =	shalt  }
0x82: {  	_ =	shalt  }
0x83: {  	_ =	shalt  }
0x84: {  	_ =	shalt  }
0x85: {  	_ =	shalt  }
0x86: {  	_ =	shalt  }
0x87: {  	_ =	shalt  }
.Lfunc_end0:
.L_simem_size_0:
called_computation.3_lowered:
.L_overlay_start_0:
0x88: {  	s2 =	sld [smem:$0x3FD9]  }
0x89: {  	s3 =	sld [smem:$0x3FFE];
	_ =	sdelay $0x1  }
0x8a: {  	s1 =	srdreg.scid  }
0x8b: {  	s0 =	sand.u32 $0x1, s1  }
0x8c: {  	s16 =	sshll.u32 s0, $0xA;
	s2 =	sadd.s32 s3, s2  }
0x8d: {  	s2 =	sadd.s32 s2, s16  }
0x8e: {  	[smem:$0x3FBB] =	sst s2  }
0x8f: {  	_ = 	snop  }
0x90: {  	(tm) =	ssettm $0x1  }
0x91: {  	s17 =	sld [smem:$0x3FFB];
	_ =	sdelay $0x3  }
0x92: {  	_ =	strace s17  }
0x93: {  	s2 =	sld [smem:$0x3FFC];
	_ =	sdelay $0x3  }
0x94: {  	_ =	strace s2  }
0x95: {  	s2 =	sld [smem:$0x3FFD];
	_ =	sdelay $0x3  }
0x96: {  	_ =	strace s2  }
0x97: {  	_ =	strace $0x8FFFFFFF  }
0x98: {  	s18 =	sld [smem:$0x3FDB];
	_ =	sdelay $0x1  }
0x99: {  	s19 =	simm.s32 $_scs_section_size  }
0x9a: {  	s4 =	simm.s32 $_size__tile_overlayer_lowered;
	s5 =	simm.s32 $_tile_overlayer_lowered  }
0x9b: {  	s22 =	simm.s32 $0x1BFF;
	s21 =	sshll.u32 s5, $0x1;
	s2 =	sadd.s32 s19, s18  }
0x9c: {  	s6 =	simm.s32 $0x0;
	s20 =	sshll.u32 s4, $0x1;
	s4 =	sadd.s32 s21, s2  }
0x9d: {  	[timem:s6], [sflag:s22] =	dma.local [hbm:s4], s20  }
0x9e: {  	_ =	swait.ge [sflag:s22], s20  }
0x9f: {  	s3 =	ssub.s32 $0x0, s20;
	[sflag:s22] =	ssyncset.done $0x0  }
0xa0: {  	[sflag:s22] =	ssyncadd.s32 s3;
	_ =	sdelay $0x1  }
0xa1: {  	s23 =	simm.s32 $0x1B8B  }
0xa2: {  	_ =	swait.ge [sflag:s23], $0x1  }
0xa3: {  	[sflag:s23] =	ssyncset.done $0x0  }
0xa4: {  	s25 =	simm.s32 $0x1B8E;
	s24 =	sld [smem:$0x3FFE];
	[sflag:s23] =	ssyncadd.s32 $0xFFFFFFFF  }
0xa5: {  	s26 =	simm.s32 $execute0_lowered;
	[smem:$0x3FD2] =	sst s25  }
0xa6: {  	s4 =	sshll.u32 s26, $0x1;
	_ =	strace $0x8000004F;
	[dreg:$0x1] =	wrdreg $0xFFFFFFFF  }
0xa7: {  	s28 =	simm.s32 $_size_execute0_lowered;
	s2 =	sadd.s32 s2, s4;
	[dreg:$0x0] =	wrdreg $0x0  }
0xa8: {  	s4 =	sshll.u32 s28, $0x1;
	[dreg:$0x2] =	wrdreg s2  }
0xa9: {  	[dreg:$0x3] =	wrdreg s4  }
0xaa: {  	[dreg:$0x4] =	wrdreg $0xC0  }
0xab: {  	_ =	task [dreg:s6], $0x5FFFF  }
0xac: {  	[dreg:$0x1] =	wrdreg $0xFFFFFFFF  }
0xad: {  	[dreg:$0x0] =	wrdreg $0x60  }
0xae: {  	[dreg:$0x2] =	wrdreg s24  }
0xaf: {  	[dreg:$0x3] =	wrdreg $0xA9000  }
0xb0: {  	[dreg:$0x4] =	wrdreg $0x9  }
0xb1: {  	_ =	task.clear_ibuf [dreg:s6], $0x5FFFF;
	_ =	strace $0x9000004F  }
0xb2: {  	s29 =	simm.s32 $0x9;
	_ =	strace $0x80000051  }
0xb3: {  	_ =	swait.ge [sflag:s29], $0x1  }
0xb4: {  	[sflag:s29] =	ssyncadd.s32 $0xFFFFFFFF  }
0xb5: {  	_ =	strace $0x90000051  }
0xb6: {  	_ =	sfence  }
0xb7: {  	s30 =	sld [smem:$0x0];
	_ =	sdelay $0x2  }
0xb8: {  	s31 =	sshll.u32 s1, $0xD;
	s1 =	sshrl.u32 s1, $0x2  }
0xb9: {  	s3 =	sand.u32 $0x4000, s31;
	s1 =	sadd.s32 s1, s30  }
0xba: {  	s0 =	sor.u32 s3, s0;
	s1 =	sshll.u32 s1, $0x11  }
0xbb: {  	s0 =	sor.u32 s1, s0  }
0xbc: {  	s0 =	sadd.s32 $0x8F2B, s0  }
0xbd: {  	[sflag:s0] =	ssyncadd.remote.s32 $0x1  }
0xbe: {  	_ =	sfence.sel $0xFFFF  }
0xbf: {  	[dreg:$0x0] =	wrdreg $0xFFFFFFFF;
	(pc) =	sbr.abs _section_cstart, $3  }
0xc0: {  	[dreg:$0x1] =	wrdreg $0xFFFFFFFF  }
0xc1: {  	_ =	task.clear_ibuf [dreg:s6], $0x2FFFF;
	_ =	strace $0x9FFFFFFF  }
0xc2: {  	(tm) =	ssettm $0x7FFFFFFF  }
0xc3: {  	_ =	shalt  }
tec
execute0_lowered:
.L_overlay_start_1:
0x0: {  	(tag) =	ssettag $0x1  }
0x1: {  	s1 =	srdreg.scid;
	s6 =	rddreg [dreg:$0x0]  }
0x2: {  	s0 =	stileid.u32;
	s2 =	rddreg [dreg:$0x1]  }
0x3: {  	s3 =	simm.s32 $0x0;
	s14 =	simm.s32 $0x400;
	s15 =	simm.s32 $0x3  }
0x4: {  	s16 =	simm.s32 $0x2900;
	s17 =	simm.s32 $0x2800;
	s18 =	simm.s32 $0x6900  }
0x5: {  	s20 =	simm.s32 $0x2880;
	s21 =	simm.s32 $0x1;
	s22 =	simm.s32 $0x2  }
0x6: {  	s5 =	sand.u32 $0x1, s1;
	s25 =	sshll.u32 s0, $0x1;
	s9 =	smul.u32 $0x50000, s0  }
0x7: {  	s26 =	sshrl.u32 s0, $0x2;
	s1 =	rddreg [dreg:$0x2];
	s24 =	smul.u32 $0x2800, s0  }
0x8: {  	[smem:$0x7FF] =	sst s3;
	s4 =	sor.u32 s5, s25;
	s7 =	smul.u32 $0x14000, s26  }
0x9: {  	_ =	strace $0x80000050;
	s10 =	smul.u32 $0x28000, s5;
	s29 =	ssub.s32 $0x2, s5  }
0xa: {  	s25 =	sshll.u32 s0, $0x6;
	s8 =	sshll.u32 s4, $0x7;
	s28 =	smul.u32 $0x500, s4  }
0xb: {  	s4 =	sadd.s32 $0x54000, s6;
	s30 =	sshrl.u32 s9, $0x2;
	s31 =	sshrl.u32 s29, $0x1  }
0xc: {  	s8 =	sand.u32 $0x380, s8;
	s12 =	sadd.s32 s10, s6;
	s5 =	sadd.s32 s30, s2  }
0xd: {  	s13 =	ssub.s32 s29, s31;
	s7 =	sor.u32 s7, s8;
	s11 =	sadd.s32 s28, s6  }
0xe: {  	s8 =	sadd.s32 $0x8000, s5;
	s9 =	sadd.s32 $0xC000, s5;
	s10 =	sadd.s32 $0x10000, s5  }
0xf: {  	s23 =	sadd.s32 $0x7C000, s12;
	s12 =	smax.u32 s13, $0x1;
	s13 =	simm.s32 $0x80  }
0x10: {  	s7 =	sshrl.u32 s7, $0x3;
	s11 =	sadd.s32 $0x4000, s11;
	s23 =	sadd.s32 s24, s23  }
0x11: {  	s24 =	sor.u32 $0x1C03, s25;
	s25 =	simm.s32 $0x0;
	s7 =	sadd.s32 s7, s6  }
0x12: {  	v0 =	vimm.f32 $0.0e+00;
	s19 =	sadd.s32 $0x10, s11;
	s6 =	sadd.s32 $0x22000, s7;
	s7 =	sadd.s32 $0x4000, s5  }
.LBB2_1:
0x13: {  	[tilespmem:s3], [sflag:$0x3] =	stream.strided.gather [hbm4b:s6+s13], $0x2800, s14, s13, $0x38;
	[tilespmem:$0x1E900] =	vst v63  }
0x14: {  	_ =	swait.ge [sflag:s15], $0x2800  }
0x15: {  	[sflag:s15] =	ssyncset.done $0x0  }
0x16: {  	s26 =	simm.s32 $0x0;
	s28 =	simm.s32 $0x200;
	[sflag:s15] =	ssyncadd.s32 $0xFFFFD800  }
.LBB2_2:
0x17: {  	p0 =	sne.s32 s28, $0xFE00;
	[tilespmem:s26+$0x2970] =	vst v0  }
0x18: {  	[tilespmem:s26+$0x2900] =	vst v0  }
0x19: {  	[tilespmem:s26+$0x2910] =	vst v0  }
.Ltmp0:
0x1a: {  	[tilespmem:s26+$0x2920] =	vst v0;
	(pc) =	sbr.rel @p0 .LBB2_2-.Ltmp0, $4  }
0x1b: {  	[tilespmem:s26+$0x2930] =	vst v0  }
0x1c: {  	[tilespmem:s26+$0x2940] =	vst v0  }
0x1d: {  	[tilespmem:s26+$0x2950] =	vst v0  }
0x1e: {  	[tilespmem:s26+$0x2960] =	vst v0;
	s26 =	sshra.s32 s28, $0x2;
	s28 =	sadd.s32 $0x200, s28  }
0x1f: {  	[tilespmem:s26+$0x2970] =	vst v0  }
0x20: {  	[tilespmem:s26+$0x2900] =	vst v0  }
0x21: {  	[tilespmem:s26+$0x2910] =	vst v0  }
0x22: {  	[tilespmem:s26+$0x2920] =	vst v0  }
0x23: {  	[tilespmem:s26+$0x2930] =	vst v0  }
0x24: {  	[tilespmem:s26+$0x2940] =	vst v0  }
0x25: {  	[tilespmem:s26+$0x2950] =	vst v0  }
0x26: {  	[tilespmem:s26+$0x2960] =	vst v0  }
0x27: {  	[spmem:s5] =	stream.linear.scatter [tilespmem:s16], [sflag:$0x3], $0x4000, $0x38;
	[tilespmem:$0x1E900] =	vst v63  }
0x28: {  	_ =	swait.ge [sflag:s15], $0x4000  }
0x29: {  	[sflag:s15] =	ssyncset.done $0x0  }
0x2a: {  	[sflag:s15] =	ssyncadd.s32 $0xFFFFC000  }
0x2b: {  	[spmem:s7] =	stream.linear.scatter [tilespmem:s16], [sflag:$0x3], $0x4000, $0x38;
	[tilespmem:$0x1E900] =	vst v63  }
0x2c: {  	_ =	swait.ge [sflag:s15], $0x4000  }
0x2d: {  	[sflag:s15] =	ssyncset.done $0x0  }
0x2e: {  	[sflag:s15] =	ssyncadd.s32 $0xFFFFC000  }
0x2f: {  	[spmem:s8] =	stream.linear.scatter [tilespmem:s16], [sflag:$0x3], $0x4000, $0x38;
	[tilespmem:$0x1E900] =	vst v63  }
0x30: {  	_ =	swait.ge [sflag:s15], $0x4000  }
0x31: {  	[sflag:s15] =	ssyncset.done $0x0  }
0x32: {  	[sflag:s15] =	ssyncadd.s32 $0xFFFFC000  }
0x33: {  	[spmem:s9] =	stream.linear.scatter [tilespmem:s16], [sflag:$0x3], $0x4000, $0x38;
	[tilespmem:$0x1E900] =	vst v63  }
0x34: {  	_ =	swait.ge [sflag:s15], $0x4000  }
0x35: {  	[sflag:s15] =	ssyncset.done $0x0  }
0x36: {  	[sflag:s15] =	ssyncadd.s32 $0xFFFFC000  }
0x37: {  	[spmem:s10] =	stream.linear.scatter [tilespmem:s16], [sflag:$0x3], $0x4000, $0x38;
	[tilespmem:$0x1E900] =	vst v63  }
0x38: {  	_ =	swait.ge [sflag:s15], $0x4000  }
0x39: {  	[sflag:s15] =	ssyncset.done $0x0  }
0x3a: {  	[sflag:s15] =	ssyncadd.s32 $0xFFFFC000  }
0x3b: {  	[tilespmem:s16], [sflag:$0x1] =	stream.indirect.gather [hbm4b:s4+s13], $0x80, s3, s13, $0xb8;
	[tilespmem:$0x1E900] =	vst v63  }
0x3c: {  	_ = 	snop  }
0x3d: {  	[tilespmem:s17], [sflag:$0x1] =	stream.linear.gather [hbm4b:s11+s3], $0x80, $0x38;
	[tilespmem:$0x1E900] =	vst v63  }
0x3e: {  	_ = 	snop  }
0x3f: {  	[tilespmem:s18], [sflag:$0x2] =	stream.indirect.gather [hbm4b:s4+s13], $0x80, s13, s13, $0xb8;
	[tilespmem:$0x1E900] =	vst v63  }
0x40: {  	_ = 	snop  }
0x41: {  	[tilespmem:s20], [sflag:$0x2] =	stream.linear.gather [hbm4b:s19+s3], $0x80, $0x38;
	[tilespmem:$0x1E900] =	vst v63  }
0x42: {  	[bflag:$0x0] =	sbarrier.arrive $0xFFFF  }
0x43: {  	_ =	swait.ge [sflag:s21], $0x4000  }
0x44: {  	[sflag:s21] =	ssyncset.done $0x0  }
0x45: {  	[sflag:s21] =	ssyncadd.s32 $0xFFFFC000  }
0x46: {  	_ =	swait.ge [sflag:s21], $0x80  }
0x47: {  	[sflag:s21] =	ssyncset.done $0x0  }
0x48: {  	[sflag:s21] =	ssyncadd.s32 $0xFFFFFF80  }
0x49: {  	[spmem:s2] =	stream.indirect.scatter.add.f32 [tilespmem:s16], [sflag:$0x3], $0x80, s17, s13, $0xb8;
	[tilespmem:$0x1E900] =	vst v63  }
0x4a: {  	_ =	swait.ge [sflag:s15], $0x4000  }
0x4b: {  	[sflag:s15] =	ssyncset.done $0x0  }
0x4c: {  	s31 =	simm.s32 $0x100;
	s28 =	sadd.s32 $0xFFFFFB20, s11;
	[sflag:s15] =	ssyncadd.s32 $0xFFFFC000  }
0x4d: {  	[tilespmem:s16], [sflag:$0x1] =	stream.indirect.gather [hbm4b:s4+s13], $0x80, s31, s13, $0xb8;
	[tilespmem:$0x1E900] =	vst v63  }
0x4e: {  	s30 =	sadd.s32 $0x500, s28  }
0x4f: {  	[tilespmem:s17], [sflag:$0x1] =	stream.linear.gather [hbm4b:s30+s3], $0x80, $0x38;
	[tilespmem:$0x1E900] =	vst v63  }
0x50: {  	_ =	swait.ge [sflag:s22], $0x4000  }
0x51: {  	[sflag:s22] =	ssyncset.done $0x0  }
0x52: {  	[sflag:s22] =	ssyncadd.s32 $0xFFFFC000  }
0x53: {  	_ =	swait.ge [sflag:s22], $0x80  }
0x54: {  	[sflag:s22] =	ssyncset.done $0x0  }
0x55: {  	[sflag:s22] =	ssyncadd.s32 $0xFFFFFF80  }
0x56: {  	[spmem:s2] =	stream.indirect.scatter.add.f32 [tilespmem:s18], [sflag:$0x3], $0x80, s20, s13, $0xb8;
	[tilespmem:$0x1E900] =	vst v63  }
0x57: {  	_ =	swait.ge [sflag:s15], $0x4000  }
0x58: {  	s26 =	simm.s32 $0xFFFFFB40;
	s29 =	sadd.s32 $0x510, s28;
	[sflag:s15] =	ssyncset.done $0x0  }
0x59: {  	s28 =	simm.s32 $0x200;
	s31 =	simm.s32 $0x180;
	[sflag:s15] =	ssyncadd.s32 $0xFFFFC000  }
0x5a: {  	[tilespmem:s18], [sflag:$0x2] =	stream.indirect.gather [hbm4b:s4+s13], $0x80, s31, s13, $0xb8;
	[tilespmem:$0x1E900] =	vst v63  }
.LBB2_4:
0x5b: {  	[tilespmem:s20], [sflag:$0x2] =	stream.linear.gather [hbm4b:s29+s3], $0x80, $0x38;
	[tilespmem:$0x1E900] =	vst v63  }
0x5c: {  	s29 =	smov.u32 s26  }
0x5d: {  	p0 =	sne.s32 s26, $0xFFFFFFE0;
	s26 =	sadd.s32 $0x20, s26;
	_ =	swait.ge [sflag:s21], $0x4000  }
0x5e: {  	[sflag:s21] =	ssyncset.done $0x0  }
0x5f: {  	[sflag:s21] =	ssyncadd.s32 $0xFFFFC000  }
0x60: {  	_ =	swait.ge [sflag:s21], $0x80  }
0x61: {  	[sflag:s21] =	ssyncset.done $0x0  }
0x62: {  	[sflag:s21] =	ssyncadd.s32 $0xFFFFFF80  }
0x63: {  	[spmem:s2] =	stream.indirect.scatter.add.f32 [tilespmem:s16], [sflag:$0x3], $0x80, s17, s13, $0xb8;
	[tilespmem:$0x1E900] =	vst v63  }
0x64: {  	_ =	swait.ge [sflag:s15], $0x4000  }
0x65: {  	[sflag:s15] =	ssyncset.done $0x0  }
0x66: {  	s29 =	sadd.s32 s29, s11;
	[sflag:s15] =	ssyncadd.s32 $0xFFFFC000  }
0x67: {  	[tilespmem:s16], [sflag:$0x1] =	stream.indirect.gather [hbm4b:s4+s13], $0x80, s28, s13, $0xb8;
	[tilespmem:$0x1E900] =	vst v63  }
0x68: {  	s30 =	sadd.s32 $0x500, s29  }
0x69: {  	[tilespmem:s17], [sflag:$0x1] =	stream.linear.gather [hbm4b:s30+s3], $0x80, $0x38;
	[tilespmem:$0x1E900] =	vst v63  }
0x6a: {  	_ =	swait.ge [sflag:s22], $0x4000  }
0x6b: {  	[sflag:s22] =	ssyncset.done $0x0  }
0x6c: {  	[sflag:s22] =	ssyncadd.s32 $0xFFFFC000  }
0x6d: {  	_ =	swait.ge [sflag:s22], $0x80  }
0x6e: {  	[sflag:s22] =	ssyncset.done $0x0  }
0x6f: {  	[sflag:s22] =	ssyncadd.s32 $0xFFFFFF80  }
0x70: {  	[spmem:s2] =	stream.indirect.scatter.add.f32 [tilespmem:s18], [sflag:$0x3], $0x80, s20, s13, $0xb8;
	[tilespmem:$0x1E900] =	vst v63  }
.Ltmp1:
0x71: {  	_ =	swait.ge [sflag:s15], $0x4000;
	(pc) =	sbr.rel @p0 .LBB2_4-.Ltmp1, $4  }
0x72: {  	[sflag:s15] =	ssyncset.done $0x0  }
0x73: {  	s30 =	sadd.s32 $0x80, s28;
	[sflag:s15] =	ssyncadd.s32 $0xFFFFC000  }
0x74: {  	[tilespmem:s18], [sflag:$0x2] =	stream.indirect.gather [hbm4b:s4+s13], $0x80, s30, s13, $0xb8;
	[tilespmem:$0x1E900] =	vst v63  }
0x75: {  	s29 =	sadd.s32 $0x510, s29;
	s28 =	sadd.s32 $0x100, s28  }
0x76: {  	[tilespmem:s20], [sflag:$0x2] =	stream.linear.gather [hbm4b:s29+s3], $0x80, $0x38;
	[tilespmem:$0x1E900] =	vst v63  }
0x77: {  	_ =	swait.ge [sflag:s21], $0x4000  }
0x78: {  	[sflag:s21] =	ssyncset.done $0x0  }
0x79: {  	[sflag:s21] =	ssyncadd.s32 $0xFFFFC000  }
0x7a: {  	_ =	swait.ge [sflag:s21], $0x80  }
0x7b: {  	[sflag:s21] =	ssyncset.done $0x0  }
0x7c: {  	[sflag:s21] =	ssyncadd.s32 $0xFFFFFF80  }
0x7d: {  	[spmem:s2] =	stream.indirect.scatter.add.f32 [tilespmem:s16], [sflag:$0x3], $0x80, s17, s13, $0xb8;
	[tilespmem:$0x1E900] =	vst v63  }
0x7e: {  	_ =	swait.ge [sflag:s15], $0x4000  }
0x7f: {  	[sflag:s15] =	ssyncset.done $0x0  }
0x80: {  	[sflag:s15] =	ssyncadd.s32 $0xFFFFC000  }
0x81: {  	_ =	swait.ge [sflag:s22], $0x4000  }
0x82: {  	[sflag:s22] =	ssyncset.done $0x0  }
0x83: {  	[sflag:s22] =	ssyncadd.s32 $0xFFFFC000  }
0x84: {  	_ =	swait.ge [sflag:s22], $0x80  }
0x85: {  	[sflag:s22] =	ssyncset.done $0x0  }
0x86: {  	[sflag:s22] =	ssyncadd.s32 $0xFFFFFF80  }
0x87: {  	[spmem:s2] =	stream.indirect.scatter.add.f32 [tilespmem:s18], [sflag:$0x3], $0x80, s20, s13, $0xb8;
	[tilespmem:$0x1E900] =	vst v63  }
0x88: {  	_ =	swait.ge [sflag:s15], $0x4000  }
0x89: {  	s25 =	sadd.s32 $0x1, s25;
	[sflag:s15] =	ssyncset.done $0x0  }
0x8a: {  	p0 =	sne.s32 s25, s12;
	[sflag:s15] =	ssyncadd.s32 $0xFFFFC000  }
.Ltmp2:
0x8b: {  	s26 =	sshrl.u32 s5, $0x3;
	[bflag:$0x0] =	sbarrier.arrive $0xFFFF;
	(pc) =	sbr.rel @p0 .LBB2_1-.Ltmp2, $4  }
0x8c: {  	[hbm:s23], [sflag:s24] =	dma.local [spmem:s26], $0x2800  }
0x8d: {  	_ =	swait.ge [sflag:s15], $0x2800  }
0x8e: {  	[sflag:s15] =	ssyncset.done $0x0  }
0x8f: {  	[sflag:s15] =	ssyncadd.s32 $0xFFFFD800  }
0x90: {  	_ =	sfence.sel $0x180000  }
0x91: {  	[bflag:$0x0] =	sbarrier.arrive $0xFFFF  }
0x92: {  	p0 =	sne.s32 s0, $0x0;
	_ =	strace $0x90000050  }
0x93: {  	s0 =	sadd.s32 @!p0 $0x100000, s1;
	[bflag:$0x2] =	sbarrier.arrive $0xFFFF  }
0x94: {  	[sflag:s0] =	ssyncadd.tile.s32 @!p0 $0x1;
	_ =	shalt  }
.Lfunc_end2:
_tile_overlayer_lowered:
.L_overlay_start_2:
0x95: {  	(tag) =	ssettag $0x2  }
0x96: {  	s0 =	rddreg [dreg:$0x0];
	s2 =	stileid.u32  }
0x97: {  	s1 =	rddreg [dreg:$0x1];
	p0 =	sne.s32 s2, $0x0  }
0x98: {  	s3 =	rddreg [dreg:$0x2];
	[bflag:$0x3] =	sbarrier.arrive $0xFFFF;
	s2 =	simm.s32 @!p0 $0x1C03  }
0x99: {  	[timem:s3], [sflag:s2] =	dma.local @!p0 [hbm:s0], s1  }
0x9a: {  	s0 =	simm.s32 @!p0 $0x3  }
0x9b: {  	_ =	swait.ge @!p0 [sflag:s0], s1  }
0x9c: {  	s1 =	ssub.s32 @!p0 $0x0, s1;
	[sflag:s0] =	ssyncset.done @!p0 $0x0  }
0x9d: {  	[sflag:s0] =	ssyncadd.s32 @!p0 s1  }
0x9e: {  	[bflag:$0x3] =	sbarrier.arrive $0xFFFF  }
0x9f: {  	_ =	shalt  }

</sc_bundles>
